<compile_context>
chip_gen: v7x
topology: tpu7x:2x2x1
jax: 0.10.2.dev20260603
libtpu: 0.0.44.dev20260713+nightly
codegen_flags: <defaults>
</compile_context>

<pallas_src>
import functools

import jax
import jax.numpy as jnp
from jax import lax
from jax.experimental import pallas as pl
from jax.experimental.pallas import tpu as pltpu
from jax.experimental.pallas import tpu_sc as plsc

VOCAB = 100000
D = 512
B = 1024
L = 50

_NC = 2
_NS = 16
_NW = _NC * _NS

_N_ROWS = B * L
_N_OUT = B * (L + 1)
_ROWS_PER_W = _N_ROWS // _NW
_IMG_PER_W = B // _NW
_CHUNK = 80
_N_CHUNKS = _ROWS_PER_W // _CHUNK


def _sc_gather_concat(table, ids, img2d):
    mesh = plsc.VectorSubcoreMesh(core_axis_name="c", subcore_axis_name="s")

    @functools.partial(
        pl.kernel,
        mesh=mesh,
        out_type=jax.ShapeDtypeStruct((_N_OUT, D), jnp.float32),
        scratch_types=[
            pltpu.VMEM((_ROWS_PER_W,), jnp.int32),
            pltpu.VMEM((3, _CHUNK, D), jnp.float32),
            pltpu.SemaphoreType.DMA,
            pltpu.SemaphoreType.DMA,
            pltpu.SemaphoreType.DMA,
            pltpu.SemaphoreType.DMA,
            pltpu.SemaphoreType.DMA,
            pltpu.SemaphoreType.DMA,
        ],
    )
    def gather_kernel(table_hbm, ids_hbm, img_hbm, out_hbm, idx_v, rows_v,
                      g0, g1, g2, p0, p1, p2):
        wid = lax.axis_index("s") * _NC + lax.axis_index("c")
        base = wid * _ROWS_PER_W
        gsem = (g0, g1, g2)
        psem = (p0, p1, p2)
        pltpu.sync_copy(ids_hbm.at[pl.ds(base, _ROWS_PER_W)], idx_v)
        pltpu.sync_copy(img_hbm.at[pl.ds(wid * _IMG_PER_W, _IMG_PER_W)],
                        rows_v.at[0, pl.ds(0, _IMG_PER_W)])
        pltpu.sync_copy(rows_v.at[0, pl.ds(0, _IMG_PER_W)],
                        out_hbm.at[pl.ds(_N_ROWS + wid * _IMG_PER_W,
                                         _IMG_PER_W)])

        def gather(c, buf):
            return pltpu.async_copy(
                table_hbm.at[idx_v.at[pl.ds(c * _CHUNK, _CHUNK)]],
                rows_v.at[buf], gsem[buf])

        gaths = [None, None, None]
        puts = [None, None, None]
        gaths[0] = gather(0, 0)
        if _N_CHUNKS > 1:
            gaths[1] = gather(1, 1)
        for c in range(_N_CHUNKS):
            b = c % 3
            if c + 2 < _N_CHUNKS:
                nb = (c + 2) % 3
                if puts[nb] is not None:
                    puts[nb].wait()
                    puts[nb] = None
                gaths[nb] = gather(c + 2, nb)
            gaths[b].wait()
            gaths[b] = None
            puts[b] = pltpu.async_copy(
                rows_v.at[b],
                out_hbm.at[pl.ds(base + c * _CHUNK, _CHUNK)],
                psem[b])
        for p in puts:
            if p is not None:
                p.wait()

    return gather_kernel(table, ids, img2d)


_RB = 3072
_N_TC = _N_OUT // _RB


def _tc_matmul(rows2d, W1):

    def body(e_ref, w_ref, o_ref):
        r = pl.program_id(0)

        @pl.when(r < _N_TC - 1)
        def _():
            o_ref[...] = jnp.dot(e_ref[...], w_ref[...],
                                 preferred_element_type=jnp.float32)

        @pl.when(r == _N_TC - 1)
        def _():
            split = _N_ROWS - (_N_TC - 1) * _RB
            o_ref[:split, :] = jnp.dot(e_ref[:split, :], w_ref[...],
                                       preferred_element_type=jnp.float32)
            o_ref[split:, :] = e_ref[split:, :]

    return pl.pallas_call(
        body,
        grid=(_N_TC,),
        in_specs=[
            pl.BlockSpec((_RB, D), lambda r: (r, 0)),
            pl.BlockSpec((D, D), lambda r: (0, 0)),
        ],
        out_specs=pl.BlockSpec((_RB, D), lambda r: (r, 0)),
        out_shape=jax.ShapeDtypeStruct((_N_OUT, D), jnp.float32),
    )(rows2d, W1)


def kernel(caption_tknID, img_fc, table0, W1):
    ids = caption_tknID.astype(jnp.int32).T.reshape(_N_ROWS)
    img2d = img_fc.reshape(B, D)
    rows = _sc_gather_concat(table0, ids, img2d)
    out2d = _tc_matmul(rows, W1)
    return out2d.reshape(L + 1, B, D).transpose(1, 0, 2)

# --- scband reference (transcript-rebuilt; emitter-appended) ---
"""Pipeline reference for scband-conv-captioning-67456756351036 (READ-ONLY COPY).

The authoritative reference and input builder live on the scoring server;
editing this copy changes nothing except your own understanding.
"""

import jax, jax.numpy as jnp
import numpy as np

VOCAB = 100000
D = 512
B = 1024
L = 50


def setup_inputs(seed: int = 0) -> dict:
    key = jax.random.key(seed)
    k1, k2, k3, k4 = jax.random.split(key, 4)
    caption_tknID = jax.random.randint(k1, (B, L), 0, VOCAB)
    img_fc = jax.random.normal(k2, (B, 1, D), dtype=jnp.float32)
    # learned parameters
    table0 = jax.random.normal(k3, (VOCAB, D), dtype=jnp.float32) * 0.02
    W1 = jax.random.normal(k4, (D, D), dtype=jnp.float32) * 0.02
    return {"caption_tknID": caption_tknID, "img_fc": img_fc, "table0": table0, "W1": W1}


def reference(caption_tknID, img_fc, table0, W1):
    # word_embedding0: embedding lookup (gather) -> [B, L, D]
    word_embed = jnp.take(table0, caption_tknID, axis=0)
    # word_embedding1 applied to dense float activations: realized as the 512x512
    # weight matrix acting linearly on the embedded vectors
    word_embed = word_embed @ W1
    # concat image feature along the sequence dimension (dim 1)
    input_embed = jnp.concatenate([word_embed, img_fc], axis=1)
    return input_embed

if __name__ == "__main__":
    import jax
    _d = setup_inputs()
    print(jax.jit(kernel)(*tuple(_d.values())))

</pallas_src>

<mosaic_0001>
#map = affine_map<(d0, d1) -> (0, 0)>
#map1 = affine_map<(d0, d1) -> (0)>
module attributes {stable_mosaic.version = 14 : i64} {
  func.func @gather_kernel(%arg0: i32, %arg1: i32, %arg2: memref<100000x512xf32, #tpu.memory_space<hbm>>, %arg3: memref<51200xi32, #tpu.memory_space<hbm>>, %arg4: memref<1024x512xf32, #tpu.memory_space<hbm>>, %arg5: memref<52224x512xf32, #tpu.memory_space<hbm>>, %arg6: memref<1600xi32, #tpu.memory_space<vmem>>, %arg7: memref<3x80x512xf32, #tpu.memory_space<vmem>>, %arg8: memref<!tpu.dma_semaphore, #tpu.memory_space<semaphore_mem>>, %arg9: memref<!tpu.dma_semaphore, #tpu.memory_space<semaphore_mem>>, %arg10: memref<!tpu.dma_semaphore, #tpu.memory_space<semaphore_mem>>, %arg11: memref<!tpu.dma_semaphore, #tpu.memory_space<semaphore_mem>>, %arg12: memref<!tpu.dma_semaphore, #tpu.memory_space<semaphore_mem>>, %arg13: memref<!tpu.dma_semaphore, #tpu.memory_space<semaphore_mem>>) attributes {dimension_semantics = [#tpu.dimension_semantics<core_parallel>, #tpu.dimension_semantics<subcore_parallel>], iteration_bounds = array<i64: 2, 16>, scalar_prefetch = 0 : i64, scratch_operands = 8 : i64, tpu.core_type = #tpu.core_type<sc_vector_subcore>, window_params = [{transform_indices = #map}, {transform_indices = #map1}, {transform_indices = #map}, {transform_indices = #map}]} {
    %mul3A = arith.constant 2 : i32
    %mul3A_0 = arith.muli %arg1, %mul3A : i32
    %add3A = arith.addi %mul3A_0, %arg0 : i32
    %mul3A_1 = arith.constant 1600 : i32
    %mul3A_2 = arith.muli %add3A, %mul3A_1 : i32
    "tpu.region"() ({
      %run_scoped3A_968 = tpu.sem_alloc : memref<!tpu.dma_semaphore, #tpu.memory_space<semaphore_mem>>
      %dma_start3A_969 = tpu.memref_slice %arg3[%mul3A_2] : memref<51200xi32, #tpu.memory_space<hbm>> -> memref<1600xi32, #tpu.memory_space<hbm>>
      %dma_start3A_970 = tpu.memref_slice %arg3[%mul3A_2] : memref<51200xi32, #tpu.memory_space<hbm>> -> memref<1600xi32, #tpu.memory_space<hbm>>
      tpu.enqueue_dma source(%dma_start3A_970 : memref<1600xi32, #tpu.memory_space<hbm>>) target(%arg6 : memref<1600xi32, #tpu.memory_space<vmem>>) target_semaphore(%run_scoped3A_968 : memref<!tpu.dma_semaphore, #tpu.memory_space<semaphore_mem>>)
      %dma_wait3A_971 = tpu.memref_slice %arg3[%mul3A_2] : memref<51200xi32, #tpu.memory_space<hbm>> -> memref<1600xi32, #tpu.memory_space<hbm>>
      %dma_wait3A_972 = tpu.memref_slice %arg3[%mul3A_2] : memref<51200xi32, #tpu.memory_space<hbm>> -> memref<1600xi32, #tpu.memory_space<hbm>>
      tpu.wait_dma2 semaphore(%run_scoped3A_968 : memref<!tpu.dma_semaphore, #tpu.memory_space<semaphore_mem>>) src(%dma_wait3A_972 : memref<1600xi32, #tpu.memory_space<hbm>>) dst(%arg6 : memref<1600xi32, #tpu.memory_space<vmem>>)
      tpu.yield
    }) : () -> ()
    %mul3A_3 = arith.constant 32 : i32
    %mul3A_4 = arith.muli %add3A, %mul3A_3 : i32
    %run_scoped3A = arith.constant 0 : i32
    "tpu.region"() ({
      %run_scoped3A_968 = tpu.sem_alloc : memref<!tpu.dma_semaphore, #tpu.memory_space<semaphore_mem>>
      %dma_start3A_969 = arith.constant 0 : i32
      %dma_start3A_970 = arith.constant 0 : i32
      %dma_start3A_971 = tpu.memref_slice %arg7[%run_scoped3A, %dma_start3A_969, %dma_start3A_970] : memref<3x80x512xf32, #tpu.memory_space<vmem>> -> memref<1x32x512xf32, #tpu.memory_space<vmem>>
      %dma_start3A_972 = tpu.memref_squeeze %dma_start3A_971 : memref<1x32x512xf32, #tpu.memory_space<vmem>> -> memref<32x512xf32, #tpu.memory_space<vmem>>
      %dma_start3A_973 = arith.constant 0 : i32
      %dma_start3A_974 = tpu.memref_slice %arg4[%mul3A_4, %dma_start3A_973] : memref<1024x512xf32, #tpu.memory_space<hbm>> -> memref<32x512xf32, #tpu.memory_space<hbm>>
      %dma_start3A_975 = arith.constant 0 : i32
      %dma_start3A_976 = arith.constant 0 : i32
      %dma_start3A_977 = tpu.memref_slice %arg7[%run_scoped3A, %dma_start3A_975, %dma_start3A_976] : memref<3x80x512xf32, #tpu.memory_space<vmem>> -> memref<1x32x512xf32, #tpu.memory_space<vmem>>
      %dma_start3A_978 = tpu.memref_squeeze %dma_start3A_977 : memref<1x32x512xf32, #tpu.memory_space<vmem>> -> memref<32x512xf32, #tpu.memory_space<vmem>>
      %dma_start3A_979 = arith.constant 0 : i32
      %dma_start3A_980 = tpu.memref_slice %arg4[%mul3A_4, %dma_start3A_979] : memref<1024x512xf32, #tpu.memory_space<hbm>> -> memref<32x512xf32, #tpu.memory_space<hbm>>
      tpu.enqueue_dma source(%dma_start3A_980 : memref<32x512xf32, #tpu.memory_space<hbm>>) target(%dma_start3A_978 : memref<32x512xf32, #tpu.memory_space<vmem>>) target_semaphore(%run_scoped3A_968 : memref<!tpu.dma_semaphore, #tpu.memory_space<semaphore_mem>>)
      %dma_wait3A_981 = arith.constant 0 : i32
      %dma_wait3A_982 = arith.constant 0 : i32
      %dma_wait3A_983 = tpu.memref_slice %arg7[%run_scoped3A, %dma_wait3A_981, %dma_wait3A_982] : memref<3x80x512xf32, #tpu.memory_space<vmem>> -> memref<1x32x512xf32, #tpu.memory_space<vmem>>
      %dma_wait3A_984 = tpu.memref_squeeze %dma_wait3A_983 : memref<1x32x512xf32, #tpu.memory_space<vmem>> -> memref<32x512xf32, #tpu.memory_space<vmem>>
      %dma_wait3A_985 = arith.constant 0 : i32
      %dma_wait3A_986 = tpu.memref_slice %arg4[%mul3A_4, %dma_wait3A_985] : memref<1024x512xf32, #tpu.memory_space<hbm>> -> memref<32x512xf32, #tpu.memory_space<hbm>>
      %dma_wait3A_987 = arith.constant 0 : i32
      %dma_wait3A_988 = arith.constant 0 : i32
      %dma_wait3A_989 = tpu.memref_slice %arg7[%run_scoped3A, %dma_wait3A_987, %dma_wait3A_988] : memref<3x80x512xf32, #tpu.memory_space<vmem>> -> memref<1x32x512xf32, #tpu.memory_space<vmem>>
      %dma_wait3A_990 = tpu.memref_squeeze %dma_wait3A_989 : memref<1x32x512xf32, #tpu.memory_space<vmem>> -> memref<32x512xf32, #tpu.memory_space<vmem>>
      %dma_wait3A_991 = arith.constant 0 : i32
      %dma_wait3A_992 = tpu.memref_slice %arg4[%mul3A_4, %dma_wait3A_991] : memref<1024x512xf32, #tpu.memory_space<hbm>> -> memref<32x512xf32, #tpu.memory_space<hbm>>
      tpu.wait_dma2 semaphore(%run_scoped3A_968 : memref<!tpu.dma_semaphore, #tpu.memory_space<semaphore_mem>>) src(%dma_wait3A_992 : memref<32x512xf32, #tpu.memory_space<hbm>>) dst(%dma_wait3A_990 : memref<32x512xf32, #tpu.memory_space<vmem>>)
      tpu.yield
    }) : () -> ()
    %mul3A_5 = arith.constant 32 : i32
    %mul3A_6 = arith.muli %add3A, %mul3A_5 : i32
    %add3A_7 = arith.constant 51200 : i32
    %add3A_8 = arith.addi %add3A_7, %mul3A_6 : i32
    %run_scoped3A_9 = arith.constant 0 : i32
    "tpu.region"() ({
      %run_scoped3A_968 = tpu.sem_alloc : memref<!tpu.dma_semaphore, #tpu.memory_space<semaphore_mem>>
      %dma_start3A_969 = arith.constant 0 : i32
      %dma_start3A_970 = arith.constant 0 : i32
      %dma_start3A_971 = tpu.memref_slice %arg7[%run_scoped3A_9, %dma_start3A_969, %dma_start3A_970] : memref<3x80x512xf32, #tpu.memory_space<vmem>> -> memref<1x32x512xf32, #tpu.memory_space<vmem>>
      %dma_start3A_972 = tpu.memref_squeeze %dma_start3A_971 : memref<1x32x512xf32, #tpu.memory_space<vmem>> -> memref<32x512xf32, #tpu.memory_space<vmem>>
      %dma_start3A_973 = arith.constant 0 : i32
      %dma_start3A_974 = tpu.memref_slice %arg5[%add3A_8, %dma_start3A_973] : memref<52224x512xf32, #tpu.memory_space<hbm>> -> memref<32x512xf32, #tpu.memory_space<hbm>>
      %dma_start3A_975 = arith.constant 0 : i32
      %dma_start3A_976 = tpu.memref_slice %arg5[%add3A_8, %dma_start3A_975] : memref<52224x512xf32, #tpu.memory_space<hbm>> -> memref<32x512xf32, #tpu.memory_space<hbm>>
      %dma_start3A_977 = arith.constant 0 : i32
      %dma_start3A_978 = arith.constant 0 : i32
      %dma_start3A_979 = tpu.memref_slice %arg7[%run_scoped3A_9, %dma_start3A_977, %dma_start3A_978] : memref<3x80x512xf32, #tpu.memory_space<vmem>> -> memref<1x32x512xf32, #tpu.memory_space<vmem>>
      %dma_start3A_980 = tpu.memref_squeeze %dma_start3A_979 : memref<1x32x512xf32, #tpu.memory_space<vmem>> -> memref<32x512xf32, #tpu.memory_space<vmem>>
      tpu.enqueue_dma source(%dma_start3A_980 : memref<32x512xf32, #tpu.memory_space<vmem>>) target(%dma_start3A_976 : memref<32x512xf32, #tpu.memory_space<hbm>>) target_semaphore(%run_scoped3A_968 : memref<!tpu.dma_semaphore, #tpu.memory_space<semaphore_mem>>)
      %dma_wait3A_981 = arith.constant 0 : i32
      %dma_wait3A_982 = arith.constant 0 : i32
      %dma_wait3A_983 = tpu.memref_slice %arg7[%run_scoped3A_9, %dma_wait3A_981, %dma_wait3A_982] : memref<3x80x512xf32, #tpu.memory_space<vmem>> -> memref<1x32x512xf32, #tpu.memory_space<vmem>>
      %dma_wait3A_984 = tpu.memref_squeeze %dma_wait3A_983 : memref<1x32x512xf32, #tpu.memory_space<vmem>> -> memref<32x512xf32, #tpu.memory_space<vmem>>
      %dma_wait3A_985 = arith.constant 0 : i32
      %dma_wait3A_986 = tpu.memref_slice %arg5[%add3A_8, %dma_wait3A_985] : memref<52224x512xf32, #tpu.memory_space<hbm>> -> memref<32x512xf32, #tpu.memory_space<hbm>>
      %dma_wait3A_987 = arith.constant 0 : i32
      %dma_wait3A_988 = tpu.memref_slice %arg5[%add3A_8, %dma_wait3A_987] : memref<52224x512xf32, #tpu.memory_space<hbm>> -> memref<32x512xf32, #tpu.memory_space<hbm>>
      %dma_wait3A_989 = arith.constant 0 : i32
      %dma_wait3A_990 = arith.constant 0 : i32
      %dma_wait3A_991 = tpu.memref_slice %arg7[%run_scoped3A_9, %dma_wait3A_989, %dma_wait3A_990] : memref<3x80x512xf32, #tpu.memory_space<vmem>> -> memref<1x32x512xf32, #tpu.memory_space<vmem>>
      %dma_wait3A_992 = tpu.memref_squeeze %dma_wait3A_991 : memref<1x32x512xf32, #tpu.memory_space<vmem>> -> memref<32x512xf32, #tpu.memory_space<vmem>>
      tpu.wait_dma2 semaphore(%run_scoped3A_968 : memref<!tpu.dma_semaphore, #tpu.memory_space<semaphore_mem>>) src(%dma_wait3A_992 : memref<32x512xf32, #tpu.memory_space<vmem>>) dst(%dma_wait3A_988 : memref<32x512xf32, #tpu.memory_space<hbm>>)
      tpu.yield
    }) : () -> ()
    %dma_start3A = arith.constant 0 : i32
    %dma_start3A_10 = arith.constant 0 : i32
    %dma_start3A_11 = arith.constant 0 : i32
    %dma_start3A_12 = tpu.memref_slice %arg7[%dma_start3A, %dma_start3A_10, %dma_start3A_11] : memref<3x80x512xf32, #tpu.memory_space<vmem>> -> memref<1x80x512xf32, #tpu.memory_space<vmem>>
    %dma_start3A_13 = tpu.memref_squeeze %dma_start3A_12 : memref<1x80x512xf32, #tpu.memory_space<vmem>> -> memref<80x512xf32, #tpu.memory_space<vmem>>
    %dma_start3A_14 = arith.constant 0 : i32
    %dma_start3A_15 = tpu.memref_slice %arg6[%dma_start3A_14] : memref<1600xi32, #tpu.memory_space<vmem>> -> memref<80xi32, #tpu.memory_space<vmem>>
    %dma_start3A_16 = arith.constant 0 : i32
    %dma_start3A_17 = arith.constant 0 : i32
    %dma_start3A_18 = tpu.memref_slice %arg2[%dma_start3A_16, %dma_start3A_17] : memref<100000x512xf32, #tpu.memory_space<hbm>> -> memref<100000x512xf32, #tpu.memory_space<hbm>>
    tpu.enqueue_indirect_dma source(%dma_start3A_18 : memref<100000x512xf32, #tpu.memory_space<hbm>>) target(%dma_start3A_13 : memref<80x512xf32, #tpu.memory_space<vmem>>) offsets(%dma_start3A_15 : memref<80xi32, #tpu.memory_space<vmem>>) semaphore(%arg8 : memref<!tpu.dma_semaphore, #tpu.memory_space<semaphore_mem>>)
    %dma_start3A_19 = arith.constant 1 : i32
    %dma_start3A_20 = arith.constant 0 : i32
    %dma_start3A_21 = arith.constant 0 : i32
    %dma_start3A_22 = tpu.memref_slice %arg7[%dma_start3A_19, %dma_start3A_20, %dma_start3A_21] : memref<3x80x512xf32, #tpu.memory_space<vmem>> -> memref<1x80x512xf32, #tpu.memory_space<vmem>>
    %dma_start3A_23 = tpu.memref_squeeze %dma_start3A_22 : memref<1x80x512xf32, #tpu.memory_space<vmem>> -> memref<80x512xf32, #tpu.memory_space<vmem>>
    %dma_start3A_24 = arith.constant 80 : i32
    %dma_start3A_25 = tpu.memref_slice %arg6[%dma_start3A_24] : memref<1600xi32, #tpu.memory_space<vmem>> -> memref<80xi32, #tpu.memory_space<vmem>>
    %dma_start3A_26 = arith.constant 0 : i32
    %dma_start3A_27 = arith.constant 0 : i32
    %dma_start3A_28 = tpu.memref_slice %arg2[%dma_start3A_26, %dma_start3A_27] : memref<100000x512xf32, #tpu.memory_space<hbm>> -> memref<100000x512xf32, #tpu.memory_space<hbm>>
    tpu.enqueue_indirect_dma source(%dma_start3A_28 : memref<100000x512xf32, #tpu.memory_space<hbm>>) target(%dma_start3A_23 : memref<80x512xf32, #tpu.memory_space<vmem>>) offsets(%dma_start3A_25 : memref<80xi32, #tpu.memory_space<vmem>>) semaphore(%arg9 : memref<!tpu.dma_semaphore, #tpu.memory_space<semaphore_mem>>)
    %dma_start3A_29 = arith.constant 2 : i32
    %dma_start3A_30 = arith.constant 0 : i32
    %dma_start3A_31 = arith.constant 0 : i32
    %dma_start3A_32 = tpu.memref_slice %arg7[%dma_start3A_29, %dma_start3A_30, %dma_start3A_31] : memref<3x80x512xf32, #tpu.memory_space<vmem>> -> memref<1x80x512xf32, #tpu.memory_space<vmem>>
    %dma_start3A_33 = tpu.memref_squeeze %dma_start3A_32 : memref<1x80x512xf32, #tpu.memory_space<vmem>> -> memref<80x512xf32, #tpu.memory_space<vmem>>
    %dma_start3A_34 = arith.constant 160 : i32
    %dma_start3A_35 = tpu.memref_slice %arg6[%dma_start3A_34] : memref<1600xi32, #tpu.memory_space<vmem>> -> memref<80xi32, #tpu.memory_space<vmem>>
    %dma_start3A_36 = arith.constant 0 : i32
    %dma_start3A_37 = arith.constant 0 : i32
    %dma_start3A_38 = tpu.memref_slice %arg2[%dma_start3A_36, %dma_start3A_37] : memref<100000x512xf32, #tpu.memory_space<hbm>> -> memref<100000x512xf32, #tpu.memory_space<hbm>>
    tpu.enqueue_indirect_dma source(%dma_start3A_38 : memref<100000x512xf32, #tpu.memory_space<hbm>>) target(%dma_start3A_33 : memref<80x512xf32, #tpu.memory_space<vmem>>) offsets(%dma_start3A_35 : memref<80xi32, #tpu.memory_space<vmem>>) semaphore(%arg10 : memref<!tpu.dma_semaphore, #tpu.memory_space<semaphore_mem>>)
    %dma_wait3A = arith.constant 0 : i32
    %dma_wait3A_39 = arith.constant 0 : i32
    %dma_wait3A_40 = arith.constant 0 : i32
    %dma_wait3A_41 = tpu.memref_slice %arg7[%dma_wait3A, %dma_wait3A_39, %dma_wait3A_40] : memref<3x80x512xf32, #tpu.memory_space<vmem>> -> memref<1x80x512xf32, #tpu.memory_space<vmem>>
    %dma_wait3A_42 = tpu.memref_squeeze %dma_wait3A_41 : memref<1x80x512xf32, #tpu.memory_space<vmem>> -> memref<80x512xf32, #tpu.memory_space<vmem>>
    %dma_wait3A_43 = arith.constant 0 : i32
    %dma_wait3A_44 = tpu.memref_slice %arg6[%dma_wait3A_43] : memref<1600xi32, #tpu.memory_space<vmem>> -> memref<80xi32, #tpu.memory_space<vmem>>
    %dma_wait3A_45 = arith.constant 0 : i32
    %dma_wait3A_46 = arith.constant 0 : i32
    %dma_wait3A_47 = tpu.memref_slice %arg2[%dma_wait3A_45, %dma_wait3A_46] : memref<100000x512xf32, #tpu.memory_space<hbm>> -> memref<100000x512xf32, #tpu.memory_space<hbm>>
    tpu.wait_indirect_dma semaphore(%arg8 : memref<!tpu.dma_semaphore, #tpu.memory_space<semaphore_mem>>) src(%dma_wait3A_47 : memref<100000x512xf32, #tpu.memory_space<hbm>>) dst(%dma_wait3A_42 : memref<80x512xf32, #tpu.memory_space<vmem>>)
    %add3A_48 = arith.constant 0 : i32
    %add3A_49 = arith.addi %mul3A_2, %add3A_48 : i32
    %dma_start3A_50 = arith.constant 0 : i32
    %dma_start3A_51 = arith.constant 0 : i32
    %dma_start3A_52 = arith.constant 0 : i32
    %dma_start3A_53 = tpu.memref_slice %arg7[%dma_start3A_50, %dma_start3A_51, %dma_start3A_52] : memref<3x80x512xf32, #tpu.memory_space<vmem>> -> memref<1x80x512xf32, #tpu.memory_space<vmem>>
    %dma_start3A_54 = tpu.memref_squeeze %dma_start3A_53 : memref<1x80x512xf32, #tpu.memory_space<vmem>> -> memref<80x512xf32, #tpu.memory_space<vmem>>
    %dma_start3A_55 = arith.constant 0 : i32
    %dma_start3A_56 = tpu.memref_slice %arg5[%add3A_49, %dma_start3A_55] : memref<52224x512xf32, #tpu.memory_space<hbm>> -> memref<80x512xf32, #tpu.memory_space<hbm>>
    %dma_start3A_57 = arith.constant 0 : i32
    %dma_start3A_58 = tpu.memref_slice %arg5[%add3A_49, %dma_start3A_57] : memref<52224x512xf32, #tpu.memory_space<hbm>> -> memref<80x512xf32, #tpu.memory_space<hbm>>
    %dma_start3A_59 = arith.constant 0 : i32
    %dma_start3A_60 = arith.constant 0 : i32
    %dma_start3A_61 = tpu.memref_slice %arg7[%dma_start3A_50, %dma_start3A_59, %dma_start3A_60] : memref<3x80x512xf32, #tpu.memory_space<vmem>> -> memref<1x80x512xf32, #tpu.memory_space<vmem>>
    %dma_start3A_62 = tpu.memref_squeeze %dma_start3A_61 : memref<1x80x512xf32, #tpu.memory_space<vmem>> -> memref<80x512xf32, #tpu.memory_space<vmem>>
    tpu.enqueue_dma source(%dma_start3A_62 : memref<80x512xf32, #tpu.memory_space<vmem>>) target(%dma_start3A_58 : memref<80x512xf32, #tpu.memory_space<hbm>>) target_semaphore(%arg11 : memref<!tpu.dma_semaphore, #tpu.memory_space<semaphore_mem>>)
    %dma_wait3A_63 = arith.constant 0 : i32
    %dma_wait3A_64 = arith.constant 0 : i32
    %dma_wait3A_65 = arith.constant 0 : i32
    %dma_wait3A_66 = tpu.memref_slice %arg7[%dma_wait3A_63, %dma_wait3A_64, %dma_wait3A_65] : memref<3x80x512xf32, #tpu.memory_space<vmem>> -> memref<1x80x512xf32, #tpu.memory_space<vmem>>
    %dma_wait3A_67 = tpu.memref_squeeze %dma_wait3A_66 : memref<1x80x512xf32, #tpu.memory_space<vmem>> -> memref<80x512xf32, #tpu.memory_space<vmem>>
    %dma_wait3A_68 = arith.constant 0 : i32
    %dma_wait3A_69 = tpu.memref_slice %arg5[%add3A_49, %dma_wait3A_68] : memref<52224x512xf32, #tpu.memory_space<hbm>> -> memref<80x512xf32, #tpu.memory_space<hbm>>
    %dma_wait3A_70 = arith.constant 0 : i32
    %dma_wait3A_71 = tpu.memref_slice %arg5[%add3A_49, %dma_wait3A_70] : memref<52224x512xf32, #tpu.memory_space<hbm>> -> memref<80x512xf32, #tpu.memory_space<hbm>>
    %dma_wait3A_72 = arith.constant 0 : i32
    %dma_wait3A_73 = arith.constant 0 : i32
    %dma_wait3A_74 = tpu.memref_slice %arg7[%dma_wait3A_63, %dma_wait3A_72, %dma_wait3A_73] : memref<3x80x512xf32, #tpu.memory_space<vmem>> -> memref<1x80x512xf32, #tpu.memory_space<vmem>>
    %dma_wait3A_75 = tpu.memref_squeeze %dma_wait3A_74 : memref<1x80x512xf32, #tpu.memory_space<vmem>> -> memref<80x512xf32, #tpu.memory_space<vmem>>
    tpu.wait_dma2 semaphore(%arg11 : memref<!tpu.dma_semaphore, #tpu.memory_space<semaphore_mem>>) src(%dma_wait3A_75 : memref<80x512xf32, #tpu.memory_space<vmem>>) dst(%dma_wait3A_71 : memref<80x512xf32, #tpu.memory_space<hbm>>)
    %dma_start3A_76 = arith.constant 0 : i32
    %dma_start3A_77 = arith.constant 0 : i32
    %dma_start3A_78 = arith.constant 0 : i32
    %dma_start3A_79 = tpu.memref_slice %arg7[%dma_start3A_76, %dma_start3A_77, %dma_start3A_78] : memref<3x80x512xf32, #tpu.memory_space<vmem>> -> memref<1x80x512xf32, #tpu.memory_space<vmem>>
    %dma_start3A_80 = tpu.memref_squeeze %dma_start3A_79 : memref<1x80x512xf32, #tpu.memory_space<vmem>> -> memref<80x512xf32, #tpu.memory_space<vmem>>
    %dma_start3A_81 = arith.constant 240 : i32
    %dma_start3A_82 = tpu.memref_slice %arg6[%dma_start3A_81] : memref<1600xi32, #tpu.memory_space<vmem>> -> memref<80xi32, #tpu.memory_space<vmem>>
    %dma_start3A_83 = arith.constant 0 : i32
    %dma_start3A_84 = arith.constant 0 : i32
    %dma_start3A_85 = tpu.memref_slice %arg2[%dma_start3A_83, %dma_start3A_84] : memref<100000x512xf32, #tpu.memory_space<hbm>> -> memref<100000x512xf32, #tpu.memory_space<hbm>>
    tpu.enqueue_indirect_dma source(%dma_start3A_85 : memref<100000x512xf32, #tpu.memory_space<hbm>>) target(%dma_start3A_80 : memref<80x512xf32, #tpu.memory_space<vmem>>) offsets(%dma_start3A_82 : memref<80xi32, #tpu.memory_space<vmem>>) semaphore(%arg8 : memref<!tpu.dma_semaphore, #tpu.memory_space<semaphore_mem>>)
    %dma_wait3A_86 = arith.constant 1 : i32
    %dma_wait3A_87 = arith.constant 0 : i32
    %dma_wait3A_88 = arith.constant 0 : i32
    %dma_wait3A_89 = tpu.memref_slice %arg7[%dma_wait3A_86, %dma_wait3A_87, %dma_wait3A_88] : memref<3x80x512xf32, #tpu.memory_space<vmem>> -> memref<1x80x512xf32, #tpu.memory_space<vmem>>
    %dma_wait3A_90 = tpu.memref_squeeze %dma_wait3A_89 : memref<1x80x512xf32, #tpu.memory_space<vmem>> -> memref<80x512xf32, #tpu.memory_space<vmem>>
    %dma_wait3A_91 = arith.constant 80 : i32
    %dma_wait3A_92 = tpu.memref_slice %arg6[%dma_wait3A_91] : memref<1600xi32, #tpu.memory_space<vmem>> -> memref<80xi32, #tpu.memory_space<vmem>>
    %dma_wait3A_93 = arith.constant 0 : i32
    %dma_wait3A_94 = arith.constant 0 : i32
    %dma_wait3A_95 = tpu.memref_slice %arg2[%dma_wait3A_93, %dma_wait3A_94] : memref<100000x512xf32, #tpu.memory_space<hbm>> -> memref<100000x512xf32, #tpu.memory_space<hbm>>
    tpu.wait_indirect_dma semaphore(%arg9 : memref<!tpu.dma_semaphore, #tpu.memory_space<semaphore_mem>>) src(%dma_wait3A_95 : memref<100000x512xf32, #tpu.memory_space<hbm>>) dst(%dma_wait3A_90 : memref<80x512xf32, #tpu.memory_space<vmem>>)
    %add3A_96 = arith.constant 80 : i32
    %add3A_97 = arith.addi %mul3A_2, %add3A_96 : i32
    %dma_start3A_98 = arith.constant 1 : i32
    %dma_start3A_99 = arith.constant 0 : i32
    %dma_start3A_100 = arith.constant 0 : i32
    %dma_start3A_101 = tpu.memref_slice %arg7[%dma_start3A_98, %dma_start3A_99, %dma_start3A_100] : memref<3x80x512xf32, #tpu.memory_space<vmem>> -> memref<1x80x512xf32, #tpu.memory_space<vmem>>
    %dma_start3A_102 = tpu.memref_squeeze %dma_start3A_101 : memref<1x80x512xf32, #tpu.memory_space<vmem>> -> memref<80x512xf32, #tpu.memory_space<vmem>>
    %dma_start3A_103 = arith.constant 0 : i32
    %dma_start3A_104 = tpu.memref_slice %arg5[%add3A_97, %dma_start3A_103] : memref<52224x512xf32, #tpu.memory_space<hbm>> -> memref<80x512xf32, #tpu.memory_space<hbm>>
    %dma_start3A_105 = arith.constant 0 : i32
    %dma_start3A_106 = tpu.memref_slice %arg5[%add3A_97, %dma_start3A_105] : memref<52224x512xf32, #tpu.memory_space<hbm>> -> memref<80x512xf32, #tpu.memory_space<hbm>>
    %dma_start3A_107 = arith.constant 0 : i32
    %dma_start3A_108 = arith.constant 0 : i32
    %dma_start3A_109 = tpu.memref_slice %arg7[%dma_start3A_98, %dma_start3A_107, %dma_start3A_108] : memref<3x80x512xf32, #tpu.memory_space<vmem>> -> memref<1x80x512xf32, #tpu.memory_space<vmem>>
    %dma_start3A_110 = tpu.memref_squeeze %dma_start3A_109 : memref<1x80x512xf32, #tpu.memory_space<vmem>> -> memref<80x512xf32, #tpu.memory_space<vmem>>
    tpu.enqueue_dma source(%dma_start3A_110 : memref<80x512xf32, #tpu.memory_space<vmem>>) target(%dma_start3A_106 : memref<80x512xf32, #tpu.memory_space<hbm>>) target_semaphore(%arg12 : memref<!tpu.dma_semaphore, #tpu.memory_space<semaphore_mem>>)
    %dma_wait3A_111 = arith.constant 1 : i32
    %dma_wait3A_112 = arith.constant 0 : i32
    %dma_wait3A_113 = arith.constant 0 : i32
    %dma_wait3A_114 = tpu.memref_slice %arg7[%dma_wait3A_111, %dma_wait3A_112, %dma_wait3A_113] : memref<3x80x512xf32, #tpu.memory_space<vmem>> -> memref<1x80x512xf32, #tpu.memory_space<vmem>>
    %dma_wait3A_115 = tpu.memref_squeeze %dma_wait3A_114 : memref<1x80x512xf32, #tpu.memory_space<vmem>> -> memref<80x512xf32, #tpu.memory_space<vmem>>
    %dma_wait3A_116 = arith.constant 0 : i32
    %dma_wait3A_117 = tpu.memref_slice %arg5[%add3A_97, %dma_wait3A_116] : memref<52224x512xf32, #tpu.memory_space<hbm>> -> memref<80x512xf32, #tpu.memory_space<hbm>>
    %dma_wait3A_118 = arith.constant 0 : i32
    %dma_wait3A_119 = tpu.memref_slice %arg5[%add3A_97, %dma_wait3A_118] : memref<52224x512xf32, #tpu.memory_space<hbm>> -> memref<80x512xf32, #tpu.memory_space<hbm>>
    %dma_wait3A_120 = arith.constant 0 : i32
    %dma_wait3A_121 = arith.constant 0 : i32
    %dma_wait3A_122 = tpu.memref_slice %arg7[%dma_wait3A_111, %dma_wait3A_120, %dma_wait3A_121] : memref<3x80x512xf32, #tpu.memory_space<vmem>> -> memref<1x80x512xf32, #tpu.memory_space<vmem>>
    %dma_wait3A_123 = tpu.memref_squeeze %dma_wait3A_122 : memref<1x80x512xf32, #tpu.memory_space<vmem>> -> memref<80x512xf32, #tpu.memory_space<vmem>>
    tpu.wait_dma2 semaphore(%arg12 : memref<!tpu.dma_semaphore, #tpu.memory_space<semaphore_mem>>) src(%dma_wait3A_123 : memref<80x512xf32, #tpu.memory_space<vmem>>) dst(%dma_wait3A_119 : memref<80x512xf32, #tpu.memory_space<hbm>>)
    %dma_start3A_124 = arith.constant 1 : i32
    %dma_start3A_125 = arith.constant 0 : i32
    %dma_start3A_126 = arith.constant 0 : i32
    %dma_start3A_127 = tpu.memref_slice %arg7[%dma_start3A_124, %dma_start3A_125, %dma_start3A_126] : memref<3x80x512xf32, #tpu.memory_space<vmem>> -> memref<1x80x512xf32, #tpu.memory_space<vmem>>
    %dma_start3A_128 = tpu.memref_squeeze %dma_start3A_127 : memref<1x80x512xf32, #tpu.memory_space<vmem>> -> memref<80x512xf32, #tpu.memory_space<vmem>>
    %dma_start3A_129 = arith.constant 320 : i32
    %dma_start3A_130 = tpu.memref_slice %arg6[%dma_start3A_129] : memref<1600xi32, #tpu.memory_space<vmem>> -> memref<80xi32, #tpu.memory_space<vmem>>
    %dma_start3A_131 = arith.constant 0 : i32
    %dma_start3A_132 = arith.constant 0 : i32
    %dma_start3A_133 = tpu.memref_slice %arg2[%dma_start3A_131, %dma_start3A_132] : memref<100000x512xf32, #tpu.memory_space<hbm>> -> memref<100000x512xf32, #tpu.memory_space<hbm>>
    tpu.enqueue_indirect_dma source(%dma_start3A_133 : memref<100000x512xf32, #tpu.memory_space<hbm>>) target(%dma_start3A_128 : memref<80x512xf32, #tpu.memory_space<vmem>>) offsets(%dma_start3A_130 : memref<80xi32, #tpu.memory_space<vmem>>) semaphore(%arg9 : memref<!tpu.dma_semaphore, #tpu.memory_space<semaphore_mem>>)
    %dma_wait3A_134 = arith.constant 2 : i32
    %dma_wait3A_135 = arith.constant 0 : i32
    %dma_wait3A_136 = arith.constant 0 : i32
    %dma_wait3A_137 = tpu.memref_slice %arg7[%dma_wait3A_134, %dma_wait3A_135, %dma_wait3A_136] : memref<3x80x512xf32, #tpu.memory_space<vmem>> -> memref<1x80x512xf32, #tpu.memory_space<vmem>>
    %dma_wait3A_138 = tpu.memref_squeeze %dma_wait3A_137 : memref<1x80x512xf32, #tpu.memory_space<vmem>> -> memref<80x512xf32, #tpu.memory_space<vmem>>
    %dma_wait3A_139 = arith.constant 160 : i32
    %dma_wait3A_140 = tpu.memref_slice %arg6[%dma_wait3A_139] : memref<1600xi32, #tpu.memory_space<vmem>> -> memref<80xi32, #tpu.memory_space<vmem>>
    %dma_wait3A_141 = arith.constant 0 : i32
    %dma_wait3A_142 = arith.constant 0 : i32
    %dma_wait3A_143 = tpu.memref_slice %arg2[%dma_wait3A_141, %dma_wait3A_142] : memref<100000x512xf32, #tpu.memory_space<hbm>> -> memref<100000x512xf32, #tpu.memory_space<hbm>>
    tpu.wait_indirect_dma semaphore(%arg10 : memref<!tpu.dma_semaphore, #tpu.memory_space<semaphore_mem>>) src(%dma_wait3A_143 : memref<100000x512xf32, #tpu.memory_space<hbm>>) dst(%dma_wait3A_138 : memref<80x512xf32, #tpu.memory_space<vmem>>)
    %add3A_144 = arith.constant 160 : i32
    %add3A_145 = arith.addi %mul3A_2, %add3A_144 : i32
    %dma_start3A_146 = arith.constant 2 : i32
    %dma_start3A_147 = arith.constant 0 : i32
    %dma_start3A_148 = arith.constant 0 : i32
    %dma_start3A_149 = tpu.memref_slice %arg7[%dma_start3A_146, %dma_start3A_147, %dma_start3A_148] : memref<3x80x512xf32, #tpu.memory_space<vmem>> -> memref<1x80x512xf32, #tpu.memory_space<vmem>>
    %dma_start3A_150 = tpu.memref_squeeze %dma_start3A_149 : memref<1x80x512xf32, #tpu.memory_space<vmem>> -> memref<80x512xf32, #tpu.memory_space<vmem>>
    %dma_start3A_151 = arith.constant 0 : i32
    %dma_start3A_152 = tpu.memref_slice %arg5[%add3A_145, %dma_start3A_151] : memref<52224x512xf32, #tpu.memory_space<hbm>> -> memref<80x512xf32, #tpu.memory_space<hbm>>
    %dma_start3A_153 = arith.constant 0 : i32
    %dma_start3A_154 = tpu.memref_slice %arg5[%add3A_145, %dma_start3A_153] : memref<52224x512xf32, #tpu.memory_space<hbm>> -> memref<80x512xf32, #tpu.memory_space<hbm>>
    %dma_start3A_155 = arith.constant 0 : i32
    %dma_start3A_156 = arith.constant 0 : i32
    %dma_start3A_157 = tpu.memref_slice %arg7[%dma_start3A_146, %dma_start3A_155, %dma_start3A_156] : memref<3x80x512xf32, #tpu.memory_space<vmem>> -> memref<1x80x512xf32, #tpu.memory_space<vmem>>
    %dma_start3A_158 = tpu.memref_squeeze %dma_start3A_157 : memref<1x80x512xf32, #tpu.memory_space<vmem>> -> memref<80x512xf32, #tpu.memory_space<vmem>>
    tpu.enqueue_dma source(%dma_start3A_158 : memref<80x512xf32, #tpu.memory_space<vmem>>) target(%dma_start3A_154 : memref<80x512xf32, #tpu.memory_space<hbm>>) target_semaphore(%arg13 : memref<!tpu.dma_semaphore, #tpu.memory_space<semaphore_mem>>)
    %dma_wait3A_159 = arith.constant 2 : i32
    %dma_wait3A_160 = arith.constant 0 : i32
    %dma_wait3A_161 = arith.constant 0 : i32
    %dma_wait3A_162 = tpu.memref_slice %arg7[%dma_wait3A_159, %dma_wait3A_160, %dma_wait3A_161] : memref<3x80x512xf32, #tpu.memory_space<vmem>> -> memref<1x80x512xf32, #tpu.memory_space<vmem>>
    %dma_wait3A_163 = tpu.memref_squeeze %dma_wait3A_162 : memref<1x80x512xf32, #tpu.memory_space<vmem>> -> memref<80x512xf32, #tpu.memory_space<vmem>>
    %dma_wait3A_164 = arith.constant 0 : i32
    %dma_wait3A_165 = tpu.memref_slice %arg5[%add3A_145, %dma_wait3A_164] : memref<52224x512xf32, #tpu.memory_space<hbm>> -> memref<80x512xf32, #tpu.memory_space<hbm>>
    %dma_wait3A_166 = arith.constant 0 : i32
    %dma_wait3A_167 = tpu.memref_slice %arg5[%add3A_145, %dma_wait3A_166] : memref<52224x512xf32, #tpu.memory_space<hbm>> -> memref<80x512xf32, #tpu.memory_space<hbm>>
    %dma_wait3A_168 = arith.constant 0 : i32
    %dma_wait3A_169 = arith.constant 0 : i32
    %dma_wait3A_170 = tpu.memref_slice %arg7[%dma_wait3A_159, %dma_wait3A_168, %dma_wait3A_169] : memref<3x80x512xf32, #tpu.memory_space<vmem>> -> memref<1x80x512xf32, #tpu.memory_space<vmem>>
    %dma_wait3A_171 = tpu.memref_squeeze %dma_wait3A_170 : memref<1x80x512xf32, #tpu.memory_space<vmem>> -> memref<80x512xf32, #tpu.memory_space<vmem>>
    tpu.wait_dma2 semaphore(%arg13 : memref<!tpu.dma_semaphore, #tpu.memory_space<semaphore_mem>>) src(%dma_wait3A_171 : memref<80x512xf32, #tpu.memory_space<vmem>>) dst(%dma_wait3A_167 : memref<80x512xf32, #tpu.memory_space<hbm>>)
    %dma_start3A_172 = arith.constant 2 : i32
    %dma_start3A_173 = arith.constant 0 : i32
    %dma_start3A_174 = arith.constant 0 : i32
    %dma_start3A_175 = tpu.memref_slice %arg7[%dma_start3A_172, %dma_start3A_173, %dma_start3A_174] : memref<3x80x512xf32, #tpu.memory_space<vmem>> -> memref<1x80x512xf32, #tpu.memory_space<vmem>>
    %dma_start3A_176 = tpu.memref_squeeze %dma_start3A_175 : memref<1x80x512xf32, #tpu.memory_space<vmem>> -> memref<80x512xf32, #tpu.memory_space<vmem>>
    %dma_start3A_177 = arith.constant 400 : i32
    %dma_start3A_178 = tpu.memref_slice %arg6[%dma_start3A_177] : memref<1600xi32, #tpu.memory_space<vmem>> -> memref<80xi32, #tpu.memory_space<vmem>>
    %dma_start3A_179 = arith.constant 0 : i32
    %dma_start3A_180 = arith.constant 0 : i32
    %dma_start3A_181 = tpu.memref_slice %arg2[%dma_start3A_179, %dma_start3A_180] : memref<100000x512xf32, #tpu.memory_space<hbm>> -> memref<100000x512xf32, #tpu.memory_space<hbm>>
    tpu.enqueue_indirect_dma source(%dma_start3A_181 : memref<100000x512xf32, #tpu.memory_space<hbm>>) target(%dma_start3A_176 : memref<80x512xf32, #tpu.memory_space<vmem>>) offsets(%dma_start3A_178 : memref<80xi32, #tpu.memory_space<vmem>>) semaphore(%arg10 : memref<!tpu.dma_semaphore, #tpu.memory_space<semaphore_mem>>)
    %dma_wait3A_182 = arith.constant 0 : i32
    %dma_wait3A_183 = arith.constant 0 : i32
    %dma_wait3A_184 = arith.constant 0 : i32
    %dma_wait3A_185 = tpu.memref_slice %arg7[%dma_wait3A_182, %dma_wait3A_183, %dma_wait3A_184] : memref<3x80x512xf32, #tpu.memory_space<vmem>> -> memref<1x80x512xf32, #tpu.memory_space<vmem>>
    %dma_wait3A_186 = tpu.memref_squeeze %dma_wait3A_185 : memref<1x80x512xf32, #tpu.memory_space<vmem>> -> memref<80x512xf32, #tpu.memory_space<vmem>>
    %dma_wait3A_187 = arith.constant 240 : i32
    %dma_wait3A_188 = tpu.memref_slice %arg6[%dma_wait3A_187] : memref<1600xi32, #tpu.memory_space<vmem>> -> memref<80xi32, #tpu.memory_space<vmem>>
    %dma_wait3A_189 = arith.constant 0 : i32
    %dma_wait3A_190 = arith.constant 0 : i32
    %dma_wait3A_191 = tpu.memref_slice %arg2[%dma_wait3A_189, %dma_wait3A_190] : memref<100000x512xf32, #tpu.memory_space<hbm>> -> memref<100000x512xf32, #tpu.memory_space<hbm>>
    tpu.wait_indirect_dma semaphore(%arg8 : memref<!tpu.dma_semaphore, #tpu.memory_space<semaphore_mem>>) src(%dma_wait3A_191 : memref<100000x512xf32, #tpu.memory_space<hbm>>) dst(%dma_wait3A_186 : memref<80x512xf32, #tpu.memory_space<vmem>>)
    %add3A_192 = arith.constant 240 : i32
    %add3A_193 = arith.addi %mul3A_2, %add3A_192 : i32
    %dma_start3A_194 = arith.constant 0 : i32
    %dma_start3A_195 = arith.constant 0 : i32
    %dma_start3A_196 = arith.constant 0 : i32
    %dma_start3A_197 = tpu.memref_slice %arg7[%dma_start3A_194, %dma_start3A_195, %dma_start3A_196] : memref<3x80x512xf32, #tpu.memory_space<vmem>> -> memref<1x80x512xf32, #tpu.memory_space<vmem>>
    %dma_start3A_198 = tpu.memref_squeeze %dma_start3A_197 : memref<1x80x512xf32, #tpu.memory_space<vmem>> -> memref<80x512xf32, #tpu.memory_space<vmem>>
    %dma_start3A_199 = arith.constant 0 : i32
    %dma_start3A_200 = tpu.memref_slice %arg5[%add3A_193, %dma_start3A_199] : memref<52224x512xf32, #tpu.memory_space<hbm>> -> memref<80x512xf32, #tpu.memory_space<hbm>>
    %dma_start3A_201 = arith.constant 0 : i32
    %dma_start3A_202 = tpu.memref_slice %arg5[%add3A_193, %dma_start3A_201] : memref<52224x512xf32, #tpu.memory_space<hbm>> -> memref<80x512xf32, #tpu.memory_space<hbm>>
    %dma_start3A_203 = arith.constant 0 : i32
    %dma_start3A_204 = arith.constant 0 : i32
    %dma_start3A_205 = tpu.memref_slice %arg7[%dma_start3A_194, %dma_start3A_203, %dma_start3A_204] : memref<3x80x512xf32, #tpu.memory_space<vmem>> -> memref<1x80x512xf32, #tpu.memory_space<vmem>>
    %dma_start3A_206 = tpu.memref_squeeze %dma_start3A_205 : memref<1x80x512xf32, #tpu.memory_space<vmem>> -> memref<80x512xf32, #tpu.memory_space<vmem>>
    tpu.enqueue_dma source(%dma_start3A_206 : memref<80x512xf32, #tpu.memory_space<vmem>>) target(%dma_start3A_202 : memref<80x512xf32, #tpu.memory_space<hbm>>) target_semaphore(%arg11 : memref<!tpu.dma_semaphore, #tpu.memory_space<semaphore_mem>>)
    %dma_wait3A_207 = arith.constant 0 : i32
    %dma_wait3A_208 = arith.constant 0 : i32
    %dma_wait3A_209 = arith.constant 0 : i32
    %dma_wait3A_210 = tpu.memref_slice %arg7[%dma_wait3A_207, %dma_wait3A_208, %dma_wait3A_209] : memref<3x80x512xf32, #tpu.memory_space<vmem>> -> memref<1x80x512xf32, #tpu.memory_space<vmem>>
    %dma_wait3A_211 = tpu.memref_squeeze %dma_wait3A_210 : memref<1x80x512xf32, #tpu.memory_space<vmem>> -> memref<80x512xf32, #tpu.memory_space<vmem>>
    %dma_wait3A_212 = arith.constant 0 : i32
    %dma_wait3A_213 = tpu.memref_slice %arg5[%add3A_193, %dma_wait3A_212] : memref<52224x512xf32, #tpu.memory_space<hbm>> -> memref<80x512xf32, #tpu.memory_space<hbm>>
    %dma_wait3A_214 = arith.constant 0 : i32
    %dma_wait3A_215 = tpu.memref_slice %arg5[%add3A_193, %dma_wait3A_214] : memref<52224x512xf32, #tpu.memory_space<hbm>> -> memref<80x512xf32, #tpu.memory_space<hbm>>
    %dma_wait3A_216 = arith.constant 0 : i32
    %dma_wait3A_217 = arith.constant 0 : i32
    %dma_wait3A_218 = tpu.memref_slice %arg7[%dma_wait3A_207, %dma_wait3A_216, %dma_wait3A_217] : memref<3x80x512xf32, #tpu.memory_space<vmem>> -> memref<1x80x512xf32, #tpu.memory_space<vmem>>
    %dma_wait3A_219 = tpu.memref_squeeze %dma_wait3A_218 : memref<1x80x512xf32, #tpu.memory_space<vmem>> -> memref<80x512xf32, #tpu.memory_space<vmem>>
    tpu.wait_dma2 semaphore(%arg11 : memref<!tpu.dma_semaphore, #tpu.memory_space<semaphore_mem>>) src(%dma_wait3A_219 : memref<80x512xf32, #tpu.memory_space<vmem>>) dst(%dma_wait3A_215 : memref<80x512xf32, #tpu.memory_space<hbm>>)
    %dma_start3A_220 = arith.constant 0 : i32
    %dma_start3A_221 = arith.constant 0 : i32
    %dma_start3A_222 = arith.constant 0 : i32
    %dma_start3A_223 = tpu.memref_slice %arg7[%dma_start3A_220, %dma_start3A_221, %dma_start3A_222] : memref<3x80x512xf32, #tpu.memory_space<vmem>> -> memref<1x80x512xf32, #tpu.memory_space<vmem>>
    %dma_start3A_224 = tpu.memref_squeeze %dma_start3A_223 : memref<1x80x512xf32, #tpu.memory_space<vmem>> -> memref<80x512xf32, #tpu.memory_space<vmem>>
    %dma_start3A_225 = arith.constant 480 : i32
    %dma_start3A_226 = tpu.memref_slice %arg6[%dma_start3A_225] : memref<1600xi32, #tpu.memory_space<vmem>> -> memref<80xi32, #tpu.memory_space<vmem>>
    %dma_start3A_227 = arith.constant 0 : i32
    %dma_start3A_228 = arith.constant 0 : i32
    %dma_start3A_229 = tpu.memref_slice %arg2[%dma_start3A_227, %dma_start3A_228] : memref<100000x512xf32, #tpu.memory_space<hbm>> -> memref<100000x512xf32, #tpu.memory_space<hbm>>
    tpu.enqueue_indirect_dma source(%dma_start3A_229 : memref<100000x512xf32, #tpu.memory_space<hbm>>) target(%dma_start3A_224 : memref<80x512xf32, #tpu.memory_space<vmem>>) offsets(%dma_start3A_226 : memref<80xi32, #tpu.memory_space<vmem>>) semaphore(%arg8 : memref<!tpu.dma_semaphore, #tpu.memory_space<semaphore_mem>>)
    %dma_wait3A_230 = arith.constant 1 : i32
    %dma_wait3A_231 = arith.constant 0 : i32
    %dma_wait3A_232 = arith.constant 0 : i32
    %dma_wait3A_233 = tpu.memref_slice %arg7[%dma_wait3A_230, %dma_wait3A_231, %dma_wait3A_232] : memref<3x80x512xf32, #tpu.memory_space<vmem>> -> memref<1x80x512xf32, #tpu.memory_space<vmem>>
    %dma_wait3A_234 = tpu.memref_squeeze %dma_wait3A_233 : memref<1x80x512xf32, #tpu.memory_space<vmem>> -> memref<80x512xf32, #tpu.memory_space<vmem>>
    %dma_wait3A_235 = arith.constant 320 : i32
    %dma_wait3A_236 = tpu.memref_slice %arg6[%dma_wait3A_235] : memref<1600xi32, #tpu.memory_space<vmem>> -> memref<80xi32, #tpu.memory_space<vmem>>
    %dma_wait3A_237 = arith.constant 0 : i32
    %dma_wait3A_238 = arith.constant 0 : i32
    %dma_wait3A_239 = tpu.memref_slice %arg2[%dma_wait3A_237, %dma_wait3A_238] : memref<100000x512xf32, #tpu.memory_space<hbm>> -> memref<100000x512xf32, #tpu.memory_space<hbm>>
    tpu.wait_indirect_dma semaphore(%arg9 : memref<!tpu.dma_semaphore, #tpu.memory_space<semaphore_mem>>) src(%dma_wait3A_239 : memref<100000x512xf32, #tpu.memory_space<hbm>>) dst(%dma_wait3A_234 : memref<80x512xf32, #tpu.memory_space<vmem>>)
    %add3A_240 = arith.constant 320 : i32
    %add3A_241 = arith.addi %mul3A_2, %add3A_240 : i32
    %dma_start3A_242 = arith.constant 1 : i32
    %dma_start3A_243 = arith.constant 0 : i32
    %dma_start3A_244 = arith.constant 0 : i32
    %dma_start3A_245 = tpu.memref_slice %arg7[%dma_start3A_242, %dma_start3A_243, %dma_start3A_244] : memref<3x80x512xf32, #tpu.memory_space<vmem>> -> memref<1x80x512xf32, #tpu.memory_space<vmem>>
    %dma_start3A_246 = tpu.memref_squeeze %dma_start3A_245 : memref<1x80x512xf32, #tpu.memory_space<vmem>> -> memref<80x512xf32, #tpu.memory_space<vmem>>
    %dma_start3A_247 = arith.constant 0 : i32
    %dma_start3A_248 = tpu.memref_slice %arg5[%add3A_241, %dma_start3A_247] : memref<52224x512xf32, #tpu.memory_space<hbm>> -> memref<80x512xf32, #tpu.memory_space<hbm>>
    %dma_start3A_249 = arith.constant 0 : i32
    %dma_start3A_250 = tpu.memref_slice %arg5[%add3A_241, %dma_start3A_249] : memref<52224x512xf32, #tpu.memory_space<hbm>> -> memref<80x512xf32, #tpu.memory_space<hbm>>
    %dma_start3A_251 = arith.constant 0 : i32
    %dma_start3A_252 = arith.constant 0 : i32
    %dma_start3A_253 = tpu.memref_slice %arg7[%dma_start3A_242, %dma_start3A_251, %dma_start3A_252] : memref<3x80x512xf32, #tpu.memory_space<vmem>> -> memref<1x80x512xf32, #tpu.memory_space<vmem>>
    %dma_start3A_254 = tpu.memref_squeeze %dma_start3A_253 : memref<1x80x512xf32, #tpu.memory_space<vmem>> -> memref<80x512xf32, #tpu.memory_space<vmem>>
    tpu.enqueue_dma source(%dma_start3A_254 : memref<80x512xf32, #tpu.memory_space<vmem>>) target(%dma_start3A_250 : memref<80x512xf32, #tpu.memory_space<hbm>>) target_semaphore(%arg12 : memref<!tpu.dma_semaphore, #tpu.memory_space<semaphore_mem>>)
    %dma_wait3A_255 = arith.constant 1 : i32
    %dma_wait3A_256 = arith.constant 0 : i32
    %dma_wait3A_257 = arith.constant 0 : i32
    %dma_wait3A_258 = tpu.memref_slice %arg7[%dma_wait3A_255, %dma_wait3A_256, %dma_wait3A_257] : memref<3x80x512xf32, #tpu.memory_space<vmem>> -> memref<1x80x512xf32, #tpu.memory_space<vmem>>
    %dma_wait3A_259 = tpu.memref_squeeze %dma_wait3A_258 : memref<1x80x512xf32, #tpu.memory_space<vmem>> -> memref<80x512xf32, #tpu.memory_space<vmem>>
    %dma_wait3A_260 = arith.constant 0 : i32
    %dma_wait3A_261 = tpu.memref_slice %arg5[%add3A_241, %dma_wait3A_260] : memref<52224x512xf32, #tpu.memory_space<hbm>> -> memref<80x512xf32, #tpu.memory_space<hbm>>
    %dma_wait3A_262 = arith.constant 0 : i32
    %dma_wait3A_263 = tpu.memref_slice %arg5[%add3A_241, %dma_wait3A_262] : memref<52224x512xf32, #tpu.memory_space<hbm>> -> memref<80x512xf32, #tpu.memory_space<hbm>>
    %dma_wait3A_264 = arith.constant 0 : i32
    %dma_wait3A_265 = arith.constant 0 : i32
    %dma_wait3A_266 = tpu.memref_slice %arg7[%dma_wait3A_255, %dma_wait3A_264, %dma_wait3A_265] : memref<3x80x512xf32, #tpu.memory_space<vmem>> -> memref<1x80x512xf32, #tpu.memory_space<vmem>>
    %dma_wait3A_267 = tpu.memref_squeeze %dma_wait3A_266 : memref<1x80x512xf32, #tpu.memory_space<vmem>> -> memref<80x512xf32, #tpu.memory_space<vmem>>
    tpu.wait_dma2 semaphore(%arg12 : memref<!tpu.dma_semaphore, #tpu.memory_space<semaphore_mem>>) src(%dma_wait3A_267 : memref<80x512xf32, #tpu.memory_space<vmem>>) dst(%dma_wait3A_263 : memref<80x512xf32, #tpu.memory_space<hbm>>)
    %dma_start3A_268 = arith.constant 1 : i32
    %dma_start3A_269 = arith.constant 0 : i32
    %dma_start3A_270 = arith.constant 0 : i32
    %dma_start3A_271 = tpu.memref_slice %arg7[%dma_start3A_268, %dma_start3A_269, %dma_start3A_270] : memref<3x80x512xf32, #tpu.memory_space<vmem>> -> memref<1x80x512xf32, #tpu.memory_space<vmem>>
    %dma_start3A_272 = tpu.memref_squeeze %dma_start3A_271 : memref<1x80x512xf32, #tpu.memory_space<vmem>> -> memref<80x512xf32, #tpu.memory_space<vmem>>
    %dma_start3A_273 = arith.constant 560 : i32
    %dma_start3A_274 = tpu.memref_slice %arg6[%dma_start3A_273] : memref<1600xi32, #tpu.memory_space<vmem>> -> memref<80xi32, #tpu.memory_space<vmem>>
    %dma_start3A_275 = arith.constant 0 : i32
    %dma_start3A_276 = arith.constant 0 : i32
    %dma_start3A_277 = tpu.memref_slice %arg2[%dma_start3A_275, %dma_start3A_276] : memref<100000x512xf32, #tpu.memory_space<hbm>> -> memref<100000x512xf32, #tpu.memory_space<hbm>>
    tpu.enqueue_indirect_dma source(%dma_start3A_277 : memref<100000x512xf32, #tpu.memory_space<hbm>>) target(%dma_start3A_272 : memref<80x512xf32, #tpu.memory_space<vmem>>) offsets(%dma_start3A_274 : memref<80xi32, #tpu.memory_space<vmem>>) semaphore(%arg9 : memref<!tpu.dma_semaphore, #tpu.memory_space<semaphore_mem>>)
    %dma_wait3A_278 = arith.constant 2 : i32
    %dma_wait3A_279 = arith.constant 0 : i32
    %dma_wait3A_280 = arith.constant 0 : i32
    %dma_wait3A_281 = tpu.memref_slice %arg7[%dma_wait3A_278, %dma_wait3A_279, %dma_wait3A_280] : memref<3x80x512xf32, #tpu.memory_space<vmem>> -> memref<1x80x512xf32, #tpu.memory_space<vmem>>
    %dma_wait3A_282 = tpu.memref_squeeze %dma_wait3A_281 : memref<1x80x512xf32, #tpu.memory_space<vmem>> -> memref<80x512xf32, #tpu.memory_space<vmem>>
    %dma_wait3A_283 = arith.constant 400 : i32
    %dma_wait3A_284 = tpu.memref_slice %arg6[%dma_wait3A_283] : memref<1600xi32, #tpu.memory_space<vmem>> -> memref<80xi32, #tpu.memory_space<vmem>>
    %dma_wait3A_285 = arith.constant 0 : i32
    %dma_wait3A_286 = arith.constant 0 : i32
    %dma_wait3A_287 = tpu.memref_slice %arg2[%dma_wait3A_285, %dma_wait3A_286] : memref<100000x512xf32, #tpu.memory_space<hbm>> -> memref<100000x512xf32, #tpu.memory_space<hbm>>
    tpu.wait_indirect_dma semaphore(%arg10 : memref<!tpu.dma_semaphore, #tpu.memory_space<semaphore_mem>>) src(%dma_wait3A_287 : memref<100000x512xf32, #tpu.memory_space<hbm>>) dst(%dma_wait3A_282 : memref<80x512xf32, #tpu.memory_space<vmem>>)
    %add3A_288 = arith.constant 400 : i32
    %add3A_289 = arith.addi %mul3A_2, %add3A_288 : i32
    %dma_start3A_290 = arith.constant 2 : i32
    %dma_start3A_291 = arith.constant 0 : i32
    %dma_start3A_292 = arith.constant 0 : i32
    %dma_start3A_293 = tpu.memref_slice %arg7[%dma_start3A_290, %dma_start3A_291, %dma_start3A_292] : memref<3x80x512xf32, #tpu.memory_space<vmem>> -> memref<1x80x512xf32, #tpu.memory_space<vmem>>
    %dma_start3A_294 = tpu.memref_squeeze %dma_start3A_293 : memref<1x80x512xf32, #tpu.memory_space<vmem>> -> memref<80x512xf32, #tpu.memory_space<vmem>>
    %dma_start3A_295 = arith.constant 0 : i32
    %dma_start3A_296 = tpu.memref_slice %arg5[%add3A_289, %dma_start3A_295] : memref<52224x512xf32, #tpu.memory_space<hbm>> -> memref<80x512xf32, #tpu.memory_space<hbm>>
    %dma_start3A_297 = arith.constant 0 : i32
    %dma_start3A_298 = tpu.memref_slice %arg5[%add3A_289, %dma_start3A_297] : memref<52224x512xf32, #tpu.memory_space<hbm>> -> memref<80x512xf32, #tpu.memory_space<hbm>>
    %dma_start3A_299 = arith.constant 0 : i32
    %dma_start3A_300 = arith.constant 0 : i32
    %dma_start3A_301 = tpu.memref_slice %arg7[%dma_start3A_290, %dma_start3A_299, %dma_start3A_300] : memref<3x80x512xf32, #tpu.memory_space<vmem>> -> memref<1x80x512xf32, #tpu.memory_space<vmem>>
    %dma_start3A_302 = tpu.memref_squeeze %dma_start3A_301 : memref<1x80x512xf32, #tpu.memory_space<vmem>> -> memref<80x512xf32, #tpu.memory_space<vmem>>
    tpu.enqueue_dma source(%dma_start3A_302 : memref<80x512xf32, #tpu.memory_space<vmem>>) target(%dma_start3A_298 : memref<80x512xf32, #tpu.memory_space<hbm>>) target_semaphore(%arg13 : memref<!tpu.dma_semaphore, #tpu.memory_space<semaphore_mem>>)
    %dma_wait3A_303 = arith.constant 2 : i32
    %dma_wait3A_304 = arith.constant 0 : i32
    %dma_wait3A_305 = arith.constant 0 : i32
    %dma_wait3A_306 = tpu.memref_slice %arg7[%dma_wait3A_303, %dma_wait3A_304, %dma_wait3A_305] : memref<3x80x512xf32, #tpu.memory_space<vmem>> -> memref<1x80x512xf32, #tpu.memory_space<vmem>>
    %dma_wait3A_307 = tpu.memref_squeeze %dma_wait3A_306 : memref<1x80x512xf32, #tpu.memory_space<vmem>> -> memref<80x512xf32, #tpu.memory_space<vmem>>
    %dma_wait3A_308 = arith.constant 0 : i32
    %dma_wait3A_309 = tpu.memref_slice %arg5[%add3A_289, %dma_wait3A_308] : memref<52224x512xf32, #tpu.memory_space<hbm>> -> memref<80x512xf32, #tpu.memory_space<hbm>>
    %dma_wait3A_310 = arith.constant 0 : i32
    %dma_wait3A_311 = tpu.memref_slice %arg5[%add3A_289, %dma_wait3A_310] : memref<52224x512xf32, #tpu.memory_space<hbm>> -> memref<80x512xf32, #tpu.memory_space<hbm>>
    %dma_wait3A_312 = arith.constant 0 : i32
    %dma_wait3A_313 = arith.constant 0 : i32
    %dma_wait3A_314 = tpu.memref_slice %arg7[%dma_wait3A_303, %dma_wait3A_312, %dma_wait3A_313] : memref<3x80x512xf32, #tpu.memory_space<vmem>> -> memref<1x80x512xf32, #tpu.memory_space<vmem>>
    %dma_wait3A_315 = tpu.memref_squeeze %dma_wait3A_314 : memref<1x80x512xf32, #tpu.memory_space<vmem>> -> memref<80x512xf32, #tpu.memory_space<vmem>>
    tpu.wait_dma2 semaphore(%arg13 : memref<!tpu.dma_semaphore, #tpu.memory_space<semaphore_mem>>) src(%dma_wait3A_315 : memref<80x512xf32, #tpu.memory_space<vmem>>) dst(%dma_wait3A_311 : memref<80x512xf32, #tpu.memory_space<hbm>>)
    %dma_start3A_316 = arith.constant 2 : i32
    %dma_start3A_317 = arith.constant 0 : i32
    %dma_start3A_318 = arith.constant 0 : i32
    %dma_start3A_319 = tpu.memref_slice %arg7[%dma_start3A_316, %dma_start3A_317, %dma_start3A_318] : memref<3x80x512xf32, #tpu.memory_space<vmem>> -> memref<1x80x512xf32, #tpu.memory_space<vmem>>
    %dma_start3A_320 = tpu.memref_squeeze %dma_start3A_319 : memref<1x80x512xf32, #tpu.memory_space<vmem>> -> memref<80x512xf32, #tpu.memory_space<vmem>>
    %dma_start3A_321 = arith.constant 640 : i32
    %dma_start3A_322 = tpu.memref_slice %arg6[%dma_start3A_321] : memref<1600xi32, #tpu.memory_space<vmem>> -> memref<80xi32, #tpu.memory_space<vmem>>
    %dma_start3A_323 = arith.constant 0 : i32
    %dma_start3A_324 = arith.constant 0 : i32
    %dma_start3A_325 = tpu.memref_slice %arg2[%dma_start3A_323, %dma_start3A_324] : memref<100000x512xf32, #tpu.memory_space<hbm>> -> memref<100000x512xf32, #tpu.memory_space<hbm>>
    tpu.enqueue_indirect_dma source(%dma_start3A_325 : memref<100000x512xf32, #tpu.memory_space<hbm>>) target(%dma_start3A_320 : memref<80x512xf32, #tpu.memory_space<vmem>>) offsets(%dma_start3A_322 : memref<80xi32, #tpu.memory_space<vmem>>) semaphore(%arg10 : memref<!tpu.dma_semaphore, #tpu.memory_space<semaphore_mem>>)
    %dma_wait3A_326 = arith.constant 0 : i32
    %dma_wait3A_327 = arith.constant 0 : i32
    %dma_wait3A_328 = arith.constant 0 : i32
    %dma_wait3A_329 = tpu.memref_slice %arg7[%dma_wait3A_326, %dma_wait3A_327, %dma_wait3A_328] : memref<3x80x512xf32, #tpu.memory_space<vmem>> -> memref<1x80x512xf32, #tpu.memory_space<vmem>>
    %dma_wait3A_330 = tpu.memref_squeeze %dma_wait3A_329 : memref<1x80x512xf32, #tpu.memory_space<vmem>> -> memref<80x512xf32, #tpu.memory_space<vmem>>
    %dma_wait3A_331 = arith.constant 480 : i32
    %dma_wait3A_332 = tpu.memref_slice %arg6[%dma_wait3A_331] : memref<1600xi32, #tpu.memory_space<vmem>> -> memref<80xi32, #tpu.memory_space<vmem>>
    %dma_wait3A_333 = arith.constant 0 : i32
    %dma_wait3A_334 = arith.constant 0 : i32
    %dma_wait3A_335 = tpu.memref_slice %arg2[%dma_wait3A_333, %dma_wait3A_334] : memref<100000x512xf32, #tpu.memory_space<hbm>> -> memref<100000x512xf32, #tpu.memory_space<hbm>>
    tpu.wait_indirect_dma semaphore(%arg8 : memref<!tpu.dma_semaphore, #tpu.memory_space<semaphore_mem>>) src(%dma_wait3A_335 : memref<100000x512xf32, #tpu.memory_space<hbm>>) dst(%dma_wait3A_330 : memref<80x512xf32, #tpu.memory_space<vmem>>)
    %add3A_336 = arith.constant 480 : i32
    %add3A_337 = arith.addi %mul3A_2, %add3A_336 : i32
    %dma_start3A_338 = arith.constant 0 : i32
    %dma_start3A_339 = arith.constant 0 : i32
    %dma_start3A_340 = arith.constant 0 : i32
    %dma_start3A_341 = tpu.memref_slice %arg7[%dma_start3A_338, %dma_start3A_339, %dma_start3A_340] : memref<3x80x512xf32, #tpu.memory_space<vmem>> -> memref<1x80x512xf32, #tpu.memory_space<vmem>>
    %dma_start3A_342 = tpu.memref_squeeze %dma_start3A_341 : memref<1x80x512xf32, #tpu.memory_space<vmem>> -> memref<80x512xf32, #tpu.memory_space<vmem>>
    %dma_start3A_343 = arith.constant 0 : i32
    %dma_start3A_344 = tpu.memref_slice %arg5[%add3A_337, %dma_start3A_343] : memref<52224x512xf32, #tpu.memory_space<hbm>> -> memref<80x512xf32, #tpu.memory_space<hbm>>
    %dma_start3A_345 = arith.constant 0 : i32
    %dma_start3A_346 = tpu.memref_slice %arg5[%add3A_337, %dma_start3A_345] : memref<52224x512xf32, #tpu.memory_space<hbm>> -> memref<80x512xf32, #tpu.memory_space<hbm>>
    %dma_start3A_347 = arith.constant 0 : i32
    %dma_start3A_348 = arith.constant 0 : i32
    %dma_start3A_349 = tpu.memref_slice %arg7[%dma_start3A_338, %dma_start3A_347, %dma_start3A_348] : memref<3x80x512xf32, #tpu.memory_space<vmem>> -> memref<1x80x512xf32, #tpu.memory_space<vmem>>
    %dma_start3A_350 = tpu.memref_squeeze %dma_start3A_349 : memref<1x80x512xf32, #tpu.memory_space<vmem>> -> memref<80x512xf32, #tpu.memory_space<vmem>>
    tpu.enqueue_dma source(%dma_start3A_350 : memref<80x512xf32, #tpu.memory_space<vmem>>) target(%dma_start3A_346 : memref<80x512xf32, #tpu.memory_space<hbm>>) target_semaphore(%arg11 : memref<!tpu.dma_semaphore, #tpu.memory_space<semaphore_mem>>)
    %dma_wait3A_351 = arith.constant 0 : i32
    %dma_wait3A_352 = arith.constant 0 : i32
    %dma_wait3A_353 = arith.constant 0 : i32
    %dma_wait3A_354 = tpu.memref_slice %arg7[%dma_wait3A_351, %dma_wait3A_352, %dma_wait3A_353] : memref<3x80x512xf32, #tpu.memory_space<vmem>> -> memref<1x80x512xf32, #tpu.memory_space<vmem>>
    %dma_wait3A_355 = tpu.memref_squeeze %dma_wait3A_354 : memref<1x80x512xf32, #tpu.memory_space<vmem>> -> memref<80x512xf32, #tpu.memory_space<vmem>>
    %dma_wait3A_356 = arith.constant 0 : i32
    %dma_wait3A_357 = tpu.memref_slice %arg5[%add3A_337, %dma_wait3A_356] : memref<52224x512xf32, #tpu.memory_space<hbm>> -> memref<80x512xf32, #tpu.memory_space<hbm>>
    %dma_wait3A_358 = arith.constant 0 : i32
    %dma_wait3A_359 = tpu.memref_slice %arg5[%add3A_337, %dma_wait3A_358] : memref<52224x512xf32, #tpu.memory_space<hbm>> -> memref<80x512xf32, #tpu.memory_space<hbm>>
    %dma_wait3A_360 = arith.constant 0 : i32
    %dma_wait3A_361 = arith.constant 0 : i32
    %dma_wait3A_362 = tpu.memref_slice %arg7[%dma_wait3A_351, %dma_wait3A_360, %dma_wait3A_361] : memref<3x80x512xf32, #tpu.memory_space<vmem>> -> memref<1x80x512xf32, #tpu.memory_space<vmem>>
    %dma_wait3A_363 = tpu.memref_squeeze %dma_wait3A_362 : memref<1x80x512xf32, #tpu.memory_space<vmem>> -> memref<80x512xf32, #tpu.memory_space<vmem>>
    tpu.wait_dma2 semaphore(%arg11 : memref<!tpu.dma_semaphore, #tpu.memory_space<semaphore_mem>>) src(%dma_wait3A_363 : memref<80x512xf32, #tpu.memory_space<vmem>>) dst(%dma_wait3A_359 : memref<80x512xf32, #tpu.memory_space<hbm>>)
    %dma_start3A_364 = arith.constant 0 : i32
    %dma_start3A_365 = arith.constant 0 : i32
    %dma_start3A_366 = arith.constant 0 : i32
    %dma_start3A_367 = tpu.memref_slice %arg7[%dma_start3A_364, %dma_start3A_365, %dma_start3A_366] : memref<3x80x512xf32, #tpu.memory_space<vmem>> -> memref<1x80x512xf32, #tpu.memory_space<vmem>>
    %dma_start3A_368 = tpu.memref_squeeze %dma_start3A_367 : memref<1x80x512xf32, #tpu.memory_space<vmem>> -> memref<80x512xf32, #tpu.memory_space<vmem>>
    %dma_start3A_369 = arith.constant 720 : i32
    %dma_start3A_370 = tpu.memref_slice %arg6[%dma_start3A_369] : memref<1600xi32, #tpu.memory_space<vmem>> -> memref<80xi32, #tpu.memory_space<vmem>>
    %dma_start3A_371 = arith.constant 0 : i32
    %dma_start3A_372 = arith.constant 0 : i32
    %dma_start3A_373 = tpu.memref_slice %arg2[%dma_start3A_371, %dma_start3A_372] : memref<100000x512xf32, #tpu.memory_space<hbm>> -> memref<100000x512xf32, #tpu.memory_space<hbm>>
    tpu.enqueue_indirect_dma source(%dma_start3A_373 : memref<100000x512xf32, #tpu.memory_space<hbm>>) target(%dma_start3A_368 : memref<80x512xf32, #tpu.memory_space<vmem>>) offsets(%dma_start3A_370 : memref<80xi32, #tpu.memory_space<vmem>>) semaphore(%arg8 : memref<!tpu.dma_semaphore, #tpu.memory_space<semaphore_mem>>)
    %dma_wait3A_374 = arith.constant 1 : i32
    %dma_wait3A_375 = arith.constant 0 : i32
    %dma_wait3A_376 = arith.constant 0 : i32
    %dma_wait3A_377 = tpu.memref_slice %arg7[%dma_wait3A_374, %dma_wait3A_375, %dma_wait3A_376] : memref<3x80x512xf32, #tpu.memory_space<vmem>> -> memref<1x80x512xf32, #tpu.memory_space<vmem>>
    %dma_wait3A_378 = tpu.memref_squeeze %dma_wait3A_377 : memref<1x80x512xf32, #tpu.memory_space<vmem>> -> memref<80x512xf32, #tpu.memory_space<vmem>>
    %dma_wait3A_379 = arith.constant 560 : i32
    %dma_wait3A_380 = tpu.memref_slice %arg6[%dma_wait3A_379] : memref<1600xi32, #tpu.memory_space<vmem>> -> memref<80xi32, #tpu.memory_space<vmem>>
    %dma_wait3A_381 = arith.constant 0 : i32
    %dma_wait3A_382 = arith.constant 0 : i32
    %dma_wait3A_383 = tpu.memref_slice %arg2[%dma_wait3A_381, %dma_wait3A_382] : memref<100000x512xf32, #tpu.memory_space<hbm>> -> memref<100000x512xf32, #tpu.memory_space<hbm>>
    tpu.wait_indirect_dma semaphore(%arg9 : memref<!tpu.dma_semaphore, #tpu.memory_space<semaphore_mem>>) src(%dma_wait3A_383 : memref<100000x512xf32, #tpu.memory_space<hbm>>) dst(%dma_wait3A_378 : memref<80x512xf32, #tpu.memory_space<vmem>>)
    %add3A_384 = arith.constant 560 : i32
    %add3A_385 = arith.addi %mul3A_2, %add3A_384 : i32
    %dma_start3A_386 = arith.constant 1 : i32
    %dma_start3A_387 = arith.constant 0 : i32
    %dma_start3A_388 = arith.constant 0 : i32
    %dma_start3A_389 = tpu.memref_slice %arg7[%dma_start3A_386, %dma_start3A_387, %dma_start3A_388] : memref<3x80x512xf32, #tpu.memory_space<vmem>> -> memref<1x80x512xf32, #tpu.memory_space<vmem>>
    %dma_start3A_390 = tpu.memref_squeeze %dma_start3A_389 : memref<1x80x512xf32, #tpu.memory_space<vmem>> -> memref<80x512xf32, #tpu.memory_space<vmem>>
    %dma_start3A_391 = arith.constant 0 : i32
    %dma_start3A_392 = tpu.memref_slice %arg5[%add3A_385, %dma_start3A_391] : memref<52224x512xf32, #tpu.memory_space<hbm>> -> memref<80x512xf32, #tpu.memory_space<hbm>>
    %dma_start3A_393 = arith.constant 0 : i32
    %dma_start3A_394 = tpu.memref_slice %arg5[%add3A_385, %dma_start3A_393] : memref<52224x512xf32, #tpu.memory_space<hbm>> -> memref<80x512xf32, #tpu.memory_space<hbm>>
    %dma_start3A_395 = arith.constant 0 : i32
    %dma_start3A_396 = arith.constant 0 : i32
    %dma_start3A_397 = tpu.memref_slice %arg7[%dma_start3A_386, %dma_start3A_395, %dma_start3A_396] : memref<3x80x512xf32, #tpu.memory_space<vmem>> -> memref<1x80x512xf32, #tpu.memory_space<vmem>>
    %dma_start3A_398 = tpu.memref_squeeze %dma_start3A_397 : memref<1x80x512xf32, #tpu.memory_space<vmem>> -> memref<80x512xf32, #tpu.memory_space<vmem>>
    tpu.enqueue_dma source(%dma_start3A_398 : memref<80x512xf32, #tpu.memory_space<vmem>>) target(%dma_start3A_394 : memref<80x512xf32, #tpu.memory_space<hbm>>) target_semaphore(%arg12 : memref<!tpu.dma_semaphore, #tpu.memory_space<semaphore_mem>>)
    %dma_wait3A_399 = arith.constant 1 : i32
    %dma_wait3A_400 = arith.constant 0 : i32
    %dma_wait3A_401 = arith.constant 0 : i32
    %dma_wait3A_402 = tpu.memref_slice %arg7[%dma_wait3A_399, %dma_wait3A_400, %dma_wait3A_401] : memref<3x80x512xf32, #tpu.memory_space<vmem>> -> memref<1x80x512xf32, #tpu.memory_space<vmem>>
    %dma_wait3A_403 = tpu.memref_squeeze %dma_wait3A_402 : memref<1x80x512xf32, #tpu.memory_space<vmem>> -> memref<80x512xf32, #tpu.memory_space<vmem>>
    %dma_wait3A_404 = arith.constant 0 : i32
    %dma_wait3A_405 = tpu.memref_slice %arg5[%add3A_385, %dma_wait3A_404] : memref<52224x512xf32, #tpu.memory_space<hbm>> -> memref<80x512xf32, #tpu.memory_space<hbm>>
    %dma_wait3A_406 = arith.constant 0 : i32
    %dma_wait3A_407 = tpu.memref_slice %arg5[%add3A_385, %dma_wait3A_406] : memref<52224x512xf32, #tpu.memory_space<hbm>> -> memref<80x512xf32, #tpu.memory_space<hbm>>
    %dma_wait3A_408 = arith.constant 0 : i32
    %dma_wait3A_409 = arith.constant 0 : i32
    %dma_wait3A_410 = tpu.memref_slice %arg7[%dma_wait3A_399, %dma_wait3A_408, %dma_wait3A_409] : memref<3x80x512xf32, #tpu.memory_space<vmem>> -> memref<1x80x512xf32, #tpu.memory_space<vmem>>
    %dma_wait3A_411 = tpu.memref_squeeze %dma_wait3A_410 : memref<1x80x512xf32, #tpu.memory_space<vmem>> -> memref<80x512xf32, #tpu.memory_space<vmem>>
    tpu.wait_dma2 semaphore(%arg12 : memref<!tpu.dma_semaphore, #tpu.memory_space<semaphore_mem>>) src(%dma_wait3A_411 : memref<80x512xf32, #tpu.memory_space<vmem>>) dst(%dma_wait3A_407 : memref<80x512xf32, #tpu.memory_space<hbm>>)
    %dma_start3A_412 = arith.constant 1 : i32
    %dma_start3A_413 = arith.constant 0 : i32
    %dma_start3A_414 = arith.constant 0 : i32
    %dma_start3A_415 = tpu.memref_slice %arg7[%dma_start3A_412, %dma_start3A_413, %dma_start3A_414] : memref<3x80x512xf32, #tpu.memory_space<vmem>> -> memref<1x80x512xf32, #tpu.memory_space<vmem>>
    %dma_start3A_416 = tpu.memref_squeeze %dma_start3A_415 : memref<1x80x512xf32, #tpu.memory_space<vmem>> -> memref<80x512xf32, #tpu.memory_space<vmem>>
    %dma_start3A_417 = arith.constant 800 : i32
    %dma_start3A_418 = tpu.memref_slice %arg6[%dma_start3A_417] : memref<1600xi32, #tpu.memory_space<vmem>> -> memref<80xi32, #tpu.memory_space<vmem>>
    %dma_start3A_419 = arith.constant 0 : i32
    %dma_start3A_420 = arith.constant 0 : i32
    %dma_start3A_421 = tpu.memref_slice %arg2[%dma_start3A_419, %dma_start3A_420] : memref<100000x512xf32, #tpu.memory_space<hbm>> -> memref<100000x512xf32, #tpu.memory_space<hbm>>
    tpu.enqueue_indirect_dma source(%dma_start3A_421 : memref<100000x512xf32, #tpu.memory_space<hbm>>) target(%dma_start3A_416 : memref<80x512xf32, #tpu.memory_space<vmem>>) offsets(%dma_start3A_418 : memref<80xi32, #tpu.memory_space<vmem>>) semaphore(%arg9 : memref<!tpu.dma_semaphore, #tpu.memory_space<semaphore_mem>>)
    %dma_wait3A_422 = arith.constant 2 : i32
    %dma_wait3A_423 = arith.constant 0 : i32
    %dma_wait3A_424 = arith.constant 0 : i32
    %dma_wait3A_425 = tpu.memref_slice %arg7[%dma_wait3A_422, %dma_wait3A_423, %dma_wait3A_424] : memref<3x80x512xf32, #tpu.memory_space<vmem>> -> memref<1x80x512xf32, #tpu.memory_space<vmem>>
    %dma_wait3A_426 = tpu.memref_squeeze %dma_wait3A_425 : memref<1x80x512xf32, #tpu.memory_space<vmem>> -> memref<80x512xf32, #tpu.memory_space<vmem>>
    %dma_wait3A_427 = arith.constant 640 : i32
    %dma_wait3A_428 = tpu.memref_slice %arg6[%dma_wait3A_427] : memref<1600xi32, #tpu.memory_space<vmem>> -> memref<80xi32, #tpu.memory_space<vmem>>
    %dma_wait3A_429 = arith.constant 0 : i32
    %dma_wait3A_430 = arith.constant 0 : i32
    %dma_wait3A_431 = tpu.memref_slice %arg2[%dma_wait3A_429, %dma_wait3A_430] : memref<100000x512xf32, #tpu.memory_space<hbm>> -> memref<100000x512xf32, #tpu.memory_space<hbm>>
    tpu.wait_indirect_dma semaphore(%arg10 : memref<!tpu.dma_semaphore, #tpu.memory_space<semaphore_mem>>) src(%dma_wait3A_431 : memref<100000x512xf32, #tpu.memory_space<hbm>>) dst(%dma_wait3A_426 : memref<80x512xf32, #tpu.memory_space<vmem>>)
    %add3A_432 = arith.constant 640 : i32
    %add3A_433 = arith.addi %mul3A_2, %add3A_432 : i32
    %dma_start3A_434 = arith.constant 2 : i32
    %dma_start3A_435 = arith.constant 0 : i32
    %dma_start3A_436 = arith.constant 0 : i32
    %dma_start3A_437 = tpu.memref_slice %arg7[%dma_start3A_434, %dma_start3A_435, %dma_start3A_436] : memref<3x80x512xf32, #tpu.memory_space<vmem>> -> memref<1x80x512xf32, #tpu.memory_space<vmem>>
    %dma_start3A_438 = tpu.memref_squeeze %dma_start3A_437 : memref<1x80x512xf32, #tpu.memory_space<vmem>> -> memref<80x512xf32, #tpu.memory_space<vmem>>
    %dma_start3A_439 = arith.constant 0 : i32
    %dma_start3A_440 = tpu.memref_slice %arg5[%add3A_433, %dma_start3A_439] : memref<52224x512xf32, #tpu.memory_space<hbm>> -> memref<80x512xf32, #tpu.memory_space<hbm>>
    %dma_start3A_441 = arith.constant 0 : i32
    %dma_start3A_442 = tpu.memref_slice %arg5[%add3A_433, %dma_start3A_441] : memref<52224x512xf32, #tpu.memory_space<hbm>> -> memref<80x512xf32, #tpu.memory_space<hbm>>
    %dma_start3A_443 = arith.constant 0 : i32
    %dma_start3A_444 = arith.constant 0 : i32
    %dma_start3A_445 = tpu.memref_slice %arg7[%dma_start3A_434, %dma_start3A_443, %dma_start3A_444] : memref<3x80x512xf32, #tpu.memory_space<vmem>> -> memref<1x80x512xf32, #tpu.memory_space<vmem>>
    %dma_start3A_446 = tpu.memref_squeeze %dma_start3A_445 : memref<1x80x512xf32, #tpu.memory_space<vmem>> -> memref<80x512xf32, #tpu.memory_space<vmem>>
    tpu.enqueue_dma source(%dma_start3A_446 : memref<80x512xf32, #tpu.memory_space<vmem>>) target(%dma_start3A_442 : memref<80x512xf32, #tpu.memory_space<hbm>>) target_semaphore(%arg13 : memref<!tpu.dma_semaphore, #tpu.memory_space<semaphore_mem>>)
    %dma_wait3A_447 = arith.constant 2 : i32
    %dma_wait3A_448 = arith.constant 0 : i32
    %dma_wait3A_449 = arith.constant 0 : i32
    %dma_wait3A_450 = tpu.memref_slice %arg7[%dma_wait3A_447, %dma_wait3A_448, %dma_wait3A_449] : memref<3x80x512xf32, #tpu.memory_space<vmem>> -> memref<1x80x512xf32, #tpu.memory_space<vmem>>
    %dma_wait3A_451 = tpu.memref_squeeze %dma_wait3A_450 : memref<1x80x512xf32, #tpu.memory_space<vmem>> -> memref<80x512xf32, #tpu.memory_space<vmem>>
    %dma_wait3A_452 = arith.constant 0 : i32
    %dma_wait3A_453 = tpu.memref_slice %arg5[%add3A_433, %dma_wait3A_452] : memref<52224x512xf32, #tpu.memory_space<hbm>> -> memref<80x512xf32, #tpu.memory_space<hbm>>
    %dma_wait3A_454 = arith.constant 0 : i32
    %dma_wait3A_455 = tpu.memref_slice %arg5[%add3A_433, %dma_wait3A_454] : memref<52224x512xf32, #tpu.memory_space<hbm>> -> memref<80x512xf32, #tpu.memory_space<hbm>>
    %dma_wait3A_456 = arith.constant 0 : i32
    %dma_wait3A_457 = arith.constant 0 : i32
    %dma_wait3A_458 = tpu.memref_slice %arg7[%dma_wait3A_447, %dma_wait3A_456, %dma_wait3A_457] : memref<3x80x512xf32, #tpu.memory_space<vmem>> -> memref<1x80x512xf32, #tpu.memory_space<vmem>>
    %dma_wait3A_459 = tpu.memref_squeeze %dma_wait3A_458 : memref<1x80x512xf32, #tpu.memory_space<vmem>> -> memref<80x512xf32, #tpu.memory_space<vmem>>
    tpu.wait_dma2 semaphore(%arg13 : memref<!tpu.dma_semaphore, #tpu.memory_space<semaphore_mem>>) src(%dma_wait3A_459 : memref<80x512xf32, #tpu.memory_space<vmem>>) dst(%dma_wait3A_455 : memref<80x512xf32, #tpu.memory_space<hbm>>)
    %dma_start3A_460 = arith.constant 2 : i32
    %dma_start3A_461 = arith.constant 0 : i32
    %dma_start3A_462 = arith.constant 0 : i32
    %dma_start3A_463 = tpu.memref_slice %arg7[%dma_start3A_460, %dma_start3A_461, %dma_start3A_462] : memref<3x80x512xf32, #tpu.memory_space<vmem>> -> memref<1x80x512xf32, #tpu.memory_space<vmem>>
    %dma_start3A_464 = tpu.memref_squeeze %dma_start3A_463 : memref<1x80x512xf32, #tpu.memory_space<vmem>> -> memref<80x512xf32, #tpu.memory_space<vmem>>
    %dma_start3A_465 = arith.constant 880 : i32
    %dma_start3A_466 = tpu.memref_slice %arg6[%dma_start3A_465] : memref<1600xi32, #tpu.memory_space<vmem>> -> memref<80xi32, #tpu.memory_space<vmem>>
    %dma_start3A_467 = arith.constant 0 : i32
    %dma_start3A_468 = arith.constant 0 : i32
    %dma_start3A_469 = tpu.memref_slice %arg2[%dma_start3A_467, %dma_start3A_468] : memref<100000x512xf32, #tpu.memory_space<hbm>> -> memref<100000x512xf32, #tpu.memory_space<hbm>>
    tpu.enqueue_indirect_dma source(%dma_start3A_469 : memref<100000x512xf32, #tpu.memory_space<hbm>>) target(%dma_start3A_464 : memref<80x512xf32, #tpu.memory_space<vmem>>) offsets(%dma_start3A_466 : memref<80xi32, #tpu.memory_space<vmem>>) semaphore(%arg10 : memref<!tpu.dma_semaphore, #tpu.memory_space<semaphore_mem>>)
    %dma_wait3A_470 = arith.constant 0 : i32
    %dma_wait3A_471 = arith.constant 0 : i32
    %dma_wait3A_472 = arith.constant 0 : i32
    %dma_wait3A_473 = tpu.memref_slice %arg7[%dma_wait3A_470, %dma_wait3A_471, %dma_wait3A_472] : memref<3x80x512xf32, #tpu.memory_space<vmem>> -> memref<1x80x512xf32, #tpu.memory_space<vmem>>
    %dma_wait3A_474 = tpu.memref_squeeze %dma_wait3A_473 : memref<1x80x512xf32, #tpu.memory_space<vmem>> -> memref<80x512xf32, #tpu.memory_space<vmem>>
    %dma_wait3A_475 = arith.constant 720 : i32
    %dma_wait3A_476 = tpu.memref_slice %arg6[%dma_wait3A_475] : memref<1600xi32, #tpu.memory_space<vmem>> -> memref<80xi32, #tpu.memory_space<vmem>>
    %dma_wait3A_477 = arith.constant 0 : i32
    %dma_wait3A_478 = arith.constant 0 : i32
    %dma_wait3A_479 = tpu.memref_slice %arg2[%dma_wait3A_477, %dma_wait3A_478] : memref<100000x512xf32, #tpu.memory_space<hbm>> -> memref<100000x512xf32, #tpu.memory_space<hbm>>
    tpu.wait_indirect_dma semaphore(%arg8 : memref<!tpu.dma_semaphore, #tpu.memory_space<semaphore_mem>>) src(%dma_wait3A_479 : memref<100000x512xf32, #tpu.memory_space<hbm>>) dst(%dma_wait3A_474 : memref<80x512xf32, #tpu.memory_space<vmem>>)
    %add3A_480 = arith.constant 720 : i32
    %add3A_481 = arith.addi %mul3A_2, %add3A_480 : i32
    %dma_start3A_482 = arith.constant 0 : i32
    %dma_start3A_483 = arith.constant 0 : i32
    %dma_start3A_484 = arith.constant 0 : i32
    %dma_start3A_485 = tpu.memref_slice %arg7[%dma_start3A_482, %dma_start3A_483, %dma_start3A_484] : memref<3x80x512xf32, #tpu.memory_space<vmem>> -> memref<1x80x512xf32, #tpu.memory_space<vmem>>
    %dma_start3A_486 = tpu.memref_squeeze %dma_start3A_485 : memref<1x80x512xf32, #tpu.memory_space<vmem>> -> memref<80x512xf32, #tpu.memory_space<vmem>>
    %dma_start3A_487 = arith.constant 0 : i32
    %dma_start3A_488 = tpu.memref_slice %arg5[%add3A_481, %dma_start3A_487] : memref<52224x512xf32, #tpu.memory_space<hbm>> -> memref<80x512xf32, #tpu.memory_space<hbm>>
    %dma_start3A_489 = arith.constant 0 : i32
    %dma_start3A_490 = tpu.memref_slice %arg5[%add3A_481, %dma_start3A_489] : memref<52224x512xf32, #tpu.memory_space<hbm>> -> memref<80x512xf32, #tpu.memory_space<hbm>>
    %dma_start3A_491 = arith.constant 0 : i32
    %dma_start3A_492 = arith.constant 0 : i32
    %dma_start3A_493 = tpu.memref_slice %arg7[%dma_start3A_482, %dma_start3A_491, %dma_start3A_492] : memref<3x80x512xf32, #tpu.memory_space<vmem>> -> memref<1x80x512xf32, #tpu.memory_space<vmem>>
    %dma_start3A_494 = tpu.memref_squeeze %dma_start3A_493 : memref<1x80x512xf32, #tpu.memory_space<vmem>> -> memref<80x512xf32, #tpu.memory_space<vmem>>
    tpu.enqueue_dma source(%dma_start3A_494 : memref<80x512xf32, #tpu.memory_space<vmem>>) target(%dma_start3A_490 : memref<80x512xf32, #tpu.memory_space<hbm>>) target_semaphore(%arg11 : memref<!tpu.dma_semaphore, #tpu.memory_space<semaphore_mem>>)
    %dma_wait3A_495 = arith.constant 0 : i32
    %dma_wait3A_496 = arith.constant 0 : i32
    %dma_wait3A_497 = arith.constant 0 : i32
    %dma_wait3A_498 = tpu.memref_slice %arg7[%dma_wait3A_495, %dma_wait3A_496, %dma_wait3A_497] : memref<3x80x512xf32, #tpu.memory_space<vmem>> -> memref<1x80x512xf32, #tpu.memory_space<vmem>>
    %dma_wait3A_499 = tpu.memref_squeeze %dma_wait3A_498 : memref<1x80x512xf32, #tpu.memory_space<vmem>> -> memref<80x512xf32, #tpu.memory_space<vmem>>
    %dma_wait3A_500 = arith.constant 0 : i32
    %dma_wait3A_501 = tpu.memref_slice %arg5[%add3A_481, %dma_wait3A_500] : memref<52224x512xf32, #tpu.memory_space<hbm>> -> memref<80x512xf32, #tpu.memory_space<hbm>>
    %dma_wait3A_502 = arith.constant 0 : i32
    %dma_wait3A_503 = tpu.memref_slice %arg5[%add3A_481, %dma_wait3A_502] : memref<52224x512xf32, #tpu.memory_space<hbm>> -> memref<80x512xf32, #tpu.memory_space<hbm>>
    %dma_wait3A_504 = arith.constant 0 : i32
    %dma_wait3A_505 = arith.constant 0 : i32
    %dma_wait3A_506 = tpu.memref_slice %arg7[%dma_wait3A_495, %dma_wait3A_504, %dma_wait3A_505] : memref<3x80x512xf32, #tpu.memory_space<vmem>> -> memref<1x80x512xf32, #tpu.memory_space<vmem>>
    %dma_wait3A_507 = tpu.memref_squeeze %dma_wait3A_506 : memref<1x80x512xf32, #tpu.memory_space<vmem>> -> memref<80x512xf32, #tpu.memory_space<vmem>>
    tpu.wait_dma2 semaphore(%arg11 : memref<!tpu.dma_semaphore, #tpu.memory_space<semaphore_mem>>) src(%dma_wait3A_507 : memref<80x512xf32, #tpu.memory_space<vmem>>) dst(%dma_wait3A_503 : memref<80x512xf32, #tpu.memory_space<hbm>>)
    %dma_start3A_508 = arith.constant 0 : i32
    %dma_start3A_509 = arith.constant 0 : i32
    %dma_start3A_510 = arith.constant 0 : i32
    %dma_start3A_511 = tpu.memref_slice %arg7[%dma_start3A_508, %dma_start3A_509, %dma_start3A_510] : memref<3x80x512xf32, #tpu.memory_space<vmem>> -> memref<1x80x512xf32, #tpu.memory_space<vmem>>
    %dma_start3A_512 = tpu.memref_squeeze %dma_start3A_511 : memref<1x80x512xf32, #tpu.memory_space<vmem>> -> memref<80x512xf32, #tpu.memory_space<vmem>>
    %dma_start3A_513 = arith.constant 960 : i32
    %dma_start3A_514 = tpu.memref_slice %arg6[%dma_start3A_513] : memref<1600xi32, #tpu.memory_space<vmem>> -> memref<80xi32, #tpu.memory_space<vmem>>
    %dma_start3A_515 = arith.constant 0 : i32
    %dma_start3A_516 = arith.constant 0 : i32
    %dma_start3A_517 = tpu.memref_slice %arg2[%dma_start3A_515, %dma_start3A_516] : memref<100000x512xf32, #tpu.memory_space<hbm>> -> memref<100000x512xf32, #tpu.memory_space<hbm>>
    tpu.enqueue_indirect_dma source(%dma_start3A_517 : memref<100000x512xf32, #tpu.memory_space<hbm>>) target(%dma_start3A_512 : memref<80x512xf32, #tpu.memory_space<vmem>>) offsets(%dma_start3A_514 : memref<80xi32, #tpu.memory_space<vmem>>) semaphore(%arg8 : memref<!tpu.dma_semaphore, #tpu.memory_space<semaphore_mem>>)
    %dma_wait3A_518 = arith.constant 1 : i32
    %dma_wait3A_519 = arith.constant 0 : i32
    %dma_wait3A_520 = arith.constant 0 : i32
    %dma_wait3A_521 = tpu.memref_slice %arg7[%dma_wait3A_518, %dma_wait3A_519, %dma_wait3A_520] : memref<3x80x512xf32, #tpu.memory_space<vmem>> -> memref<1x80x512xf32, #tpu.memory_space<vmem>>
    %dma_wait3A_522 = tpu.memref_squeeze %dma_wait3A_521 : memref<1x80x512xf32, #tpu.memory_space<vmem>> -> memref<80x512xf32, #tpu.memory_space<vmem>>
    %dma_wait3A_523 = arith.constant 800 : i32
    %dma_wait3A_524 = tpu.memref_slice %arg6[%dma_wait3A_523] : memref<1600xi32, #tpu.memory_space<vmem>> -> memref<80xi32, #tpu.memory_space<vmem>>
    %dma_wait3A_525 = arith.constant 0 : i32
    %dma_wait3A_526 = arith.constant 0 : i32
    %dma_wait3A_527 = tpu.memref_slice %arg2[%dma_wait3A_525, %dma_wait3A_526] : memref<100000x512xf32, #tpu.memory_space<hbm>> -> memref<100000x512xf32, #tpu.memory_space<hbm>>
    tpu.wait_indirect_dma semaphore(%arg9 : memref<!tpu.dma_semaphore, #tpu.memory_space<semaphore_mem>>) src(%dma_wait3A_527 : memref<100000x512xf32, #tpu.memory_space<hbm>>) dst(%dma_wait3A_522 : memref<80x512xf32, #tpu.memory_space<vmem>>)
    %add3A_528 = arith.constant 800 : i32
    %add3A_529 = arith.addi %mul3A_2, %add3A_528 : i32
    %dma_start3A_530 = arith.constant 1 : i32
    %dma_start3A_531 = arith.constant 0 : i32
    %dma_start3A_532 = arith.constant 0 : i32
    %dma_start3A_533 = tpu.memref_slice %arg7[%dma_start3A_530, %dma_start3A_531, %dma_start3A_532] : memref<3x80x512xf32, #tpu.memory_space<vmem>> -> memref<1x80x512xf32, #tpu.memory_space<vmem>>
    %dma_start3A_534 = tpu.memref_squeeze %dma_start3A_533 : memref<1x80x512xf32, #tpu.memory_space<vmem>> -> memref<80x512xf32, #tpu.memory_space<vmem>>
    %dma_start3A_535 = arith.constant 0 : i32
    %dma_start3A_536 = tpu.memref_slice %arg5[%add3A_529, %dma_start3A_535] : memref<52224x512xf32, #tpu.memory_space<hbm>> -> memref<80x512xf32, #tpu.memory_space<hbm>>
    %dma_start3A_537 = arith.constant 0 : i32
    %dma_start3A_538 = tpu.memref_slice %arg5[%add3A_529, %dma_start3A_537] : memref<52224x512xf32, #tpu.memory_space<hbm>> -> memref<80x512xf32, #tpu.memory_space<hbm>>
    %dma_start3A_539 = arith.constant 0 : i32
    %dma_start3A_540 = arith.constant 0 : i32
    %dma_start3A_541 = tpu.memref_slice %arg7[%dma_start3A_530, %dma_start3A_539, %dma_start3A_540] : memref<3x80x512xf32, #tpu.memory_space<vmem>> -> memref<1x80x512xf32, #tpu.memory_space<vmem>>
    %dma_start3A_542 = tpu.memref_squeeze %dma_start3A_541 : memref<1x80x512xf32, #tpu.memory_space<vmem>> -> memref<80x512xf32, #tpu.memory_space<vmem>>
    tpu.enqueue_dma source(%dma_start3A_542 : memref<80x512xf32, #tpu.memory_space<vmem>>) target(%dma_start3A_538 : memref<80x512xf32, #tpu.memory_space<hbm>>) target_semaphore(%arg12 : memref<!tpu.dma_semaphore, #tpu.memory_space<semaphore_mem>>)
    %dma_wait3A_543 = arith.constant 1 : i32
    %dma_wait3A_544 = arith.constant 0 : i32
    %dma_wait3A_545 = arith.constant 0 : i32
    %dma_wait3A_546 = tpu.memref_slice %arg7[%dma_wait3A_543, %dma_wait3A_544, %dma_wait3A_545] : memref<3x80x512xf32, #tpu.memory_space<vmem>> -> memref<1x80x512xf32, #tpu.memory_space<vmem>>
    %dma_wait3A_547 = tpu.memref_squeeze %dma_wait3A_546 : memref<1x80x512xf32, #tpu.memory_space<vmem>> -> memref<80x512xf32, #tpu.memory_space<vmem>>
    %dma_wait3A_548 = arith.constant 0 : i32
    %dma_wait3A_549 = tpu.memref_slice %arg5[%add3A_529, %dma_wait3A_548] : memref<52224x512xf32, #tpu.memory_space<hbm>> -> memref<80x512xf32, #tpu.memory_space<hbm>>
    %dma_wait3A_550 = arith.constant 0 : i32
    %dma_wait3A_551 = tpu.memref_slice %arg5[%add3A_529, %dma_wait3A_550] : memref<52224x512xf32, #tpu.memory_space<hbm>> -> memref<80x512xf32, #tpu.memory_space<hbm>>
    %dma_wait3A_552 = arith.constant 0 : i32
    %dma_wait3A_553 = arith.constant 0 : i32
    %dma_wait3A_554 = tpu.memref_slice %arg7[%dma_wait3A_543, %dma_wait3A_552, %dma_wait3A_553] : memref<3x80x512xf32, #tpu.memory_space<vmem>> -> memref<1x80x512xf32, #tpu.memory_space<vmem>>
    %dma_wait3A_555 = tpu.memref_squeeze %dma_wait3A_554 : memref<1x80x512xf32, #tpu.memory_space<vmem>> -> memref<80x512xf32, #tpu.memory_space<vmem>>
    tpu.wait_dma2 semaphore(%arg12 : memref<!tpu.dma_semaphore, #tpu.memory_space<semaphore_mem>>) src(%dma_wait3A_555 : memref<80x512xf32, #tpu.memory_space<vmem>>) dst(%dma_wait3A_551 : memref<80x512xf32, #tpu.memory_space<hbm>>)
    %dma_start3A_556 = arith.constant 1 : i32
    %dma_start3A_557 = arith.constant 0 : i32
    %dma_start3A_558 = arith.constant 0 : i32
    %dma_start3A_559 = tpu.memref_slice %arg7[%dma_start3A_556, %dma_start3A_557, %dma_start3A_558] : memref<3x80x512xf32, #tpu.memory_space<vmem>> -> memref<1x80x512xf32, #tpu.memory_space<vmem>>
    %dma_start3A_560 = tpu.memref_squeeze %dma_start3A_559 : memref<1x80x512xf32, #tpu.memory_space<vmem>> -> memref<80x512xf32, #tpu.memory_space<vmem>>
    %dma_start3A_561 = arith.constant 1040 : i32
    %dma_start3A_562 = tpu.memref_slice %arg6[%dma_start3A_561] : memref<1600xi32, #tpu.memory_space<vmem>> -> memref<80xi32, #tpu.memory_space<vmem>>
    %dma_start3A_563 = arith.constant 0 : i32
    %dma_start3A_564 = arith.constant 0 : i32
    %dma_start3A_565 = tpu.memref_slice %arg2[%dma_start3A_563, %dma_start3A_564] : memref<100000x512xf32, #tpu.memory_space<hbm>> -> memref<100000x512xf32, #tpu.memory_space<hbm>>
    tpu.enqueue_indirect_dma source(%dma_start3A_565 : memref<100000x512xf32, #tpu.memory_space<hbm>>) target(%dma_start3A_560 : memref<80x512xf32, #tpu.memory_space<vmem>>) offsets(%dma_start3A_562 : memref<80xi32, #tpu.memory_space<vmem>>) semaphore(%arg9 : memref<!tpu.dma_semaphore, #tpu.memory_space<semaphore_mem>>)
    %dma_wait3A_566 = arith.constant 2 : i32
    %dma_wait3A_567 = arith.constant 0 : i32
    %dma_wait3A_568 = arith.constant 0 : i32
    %dma_wait3A_569 = tpu.memref_slice %arg7[%dma_wait3A_566, %dma_wait3A_567, %dma_wait3A_568] : memref<3x80x512xf32, #tpu.memory_space<vmem>> -> memref<1x80x512xf32, #tpu.memory_space<vmem>>
    %dma_wait3A_570 = tpu.memref_squeeze %dma_wait3A_569 : memref<1x80x512xf32, #tpu.memory_space<vmem>> -> memref<80x512xf32, #tpu.memory_space<vmem>>
    %dma_wait3A_571 = arith.constant 880 : i32
    %dma_wait3A_572 = tpu.memref_slice %arg6[%dma_wait3A_571] : memref<1600xi32, #tpu.memory_space<vmem>> -> memref<80xi32, #tpu.memory_space<vmem>>
    %dma_wait3A_573 = arith.constant 0 : i32
    %dma_wait3A_574 = arith.constant 0 : i32
    %dma_wait3A_575 = tpu.memref_slice %arg2[%dma_wait3A_573, %dma_wait3A_574] : memref<100000x512xf32, #tpu.memory_space<hbm>> -> memref<100000x512xf32, #tpu.memory_space<hbm>>
    tpu.wait_indirect_dma semaphore(%arg10 : memref<!tpu.dma_semaphore, #tpu.memory_space<semaphore_mem>>) src(%dma_wait3A_575 : memref<100000x512xf32, #tpu.memory_space<hbm>>) dst(%dma_wait3A_570 : memref<80x512xf32, #tpu.memory_space<vmem>>)
    %add3A_576 = arith.constant 880 : i32
    %add3A_577 = arith.addi %mul3A_2, %add3A_576 : i32
    %dma_start3A_578 = arith.constant 2 : i32
    %dma_start3A_579 = arith.constant 0 : i32
    %dma_start3A_580 = arith.constant 0 : i32
    %dma_start3A_581 = tpu.memref_slice %arg7[%dma_start3A_578, %dma_start3A_579, %dma_start3A_580] : memref<3x80x512xf32, #tpu.memory_space<vmem>> -> memref<1x80x512xf32, #tpu.memory_space<vmem>>
    %dma_start3A_582 = tpu.memref_squeeze %dma_start3A_581 : memref<1x80x512xf32, #tpu.memory_space<vmem>> -> memref<80x512xf32, #tpu.memory_space<vmem>>
    %dma_start3A_583 = arith.constant 0 : i32
    %dma_start3A_584 = tpu.memref_slice %arg5[%add3A_577, %dma_start3A_583] : memref<52224x512xf32, #tpu.memory_space<hbm>> -> memref<80x512xf32, #tpu.memory_space<hbm>>
    %dma_start3A_585 = arith.constant 0 : i32
    %dma_start3A_586 = tpu.memref_slice %arg5[%add3A_577, %dma_start3A_585] : memref<52224x512xf32, #tpu.memory_space<hbm>> -> memref<80x512xf32, #tpu.memory_space<hbm>>
    %dma_start3A_587 = arith.constant 0 : i32
    %dma_start3A_588 = arith.constant 0 : i32
    %dma_start3A_589 = tpu.memref_slice %arg7[%dma_start3A_578, %dma_start3A_587, %dma_start3A_588] : memref<3x80x512xf32, #tpu.memory_space<vmem>> -> memref<1x80x512xf32, #tpu.memory_space<vmem>>
    %dma_start3A_590 = tpu.memref_squeeze %dma_start3A_589 : memref<1x80x512xf32, #tpu.memory_space<vmem>> -> memref<80x512xf32, #tpu.memory_space<vmem>>
    tpu.enqueue_dma source(%dma_start3A_590 : memref<80x512xf32, #tpu.memory_space<vmem>>) target(%dma_start3A_586 : memref<80x512xf32, #tpu.memory_space<hbm>>) target_semaphore(%arg13 : memref<!tpu.dma_semaphore, #tpu.memory_space<semaphore_mem>>)
    %dma_wait3A_591 = arith.constant 2 : i32
    %dma_wait3A_592 = arith.constant 0 : i32
    %dma_wait3A_593 = arith.constant 0 : i32
    %dma_wait3A_594 = tpu.memref_slice %arg7[%dma_wait3A_591, %dma_wait3A_592, %dma_wait3A_593] : memref<3x80x512xf32, #tpu.memory_space<vmem>> -> memref<1x80x512xf32, #tpu.memory_space<vmem>>
    %dma_wait3A_595 = tpu.memref_squeeze %dma_wait3A_594 : memref<1x80x512xf32, #tpu.memory_space<vmem>> -> memref<80x512xf32, #tpu.memory_space<vmem>>
    %dma_wait3A_596 = arith.constant 0 : i32
    %dma_wait3A_597 = tpu.memref_slice %arg5[%add3A_577, %dma_wait3A_596] : memref<52224x512xf32, #tpu.memory_space<hbm>> -> memref<80x512xf32, #tpu.memory_space<hbm>>
    %dma_wait3A_598 = arith.constant 0 : i32
    %dma_wait3A_599 = tpu.memref_slice %arg5[%add3A_577, %dma_wait3A_598] : memref<52224x512xf32, #tpu.memory_space<hbm>> -> memref<80x512xf32, #tpu.memory_space<hbm>>
    %dma_wait3A_600 = arith.constant 0 : i32
    %dma_wait3A_601 = arith.constant 0 : i32
    %dma_wait3A_602 = tpu.memref_slice %arg7[%dma_wait3A_591, %dma_wait3A_600, %dma_wait3A_601] : memref<3x80x512xf32, #tpu.memory_space<vmem>> -> memref<1x80x512xf32, #tpu.memory_space<vmem>>
    %dma_wait3A_603 = tpu.memref_squeeze %dma_wait3A_602 : memref<1x80x512xf32, #tpu.memory_space<vmem>> -> memref<80x512xf32, #tpu.memory_space<vmem>>
    tpu.wait_dma2 semaphore(%arg13 : memref<!tpu.dma_semaphore, #tpu.memory_space<semaphore_mem>>) src(%dma_wait3A_603 : memref<80x512xf32, #tpu.memory_space<vmem>>) dst(%dma_wait3A_599 : memref<80x512xf32, #tpu.memory_space<hbm>>)
    %dma_start3A_604 = arith.constant 2 : i32
    %dma_start3A_605 = arith.constant 0 : i32
    %dma_start3A_606 = arith.constant 0 : i32
    %dma_start3A_607 = tpu.memref_slice %arg7[%dma_start3A_604, %dma_start3A_605, %dma_start3A_606] : memref<3x80x512xf32, #tpu.memory_space<vmem>> -> memref<1x80x512xf32, #tpu.memory_space<vmem>>
    %dma_start3A_608 = tpu.memref_squeeze %dma_start3A_607 : memref<1x80x512xf32, #tpu.memory_space<vmem>> -> memref<80x512xf32, #tpu.memory_space<vmem>>
    %dma_start3A_609 = arith.constant 1120 : i32
    %dma_start3A_610 = tpu.memref_slice %arg6[%dma_start3A_609] : memref<1600xi32, #tpu.memory_space<vmem>> -> memref<80xi32, #tpu.memory_space<vmem>>
    %dma_start3A_611 = arith.constant 0 : i32
    %dma_start3A_612 = arith.constant 0 : i32
    %dma_start3A_613 = tpu.memref_slice %arg2[%dma_start3A_611, %dma_start3A_612] : memref<100000x512xf32, #tpu.memory_space<hbm>> -> memref<100000x512xf32, #tpu.memory_space<hbm>>
    tpu.enqueue_indirect_dma source(%dma_start3A_613 : memref<100000x512xf32, #tpu.memory_space<hbm>>) target(%dma_start3A_608 : memref<80x512xf32, #tpu.memory_space<vmem>>) offsets(%dma_start3A_610 : memref<80xi32, #tpu.memory_space<vmem>>) semaphore(%arg10 : memref<!tpu.dma_semaphore, #tpu.memory_space<semaphore_mem>>)
    %dma_wait3A_614 = arith.constant 0 : i32
    %dma_wait3A_615 = arith.constant 0 : i32
    %dma_wait3A_616 = arith.constant 0 : i32
    %dma_wait3A_617 = tpu.memref_slice %arg7[%dma_wait3A_614, %dma_wait3A_615, %dma_wait3A_616] : memref<3x80x512xf32, #tpu.memory_space<vmem>> -> memref<1x80x512xf32, #tpu.memory_space<vmem>>
    %dma_wait3A_618 = tpu.memref_squeeze %dma_wait3A_617 : memref<1x80x512xf32, #tpu.memory_space<vmem>> -> memref<80x512xf32, #tpu.memory_space<vmem>>
    %dma_wait3A_619 = arith.constant 960 : i32
    %dma_wait3A_620 = tpu.memref_slice %arg6[%dma_wait3A_619] : memref<1600xi32, #tpu.memory_space<vmem>> -> memref<80xi32, #tpu.memory_space<vmem>>
    %dma_wait3A_621 = arith.constant 0 : i32
    %dma_wait3A_622 = arith.constant 0 : i32
    %dma_wait3A_623 = tpu.memref_slice %arg2[%dma_wait3A_621, %dma_wait3A_622] : memref<100000x512xf32, #tpu.memory_space<hbm>> -> memref<100000x512xf32, #tpu.memory_space<hbm>>
    tpu.wait_indirect_dma semaphore(%arg8 : memref<!tpu.dma_semaphore, #tpu.memory_space<semaphore_mem>>) src(%dma_wait3A_623 : memref<100000x512xf32, #tpu.memory_space<hbm>>) dst(%dma_wait3A_618 : memref<80x512xf32, #tpu.memory_space<vmem>>)
    %add3A_624 = arith.constant 960 : i32
    %add3A_625 = arith.addi %mul3A_2, %add3A_624 : i32
    %dma_start3A_626 = arith.constant 0 : i32
    %dma_start3A_627 = arith.constant 0 : i32
    %dma_start3A_628 = arith.constant 0 : i32
    %dma_start3A_629 = tpu.memref_slice %arg7[%dma_start3A_626, %dma_start3A_627, %dma_start3A_628] : memref<3x80x512xf32, #tpu.memory_space<vmem>> -> memref<1x80x512xf32, #tpu.memory_space<vmem>>
    %dma_start3A_630 = tpu.memref_squeeze %dma_start3A_629 : memref<1x80x512xf32, #tpu.memory_space<vmem>> -> memref<80x512xf32, #tpu.memory_space<vmem>>
    %dma_start3A_631 = arith.constant 0 : i32
    %dma_start3A_632 = tpu.memref_slice %arg5[%add3A_625, %dma_start3A_631] : memref<52224x512xf32, #tpu.memory_space<hbm>> -> memref<80x512xf32, #tpu.memory_space<hbm>>
    %dma_start3A_633 = arith.constant 0 : i32
    %dma_start3A_634 = tpu.memref_slice %arg5[%add3A_625, %dma_start3A_633] : memref<52224x512xf32, #tpu.memory_space<hbm>> -> memref<80x512xf32, #tpu.memory_space<hbm>>
    %dma_start3A_635 = arith.constant 0 : i32
    %dma_start3A_636 = arith.constant 0 : i32
    %dma_start3A_637 = tpu.memref_slice %arg7[%dma_start3A_626, %dma_start3A_635, %dma_start3A_636] : memref<3x80x512xf32, #tpu.memory_space<vmem>> -> memref<1x80x512xf32, #tpu.memory_space<vmem>>
    %dma_start3A_638 = tpu.memref_squeeze %dma_start3A_637 : memref<1x80x512xf32, #tpu.memory_space<vmem>> -> memref<80x512xf32, #tpu.memory_space<vmem>>
    tpu.enqueue_dma source(%dma_start3A_638 : memref<80x512xf32, #tpu.memory_space<vmem>>) target(%dma_start3A_634 : memref<80x512xf32, #tpu.memory_space<hbm>>) target_semaphore(%arg11 : memref<!tpu.dma_semaphore, #tpu.memory_space<semaphore_mem>>)
    %dma_wait3A_639 = arith.constant 0 : i32
    %dma_wait3A_640 = arith.constant 0 : i32
    %dma_wait3A_641 = arith.constant 0 : i32
    %dma_wait3A_642 = tpu.memref_slice %arg7[%dma_wait3A_639, %dma_wait3A_640, %dma_wait3A_641] : memref<3x80x512xf32, #tpu.memory_space<vmem>> -> memref<1x80x512xf32, #tpu.memory_space<vmem>>
    %dma_wait3A_643 = tpu.memref_squeeze %dma_wait3A_642 : memref<1x80x512xf32, #tpu.memory_space<vmem>> -> memref<80x512xf32, #tpu.memory_space<vmem>>
    %dma_wait3A_644 = arith.constant 0 : i32
    %dma_wait3A_645 = tpu.memref_slice %arg5[%add3A_625, %dma_wait3A_644] : memref<52224x512xf32, #tpu.memory_space<hbm>> -> memref<80x512xf32, #tpu.memory_space<hbm>>
    %dma_wait3A_646 = arith.constant 0 : i32
    %dma_wait3A_647 = tpu.memref_slice %arg5[%add3A_625, %dma_wait3A_646] : memref<52224x512xf32, #tpu.memory_space<hbm>> -> memref<80x512xf32, #tpu.memory_space<hbm>>
    %dma_wait3A_648 = arith.constant 0 : i32
    %dma_wait3A_649 = arith.constant 0 : i32
    %dma_wait3A_650 = tpu.memref_slice %arg7[%dma_wait3A_639, %dma_wait3A_648, %dma_wait3A_649] : memref<3x80x512xf32, #tpu.memory_space<vmem>> -> memref<1x80x512xf32, #tpu.memory_space<vmem>>
    %dma_wait3A_651 = tpu.memref_squeeze %dma_wait3A_650 : memref<1x80x512xf32, #tpu.memory_space<vmem>> -> memref<80x512xf32, #tpu.memory_space<vmem>>
    tpu.wait_dma2 semaphore(%arg11 : memref<!tpu.dma_semaphore, #tpu.memory_space<semaphore_mem>>) src(%dma_wait3A_651 : memref<80x512xf32, #tpu.memory_space<vmem>>) dst(%dma_wait3A_647 : memref<80x512xf32, #tpu.memory_space<hbm>>)
    %dma_start3A_652 = arith.constant 0 : i32
    %dma_start3A_653 = arith.constant 0 : i32
    %dma_start3A_654 = arith.constant 0 : i32
    %dma_start3A_655 = tpu.memref_slice %arg7[%dma_start3A_652, %dma_start3A_653, %dma_start3A_654] : memref<3x80x512xf32, #tpu.memory_space<vmem>> -> memref<1x80x512xf32, #tpu.memory_space<vmem>>
    %dma_start3A_656 = tpu.memref_squeeze %dma_start3A_655 : memref<1x80x512xf32, #tpu.memory_space<vmem>> -> memref<80x512xf32, #tpu.memory_space<vmem>>
    %dma_start3A_657 = arith.constant 1200 : i32
    %dma_start3A_658 = tpu.memref_slice %arg6[%dma_start3A_657] : memref<1600xi32, #tpu.memory_space<vmem>> -> memref<80xi32, #tpu.memory_space<vmem>>
    %dma_start3A_659 = arith.constant 0 : i32
    %dma_start3A_660 = arith.constant 0 : i32
    %dma_start3A_661 = tpu.memref_slice %arg2[%dma_start3A_659, %dma_start3A_660] : memref<100000x512xf32, #tpu.memory_space<hbm>> -> memref<100000x512xf32, #tpu.memory_space<hbm>>
    tpu.enqueue_indirect_dma source(%dma_start3A_661 : memref<100000x512xf32, #tpu.memory_space<hbm>>) target(%dma_start3A_656 : memref<80x512xf32, #tpu.memory_space<vmem>>) offsets(%dma_start3A_658 : memref<80xi32, #tpu.memory_space<vmem>>) semaphore(%arg8 : memref<!tpu.dma_semaphore, #tpu.memory_space<semaphore_mem>>)
    %dma_wait3A_662 = arith.constant 1 : i32
    %dma_wait3A_663 = arith.constant 0 : i32
    %dma_wait3A_664 = arith.constant 0 : i32
    %dma_wait3A_665 = tpu.memref_slice %arg7[%dma_wait3A_662, %dma_wait3A_663, %dma_wait3A_664] : memref<3x80x512xf32, #tpu.memory_space<vmem>> -> memref<1x80x512xf32, #tpu.memory_space<vmem>>
    %dma_wait3A_666 = tpu.memref_squeeze %dma_wait3A_665 : memref<1x80x512xf32, #tpu.memory_space<vmem>> -> memref<80x512xf32, #tpu.memory_space<vmem>>
    %dma_wait3A_667 = arith.constant 1040 : i32
    %dma_wait3A_668 = tpu.memref_slice %arg6[%dma_wait3A_667] : memref<1600xi32, #tpu.memory_space<vmem>> -> memref<80xi32, #tpu.memory_space<vmem>>
    %dma_wait3A_669 = arith.constant 0 : i32
    %dma_wait3A_670 = arith.constant 0 : i32
    %dma_wait3A_671 = tpu.memref_slice %arg2[%dma_wait3A_669, %dma_wait3A_670] : memref<100000x512xf32, #tpu.memory_space<hbm>> -> memref<100000x512xf32, #tpu.memory_space<hbm>>
    tpu.wait_indirect_dma semaphore(%arg9 : memref<!tpu.dma_semaphore, #tpu.memory_space<semaphore_mem>>) src(%dma_wait3A_671 : memref<100000x512xf32, #tpu.memory_space<hbm>>) dst(%dma_wait3A_666 : memref<80x512xf32, #tpu.memory_space<vmem>>)
    %add3A_672 = arith.constant 1040 : i32
    %add3A_673 = arith.addi %mul3A_2, %add3A_672 : i32
    %dma_start3A_674 = arith.constant 1 : i32
    %dma_start3A_675 = arith.constant 0 : i32
    %dma_start3A_676 = arith.constant 0 : i32
    %dma_start3A_677 = tpu.memref_slice %arg7[%dma_start3A_674, %dma_start3A_675, %dma_start3A_676] : memref<3x80x512xf32, #tpu.memory_space<vmem>> -> memref<1x80x512xf32, #tpu.memory_space<vmem>>
    %dma_start3A_678 = tpu.memref_squeeze %dma_start3A_677 : memref<1x80x512xf32, #tpu.memory_space<vmem>> -> memref<80x512xf32, #tpu.memory_space<vmem>>
    %dma_start3A_679 = arith.constant 0 : i32
    %dma_start3A_680 = tpu.memref_slice %arg5[%add3A_673, %dma_start3A_679] : memref<52224x512xf32, #tpu.memory_space<hbm>> -> memref<80x512xf32, #tpu.memory_space<hbm>>
    %dma_start3A_681 = arith.constant 0 : i32
    %dma_start3A_682 = tpu.memref_slice %arg5[%add3A_673, %dma_start3A_681] : memref<52224x512xf32, #tpu.memory_space<hbm>> -> memref<80x512xf32, #tpu.memory_space<hbm>>
    %dma_start3A_683 = arith.constant 0 : i32
    %dma_start3A_684 = arith.constant 0 : i32
    %dma_start3A_685 = tpu.memref_slice %arg7[%dma_start3A_674, %dma_start3A_683, %dma_start3A_684] : memref<3x80x512xf32, #tpu.memory_space<vmem>> -> memref<1x80x512xf32, #tpu.memory_space<vmem>>
    %dma_start3A_686 = tpu.memref_squeeze %dma_start3A_685 : memref<1x80x512xf32, #tpu.memory_space<vmem>> -> memref<80x512xf32, #tpu.memory_space<vmem>>
    tpu.enqueue_dma source(%dma_start3A_686 : memref<80x512xf32, #tpu.memory_space<vmem>>) target(%dma_start3A_682 : memref<80x512xf32, #tpu.memory_space<hbm>>) target_semaphore(%arg12 : memref<!tpu.dma_semaphore, #tpu.memory_space<semaphore_mem>>)
    %dma_wait3A_687 = arith.constant 1 : i32
    %dma_wait3A_688 = arith.constant 0 : i32
    %dma_wait3A_689 = arith.constant 0 : i32
    %dma_wait3A_690 = tpu.memref_slice %arg7[%dma_wait3A_687, %dma_wait3A_688, %dma_wait3A_689] : memref<3x80x512xf32, #tpu.memory_space<vmem>> -> memref<1x80x512xf32, #tpu.memory_space<vmem>>
    %dma_wait3A_691 = tpu.memref_squeeze %dma_wait3A_690 : memref<1x80x512xf32, #tpu.memory_space<vmem>> -> memref<80x512xf32, #tpu.memory_space<vmem>>
    %dma_wait3A_692 = arith.constant 0 : i32
    %dma_wait3A_693 = tpu.memref_slice %arg5[%add3A_673, %dma_wait3A_692] : memref<52224x512xf32, #tpu.memory_space<hbm>> -> memref<80x512xf32, #tpu.memory_space<hbm>>
    %dma_wait3A_694 = arith.constant 0 : i32
    %dma_wait3A_695 = tpu.memref_slice %arg5[%add3A_673, %dma_wait3A_694] : memref<52224x512xf32, #tpu.memory_space<hbm>> -> memref<80x512xf32, #tpu.memory_space<hbm>>
    %dma_wait3A_696 = arith.constant 0 : i32
    %dma_wait3A_697 = arith.constant 0 : i32
    %dma_wait3A_698 = tpu.memref_slice %arg7[%dma_wait3A_687, %dma_wait3A_696, %dma_wait3A_697] : memref<3x80x512xf32, #tpu.memory_space<vmem>> -> memref<1x80x512xf32, #tpu.memory_space<vmem>>
    %dma_wait3A_699 = tpu.memref_squeeze %dma_wait3A_698 : memref<1x80x512xf32, #tpu.memory_space<vmem>> -> memref<80x512xf32, #tpu.memory_space<vmem>>
    tpu.wait_dma2 semaphore(%arg12 : memref<!tpu.dma_semaphore, #tpu.memory_space<semaphore_mem>>) src(%dma_wait3A_699 : memref<80x512xf32, #tpu.memory_space<vmem>>) dst(%dma_wait3A_695 : memref<80x512xf32, #tpu.memory_space<hbm>>)
    %dma_start3A_700 = arith.constant 1 : i32
    %dma_start3A_701 = arith.constant 0 : i32
    %dma_start3A_702 = arith.constant 0 : i32
    %dma_start3A_703 = tpu.memref_slice %arg7[%dma_start3A_700, %dma_start3A_701, %dma_start3A_702] : memref<3x80x512xf32, #tpu.memory_space<vmem>> -> memref<1x80x512xf32, #tpu.memory_space<vmem>>
    %dma_start3A_704 = tpu.memref_squeeze %dma_start3A_703 : memref<1x80x512xf32, #tpu.memory_space<vmem>> -> memref<80x512xf32, #tpu.memory_space<vmem>>
    %dma_start3A_705 = arith.constant 1280 : i32
    %dma_start3A_706 = tpu.memref_slice %arg6[%dma_start3A_705] : memref<1600xi32, #tpu.memory_space<vmem>> -> memref<80xi32, #tpu.memory_space<vmem>>
    %dma_start3A_707 = arith.constant 0 : i32
    %dma_start3A_708 = arith.constant 0 : i32
    %dma_start3A_709 = tpu.memref_slice %arg2[%dma_start3A_707, %dma_start3A_708] : memref<100000x512xf32, #tpu.memory_space<hbm>> -> memref<100000x512xf32, #tpu.memory_space<hbm>>
    tpu.enqueue_indirect_dma source(%dma_start3A_709 : memref<100000x512xf32, #tpu.memory_space<hbm>>) target(%dma_start3A_704 : memref<80x512xf32, #tpu.memory_space<vmem>>) offsets(%dma_start3A_706 : memref<80xi32, #tpu.memory_space<vmem>>) semaphore(%arg9 : memref<!tpu.dma_semaphore, #tpu.memory_space<semaphore_mem>>)
    %dma_wait3A_710 = arith.constant 2 : i32
    %dma_wait3A_711 = arith.constant 0 : i32
    %dma_wait3A_712 = arith.constant 0 : i32
    %dma_wait3A_713 = tpu.memref_slice %arg7[%dma_wait3A_710, %dma_wait3A_711, %dma_wait3A_712] : memref<3x80x512xf32, #tpu.memory_space<vmem>> -> memref<1x80x512xf32, #tpu.memory_space<vmem>>
    %dma_wait3A_714 = tpu.memref_squeeze %dma_wait3A_713 : memref<1x80x512xf32, #tpu.memory_space<vmem>> -> memref<80x512xf32, #tpu.memory_space<vmem>>
    %dma_wait3A_715 = arith.constant 1120 : i32
    %dma_wait3A_716 = tpu.memref_slice %arg6[%dma_wait3A_715] : memref<1600xi32, #tpu.memory_space<vmem>> -> memref<80xi32, #tpu.memory_space<vmem>>
    %dma_wait3A_717 = arith.constant 0 : i32
    %dma_wait3A_718 = arith.constant 0 : i32
    %dma_wait3A_719 = tpu.memref_slice %arg2[%dma_wait3A_717, %dma_wait3A_718] : memref<100000x512xf32, #tpu.memory_space<hbm>> -> memref<100000x512xf32, #tpu.memory_space<hbm>>
    tpu.wait_indirect_dma semaphore(%arg10 : memref<!tpu.dma_semaphore, #tpu.memory_space<semaphore_mem>>) src(%dma_wait3A_719 : memref<100000x512xf32, #tpu.memory_space<hbm>>) dst(%dma_wait3A_714 : memref<80x512xf32, #tpu.memory_space<vmem>>)
    %add3A_720 = arith.constant 1120 : i32
    %add3A_721 = arith.addi %mul3A_2, %add3A_720 : i32
    %dma_start3A_722 = arith.constant 2 : i32
    %dma_start3A_723 = arith.constant 0 : i32
    %dma_start3A_724 = arith.constant 0 : i32
    %dma_start3A_725 = tpu.memref_slice %arg7[%dma_start3A_722, %dma_start3A_723, %dma_start3A_724] : memref<3x80x512xf32, #tpu.memory_space<vmem>> -> memref<1x80x512xf32, #tpu.memory_space<vmem>>
    %dma_start3A_726 = tpu.memref_squeeze %dma_start3A_725 : memref<1x80x512xf32, #tpu.memory_space<vmem>> -> memref<80x512xf32, #tpu.memory_space<vmem>>
    %dma_start3A_727 = arith.constant 0 : i32
    %dma_start3A_728 = tpu.memref_slice %arg5[%add3A_721, %dma_start3A_727] : memref<52224x512xf32, #tpu.memory_space<hbm>> -> memref<80x512xf32, #tpu.memory_space<hbm>>
    %dma_start3A_729 = arith.constant 0 : i32
    %dma_start3A_730 = tpu.memref_slice %arg5[%add3A_721, %dma_start3A_729] : memref<52224x512xf32, #tpu.memory_space<hbm>> -> memref<80x512xf32, #tpu.memory_space<hbm>>
    %dma_start3A_731 = arith.constant 0 : i32
    %dma_start3A_732 = arith.constant 0 : i32
    %dma_start3A_733 = tpu.memref_slice %arg7[%dma_start3A_722, %dma_start3A_731, %dma_start3A_732] : memref<3x80x512xf32, #tpu.memory_space<vmem>> -> memref<1x80x512xf32, #tpu.memory_space<vmem>>
    %dma_start3A_734 = tpu.memref_squeeze %dma_start3A_733 : memref<1x80x512xf32, #tpu.memory_space<vmem>> -> memref<80x512xf32, #tpu.memory_space<vmem>>
    tpu.enqueue_dma source(%dma_start3A_734 : memref<80x512xf32, #tpu.memory_space<vmem>>) target(%dma_start3A_730 : memref<80x512xf32, #tpu.memory_space<hbm>>) target_semaphore(%arg13 : memref<!tpu.dma_semaphore, #tpu.memory_space<semaphore_mem>>)
    %dma_wait3A_735 = arith.constant 2 : i32
    %dma_wait3A_736 = arith.constant 0 : i32
    %dma_wait3A_737 = arith.constant 0 : i32
    %dma_wait3A_738 = tpu.memref_slice %arg7[%dma_wait3A_735, %dma_wait3A_736, %dma_wait3A_737] : memref<3x80x512xf32, #tpu.memory_space<vmem>> -> memref<1x80x512xf32, #tpu.memory_space<vmem>>
    %dma_wait3A_739 = tpu.memref_squeeze %dma_wait3A_738 : memref<1x80x512xf32, #tpu.memory_space<vmem>> -> memref<80x512xf32, #tpu.memory_space<vmem>>
    %dma_wait3A_740 = arith.constant 0 : i32
    %dma_wait3A_741 = tpu.memref_slice %arg5[%add3A_721, %dma_wait3A_740] : memref<52224x512xf32, #tpu.memory_space<hbm>> -> memref<80x512xf32, #tpu.memory_space<hbm>>
    %dma_wait3A_742 = arith.constant 0 : i32
    %dma_wait3A_743 = tpu.memref_slice %arg5[%add3A_721, %dma_wait3A_742] : memref<52224x512xf32, #tpu.memory_space<hbm>> -> memref<80x512xf32, #tpu.memory_space<hbm>>
    %dma_wait3A_744 = arith.constant 0 : i32
    %dma_wait3A_745 = arith.constant 0 : i32
    %dma_wait3A_746 = tpu.memref_slice %arg7[%dma_wait3A_735, %dma_wait3A_744, %dma_wait3A_745] : memref<3x80x512xf32, #tpu.memory_space<vmem>> -> memref<1x80x512xf32, #tpu.memory_space<vmem>>
    %dma_wait3A_747 = tpu.memref_squeeze %dma_wait3A_746 : memref<1x80x512xf32, #tpu.memory_space<vmem>> -> memref<80x512xf32, #tpu.memory_space<vmem>>
    tpu.wait_dma2 semaphore(%arg13 : memref<!tpu.dma_semaphore, #tpu.memory_space<semaphore_mem>>) src(%dma_wait3A_747 : memref<80x512xf32, #tpu.memory_space<vmem>>) dst(%dma_wait3A_743 : memref<80x512xf32, #tpu.memory_space<hbm>>)
    %dma_start3A_748 = arith.constant 2 : i32
    %dma_start3A_749 = arith.constant 0 : i32
    %dma_start3A_750 = arith.constant 0 : i32
    %dma_start3A_751 = tpu.memref_slice %arg7[%dma_start3A_748, %dma_start3A_749, %dma_start3A_750] : memref<3x80x512xf32, #tpu.memory_space<vmem>> -> memref<1x80x512xf32, #tpu.memory_space<vmem>>
    %dma_start3A_752 = tpu.memref_squeeze %dma_start3A_751 : memref<1x80x512xf32, #tpu.memory_space<vmem>> -> memref<80x512xf32, #tpu.memory_space<vmem>>
    %dma_start3A_753 = arith.constant 1360 : i32
    %dma_start3A_754 = tpu.memref_slice %arg6[%dma_start3A_753] : memref<1600xi32, #tpu.memory_space<vmem>> -> memref<80xi32, #tpu.memory_space<vmem>>
    %dma_start3A_755 = arith.constant 0 : i32
    %dma_start3A_756 = arith.constant 0 : i32
    %dma_start3A_757 = tpu.memref_slice %arg2[%dma_start3A_755, %dma_start3A_756] : memref<100000x512xf32, #tpu.memory_space<hbm>> -> memref<100000x512xf32, #tpu.memory_space<hbm>>
    tpu.enqueue_indirect_dma source(%dma_start3A_757 : memref<100000x512xf32, #tpu.memory_space<hbm>>) target(%dma_start3A_752 : memref<80x512xf32, #tpu.memory_space<vmem>>) offsets(%dma_start3A_754 : memref<80xi32, #tpu.memory_space<vmem>>) semaphore(%arg10 : memref<!tpu.dma_semaphore, #tpu.memory_space<semaphore_mem>>)
    %dma_wait3A_758 = arith.constant 0 : i32
    %dma_wait3A_759 = arith.constant 0 : i32
    %dma_wait3A_760 = arith.constant 0 : i32
    %dma_wait3A_761 = tpu.memref_slice %arg7[%dma_wait3A_758, %dma_wait3A_759, %dma_wait3A_760] : memref<3x80x512xf32, #tpu.memory_space<vmem>> -> memref<1x80x512xf32, #tpu.memory_space<vmem>>
    %dma_wait3A_762 = tpu.memref_squeeze %dma_wait3A_761 : memref<1x80x512xf32, #tpu.memory_space<vmem>> -> memref<80x512xf32, #tpu.memory_space<vmem>>
    %dma_wait3A_763 = arith.constant 1200 : i32
    %dma_wait3A_764 = tpu.memref_slice %arg6[%dma_wait3A_763] : memref<1600xi32, #tpu.memory_space<vmem>> -> memref<80xi32, #tpu.memory_space<vmem>>
    %dma_wait3A_765 = arith.constant 0 : i32
    %dma_wait3A_766 = arith.constant 0 : i32
    %dma_wait3A_767 = tpu.memref_slice %arg2[%dma_wait3A_765, %dma_wait3A_766] : memref<100000x512xf32, #tpu.memory_space<hbm>> -> memref<100000x512xf32, #tpu.memory_space<hbm>>
    tpu.wait_indirect_dma semaphore(%arg8 : memref<!tpu.dma_semaphore, #tpu.memory_space<semaphore_mem>>) src(%dma_wait3A_767 : memref<100000x512xf32, #tpu.memory_space<hbm>>) dst(%dma_wait3A_762 : memref<80x512xf32, #tpu.memory_space<vmem>>)
    %add3A_768 = arith.constant 1200 : i32
    %add3A_769 = arith.addi %mul3A_2, %add3A_768 : i32
    %dma_start3A_770 = arith.constant 0 : i32
    %dma_start3A_771 = arith.constant 0 : i32
    %dma_start3A_772 = arith.constant 0 : i32
    %dma_start3A_773 = tpu.memref_slice %arg7[%dma_start3A_770, %dma_start3A_771, %dma_start3A_772] : memref<3x80x512xf32, #tpu.memory_space<vmem>> -> memref<1x80x512xf32, #tpu.memory_space<vmem>>
    %dma_start3A_774 = tpu.memref_squeeze %dma_start3A_773 : memref<1x80x512xf32, #tpu.memory_space<vmem>> -> memref<80x512xf32, #tpu.memory_space<vmem>>
    %dma_start3A_775 = arith.constant 0 : i32
    %dma_start3A_776 = tpu.memref_slice %arg5[%add3A_769, %dma_start3A_775] : memref<52224x512xf32, #tpu.memory_space<hbm>> -> memref<80x512xf32, #tpu.memory_space<hbm>>
    %dma_start3A_777 = arith.constant 0 : i32
    %dma_start3A_778 = tpu.memref_slice %arg5[%add3A_769, %dma_start3A_777] : memref<52224x512xf32, #tpu.memory_space<hbm>> -> memref<80x512xf32, #tpu.memory_space<hbm>>
    %dma_start3A_779 = arith.constant 0 : i32
    %dma_start3A_780 = arith.constant 0 : i32
    %dma_start3A_781 = tpu.memref_slice %arg7[%dma_start3A_770, %dma_start3A_779, %dma_start3A_780] : memref<3x80x512xf32, #tpu.memory_space<vmem>> -> memref<1x80x512xf32, #tpu.memory_space<vmem>>
    %dma_start3A_782 = tpu.memref_squeeze %dma_start3A_781 : memref<1x80x512xf32, #tpu.memory_space<vmem>> -> memref<80x512xf32, #tpu.memory_space<vmem>>
    tpu.enqueue_dma source(%dma_start3A_782 : memref<80x512xf32, #tpu.memory_space<vmem>>) target(%dma_start3A_778 : memref<80x512xf32, #tpu.memory_space<hbm>>) target_semaphore(%arg11 : memref<!tpu.dma_semaphore, #tpu.memory_space<semaphore_mem>>)
    %dma_wait3A_783 = arith.constant 0 : i32
    %dma_wait3A_784 = arith.constant 0 : i32
    %dma_wait3A_785 = arith.constant 0 : i32
    %dma_wait3A_786 = tpu.memref_slice %arg7[%dma_wait3A_783, %dma_wait3A_784, %dma_wait3A_785] : memref<3x80x512xf32, #tpu.memory_space<vmem>> -> memref<1x80x512xf32, #tpu.memory_space<vmem>>
    %dma_wait3A_787 = tpu.memref_squeeze %dma_wait3A_786 : memref<1x80x512xf32, #tpu.memory_space<vmem>> -> memref<80x512xf32, #tpu.memory_space<vmem>>
    %dma_wait3A_788 = arith.constant 0 : i32
    %dma_wait3A_789 = tpu.memref_slice %arg5[%add3A_769, %dma_wait3A_788] : memref<52224x512xf32, #tpu.memory_space<hbm>> -> memref<80x512xf32, #tpu.memory_space<hbm>>
    %dma_wait3A_790 = arith.constant 0 : i32
    %dma_wait3A_791 = tpu.memref_slice %arg5[%add3A_769, %dma_wait3A_790] : memref<52224x512xf32, #tpu.memory_space<hbm>> -> memref<80x512xf32, #tpu.memory_space<hbm>>
    %dma_wait3A_792 = arith.constant 0 : i32
    %dma_wait3A_793 = arith.constant 0 : i32
    %dma_wait3A_794 = tpu.memref_slice %arg7[%dma_wait3A_783, %dma_wait3A_792, %dma_wait3A_793] : memref<3x80x512xf32, #tpu.memory_space<vmem>> -> memref<1x80x512xf32, #tpu.memory_space<vmem>>
    %dma_wait3A_795 = tpu.memref_squeeze %dma_wait3A_794 : memref<1x80x512xf32, #tpu.memory_space<vmem>> -> memref<80x512xf32, #tpu.memory_space<vmem>>
    tpu.wait_dma2 semaphore(%arg11 : memref<!tpu.dma_semaphore, #tpu.memory_space<semaphore_mem>>) src(%dma_wait3A_795 : memref<80x512xf32, #tpu.memory_space<vmem>>) dst(%dma_wait3A_791 : memref<80x512xf32, #tpu.memory_space<hbm>>)
    %dma_start3A_796 = arith.constant 0 : i32
    %dma_start3A_797 = arith.constant 0 : i32
    %dma_start3A_798 = arith.constant 0 : i32
    %dma_start3A_799 = tpu.memref_slice %arg7[%dma_start3A_796, %dma_start3A_797, %dma_start3A_798] : memref<3x80x512xf32, #tpu.memory_space<vmem>> -> memref<1x80x512xf32, #tpu.memory_space<vmem>>
    %dma_start3A_800 = tpu.memref_squeeze %dma_start3A_799 : memref<1x80x512xf32, #tpu.memory_space<vmem>> -> memref<80x512xf32, #tpu.memory_space<vmem>>
    %dma_start3A_801 = arith.constant 1440 : i32
    %dma_start3A_802 = tpu.memref_slice %arg6[%dma_start3A_801] : memref<1600xi32, #tpu.memory_space<vmem>> -> memref<80xi32, #tpu.memory_space<vmem>>
    %dma_start3A_803 = arith.constant 0 : i32
    %dma_start3A_804 = arith.constant 0 : i32
    %dma_start3A_805 = tpu.memref_slice %arg2[%dma_start3A_803, %dma_start3A_804] : memref<100000x512xf32, #tpu.memory_space<hbm>> -> memref<100000x512xf32, #tpu.memory_space<hbm>>
    tpu.enqueue_indirect_dma source(%dma_start3A_805 : memref<100000x512xf32, #tpu.memory_space<hbm>>) target(%dma_start3A_800 : memref<80x512xf32, #tpu.memory_space<vmem>>) offsets(%dma_start3A_802 : memref<80xi32, #tpu.memory_space<vmem>>) semaphore(%arg8 : memref<!tpu.dma_semaphore, #tpu.memory_space<semaphore_mem>>)
    %dma_wait3A_806 = arith.constant 1 : i32
    %dma_wait3A_807 = arith.constant 0 : i32
    %dma_wait3A_808 = arith.constant 0 : i32
    %dma_wait3A_809 = tpu.memref_slice %arg7[%dma_wait3A_806, %dma_wait3A_807, %dma_wait3A_808] : memref<3x80x512xf32, #tpu.memory_space<vmem>> -> memref<1x80x512xf32, #tpu.memory_space<vmem>>
    %dma_wait3A_810 = tpu.memref_squeeze %dma_wait3A_809 : memref<1x80x512xf32, #tpu.memory_space<vmem>> -> memref<80x512xf32, #tpu.memory_space<vmem>>
    %dma_wait3A_811 = arith.constant 1280 : i32
    %dma_wait3A_812 = tpu.memref_slice %arg6[%dma_wait3A_811] : memref<1600xi32, #tpu.memory_space<vmem>> -> memref<80xi32, #tpu.memory_space<vmem>>
    %dma_wait3A_813 = arith.constant 0 : i32
    %dma_wait3A_814 = arith.constant 0 : i32
    %dma_wait3A_815 = tpu.memref_slice %arg2[%dma_wait3A_813, %dma_wait3A_814] : memref<100000x512xf32, #tpu.memory_space<hbm>> -> memref<100000x512xf32, #tpu.memory_space<hbm>>
    tpu.wait_indirect_dma semaphore(%arg9 : memref<!tpu.dma_semaphore, #tpu.memory_space<semaphore_mem>>) src(%dma_wait3A_815 : memref<100000x512xf32, #tpu.memory_space<hbm>>) dst(%dma_wait3A_810 : memref<80x512xf32, #tpu.memory_space<vmem>>)
    %add3A_816 = arith.constant 1280 : i32
    %add3A_817 = arith.addi %mul3A_2, %add3A_816 : i32
    %dma_start3A_818 = arith.constant 1 : i32
    %dma_start3A_819 = arith.constant 0 : i32
    %dma_start3A_820 = arith.constant 0 : i32
    %dma_start3A_821 = tpu.memref_slice %arg7[%dma_start3A_818, %dma_start3A_819, %dma_start3A_820] : memref<3x80x512xf32, #tpu.memory_space<vmem>> -> memref<1x80x512xf32, #tpu.memory_space<vmem>>
    %dma_start3A_822 = tpu.memref_squeeze %dma_start3A_821 : memref<1x80x512xf32, #tpu.memory_space<vmem>> -> memref<80x512xf32, #tpu.memory_space<vmem>>
    %dma_start3A_823 = arith.constant 0 : i32
    %dma_start3A_824 = tpu.memref_slice %arg5[%add3A_817, %dma_start3A_823] : memref<52224x512xf32, #tpu.memory_space<hbm>> -> memref<80x512xf32, #tpu.memory_space<hbm>>
    %dma_start3A_825 = arith.constant 0 : i32
    %dma_start3A_826 = tpu.memref_slice %arg5[%add3A_817, %dma_start3A_825] : memref<52224x512xf32, #tpu.memory_space<hbm>> -> memref<80x512xf32, #tpu.memory_space<hbm>>
    %dma_start3A_827 = arith.constant 0 : i32
    %dma_start3A_828 = arith.constant 0 : i32
    %dma_start3A_829 = tpu.memref_slice %arg7[%dma_start3A_818, %dma_start3A_827, %dma_start3A_828] : memref<3x80x512xf32, #tpu.memory_space<vmem>> -> memref<1x80x512xf32, #tpu.memory_space<vmem>>
    %dma_start3A_830 = tpu.memref_squeeze %dma_start3A_829 : memref<1x80x512xf32, #tpu.memory_space<vmem>> -> memref<80x512xf32, #tpu.memory_space<vmem>>
    tpu.enqueue_dma source(%dma_start3A_830 : memref<80x512xf32, #tpu.memory_space<vmem>>) target(%dma_start3A_826 : memref<80x512xf32, #tpu.memory_space<hbm>>) target_semaphore(%arg12 : memref<!tpu.dma_semaphore, #tpu.memory_space<semaphore_mem>>)
    %dma_wait3A_831 = arith.constant 1 : i32
    %dma_wait3A_832 = arith.constant 0 : i32
    %dma_wait3A_833 = arith.constant 0 : i32
    %dma_wait3A_834 = tpu.memref_slice %arg7[%dma_wait3A_831, %dma_wait3A_832, %dma_wait3A_833] : memref<3x80x512xf32, #tpu.memory_space<vmem>> -> memref<1x80x512xf32, #tpu.memory_space<vmem>>
    %dma_wait3A_835 = tpu.memref_squeeze %dma_wait3A_834 : memref<1x80x512xf32, #tpu.memory_space<vmem>> -> memref<80x512xf32, #tpu.memory_space<vmem>>
    %dma_wait3A_836 = arith.constant 0 : i32
    %dma_wait3A_837 = tpu.memref_slice %arg5[%add3A_817, %dma_wait3A_836] : memref<52224x512xf32, #tpu.memory_space<hbm>> -> memref<80x512xf32, #tpu.memory_space<hbm>>
    %dma_wait3A_838 = arith.constant 0 : i32
    %dma_wait3A_839 = tpu.memref_slice %arg5[%add3A_817, %dma_wait3A_838] : memref<52224x512xf32, #tpu.memory_space<hbm>> -> memref<80x512xf32, #tpu.memory_space<hbm>>
    %dma_wait3A_840 = arith.constant 0 : i32
    %dma_wait3A_841 = arith.constant 0 : i32
    %dma_wait3A_842 = tpu.memref_slice %arg7[%dma_wait3A_831, %dma_wait3A_840, %dma_wait3A_841] : memref<3x80x512xf32, #tpu.memory_space<vmem>> -> memref<1x80x512xf32, #tpu.memory_space<vmem>>
    %dma_wait3A_843 = tpu.memref_squeeze %dma_wait3A_842 : memref<1x80x512xf32, #tpu.memory_space<vmem>> -> memref<80x512xf32, #tpu.memory_space<vmem>>
    tpu.wait_dma2 semaphore(%arg12 : memref<!tpu.dma_semaphore, #tpu.memory_space<semaphore_mem>>) src(%dma_wait3A_843 : memref<80x512xf32, #tpu.memory_space<vmem>>) dst(%dma_wait3A_839 : memref<80x512xf32, #tpu.memory_space<hbm>>)
    %dma_start3A_844 = arith.constant 1 : i32
    %dma_start3A_845 = arith.constant 0 : i32
    %dma_start3A_846 = arith.constant 0 : i32
    %dma_start3A_847 = tpu.memref_slice %arg7[%dma_start3A_844, %dma_start3A_845, %dma_start3A_846] : memref<3x80x512xf32, #tpu.memory_space<vmem>> -> memref<1x80x512xf32, #tpu.memory_space<vmem>>
    %dma_start3A_848 = tpu.memref_squeeze %dma_start3A_847 : memref<1x80x512xf32, #tpu.memory_space<vmem>> -> memref<80x512xf32, #tpu.memory_space<vmem>>
    %dma_start3A_849 = arith.constant 1520 : i32
    %dma_start3A_850 = tpu.memref_slice %arg6[%dma_start3A_849] : memref<1600xi32, #tpu.memory_space<vmem>> -> memref<80xi32, #tpu.memory_space<vmem>>
    %dma_start3A_851 = arith.constant 0 : i32
    %dma_start3A_852 = arith.constant 0 : i32
    %dma_start3A_853 = tpu.memref_slice %arg2[%dma_start3A_851, %dma_start3A_852] : memref<100000x512xf32, #tpu.memory_space<hbm>> -> memref<100000x512xf32, #tpu.memory_space<hbm>>
    tpu.enqueue_indirect_dma source(%dma_start3A_853 : memref<100000x512xf32, #tpu.memory_space<hbm>>) target(%dma_start3A_848 : memref<80x512xf32, #tpu.memory_space<vmem>>) offsets(%dma_start3A_850 : memref<80xi32, #tpu.memory_space<vmem>>) semaphore(%arg9 : memref<!tpu.dma_semaphore, #tpu.memory_space<semaphore_mem>>)
    %dma_wait3A_854 = arith.constant 2 : i32
    %dma_wait3A_855 = arith.constant 0 : i32
    %dma_wait3A_856 = arith.constant 0 : i32
    %dma_wait3A_857 = tpu.memref_slice %arg7[%dma_wait3A_854, %dma_wait3A_855, %dma_wait3A_856] : memref<3x80x512xf32, #tpu.memory_space<vmem>> -> memref<1x80x512xf32, #tpu.memory_space<vmem>>
    %dma_wait3A_858 = tpu.memref_squeeze %dma_wait3A_857 : memref<1x80x512xf32, #tpu.memory_space<vmem>> -> memref<80x512xf32, #tpu.memory_space<vmem>>
    %dma_wait3A_859 = arith.constant 1360 : i32
    %dma_wait3A_860 = tpu.memref_slice %arg6[%dma_wait3A_859] : memref<1600xi32, #tpu.memory_space<vmem>> -> memref<80xi32, #tpu.memory_space<vmem>>
    %dma_wait3A_861 = arith.constant 0 : i32
    %dma_wait3A_862 = arith.constant 0 : i32
    %dma_wait3A_863 = tpu.memref_slice %arg2[%dma_wait3A_861, %dma_wait3A_862] : memref<100000x512xf32, #tpu.memory_space<hbm>> -> memref<100000x512xf32, #tpu.memory_space<hbm>>
    tpu.wait_indirect_dma semaphore(%arg10 : memref<!tpu.dma_semaphore, #tpu.memory_space<semaphore_mem>>) src(%dma_wait3A_863 : memref<100000x512xf32, #tpu.memory_space<hbm>>) dst(%dma_wait3A_858 : memref<80x512xf32, #tpu.memory_space<vmem>>)
    %add3A_864 = arith.constant 1360 : i32
    %add3A_865 = arith.addi %mul3A_2, %add3A_864 : i32
    %dma_start3A_866 = arith.constant 2 : i32
    %dma_start3A_867 = arith.constant 0 : i32
    %dma_start3A_868 = arith.constant 0 : i32
    %dma_start3A_869 = tpu.memref_slice %arg7[%dma_start3A_866, %dma_start3A_867, %dma_start3A_868] : memref<3x80x512xf32, #tpu.memory_space<vmem>> -> memref<1x80x512xf32, #tpu.memory_space<vmem>>
    %dma_start3A_870 = tpu.memref_squeeze %dma_start3A_869 : memref<1x80x512xf32, #tpu.memory_space<vmem>> -> memref<80x512xf32, #tpu.memory_space<vmem>>
    %dma_start3A_871 = arith.constant 0 : i32
    %dma_start3A_872 = tpu.memref_slice %arg5[%add3A_865, %dma_start3A_871] : memref<52224x512xf32, #tpu.memory_space<hbm>> -> memref<80x512xf32, #tpu.memory_space<hbm>>
    %dma_start3A_873 = arith.constant 0 : i32
    %dma_start3A_874 = tpu.memref_slice %arg5[%add3A_865, %dma_start3A_873] : memref<52224x512xf32, #tpu.memory_space<hbm>> -> memref<80x512xf32, #tpu.memory_space<hbm>>
    %dma_start3A_875 = arith.constant 0 : i32
    %dma_start3A_876 = arith.constant 0 : i32
    %dma_start3A_877 = tpu.memref_slice %arg7[%dma_start3A_866, %dma_start3A_875, %dma_start3A_876] : memref<3x80x512xf32, #tpu.memory_space<vmem>> -> memref<1x80x512xf32, #tpu.memory_space<vmem>>
    %dma_start3A_878 = tpu.memref_squeeze %dma_start3A_877 : memref<1x80x512xf32, #tpu.memory_space<vmem>> -> memref<80x512xf32, #tpu.memory_space<vmem>>
    tpu.enqueue_dma source(%dma_start3A_878 : memref<80x512xf32, #tpu.memory_space<vmem>>) target(%dma_start3A_874 : memref<80x512xf32, #tpu.memory_space<hbm>>) target_semaphore(%arg13 : memref<!tpu.dma_semaphore, #tpu.memory_space<semaphore_mem>>)
    %dma_wait3A_879 = arith.constant 0 : i32
    %dma_wait3A_880 = arith.constant 0 : i32
    %dma_wait3A_881 = arith.constant 0 : i32
    %dma_wait3A_882 = tpu.memref_slice %arg7[%dma_wait3A_879, %dma_wait3A_880, %dma_wait3A_881] : memref<3x80x512xf32, #tpu.memory_space<vmem>> -> memref<1x80x512xf32, #tpu.memory_space<vmem>>
    %dma_wait3A_883 = tpu.memref_squeeze %dma_wait3A_882 : memref<1x80x512xf32, #tpu.memory_space<vmem>> -> memref<80x512xf32, #tpu.memory_space<vmem>>
    %dma_wait3A_884 = arith.constant 1440 : i32
    %dma_wait3A_885 = tpu.memref_slice %arg6[%dma_wait3A_884] : memref<1600xi32, #tpu.memory_space<vmem>> -> memref<80xi32, #tpu.memory_space<vmem>>
    %dma_wait3A_886 = arith.constant 0 : i32
    %dma_wait3A_887 = arith.constant 0 : i32
    %dma_wait3A_888 = tpu.memref_slice %arg2[%dma_wait3A_886, %dma_wait3A_887] : memref<100000x512xf32, #tpu.memory_space<hbm>> -> memref<100000x512xf32, #tpu.memory_space<hbm>>
    tpu.wait_indirect_dma semaphore(%arg8 : memref<!tpu.dma_semaphore, #tpu.memory_space<semaphore_mem>>) src(%dma_wait3A_888 : memref<100000x512xf32, #tpu.memory_space<hbm>>) dst(%dma_wait3A_883 : memref<80x512xf32, #tpu.memory_space<vmem>>)
    %add3A_889 = arith.constant 1440 : i32
    %add3A_890 = arith.addi %mul3A_2, %add3A_889 : i32
    %dma_start3A_891 = arith.constant 0 : i32
    %dma_start3A_892 = arith.constant 0 : i32
    %dma_start3A_893 = arith.constant 0 : i32
    %dma_start3A_894 = tpu.memref_slice %arg7[%dma_start3A_891, %dma_start3A_892, %dma_start3A_893] : memref<3x80x512xf32, #tpu.memory_space<vmem>> -> memref<1x80x512xf32, #tpu.memory_space<vmem>>
    %dma_start3A_895 = tpu.memref_squeeze %dma_start3A_894 : memref<1x80x512xf32, #tpu.memory_space<vmem>> -> memref<80x512xf32, #tpu.memory_space<vmem>>
    %dma_start3A_896 = arith.constant 0 : i32
    %dma_start3A_897 = tpu.memref_slice %arg5[%add3A_890, %dma_start3A_896] : memref<52224x512xf32, #tpu.memory_space<hbm>> -> memref<80x512xf32, #tpu.memory_space<hbm>>
    %dma_start3A_898 = arith.constant 0 : i32
    %dma_start3A_899 = tpu.memref_slice %arg5[%add3A_890, %dma_start3A_898] : memref<52224x512xf32, #tpu.memory_space<hbm>> -> memref<80x512xf32, #tpu.memory_space<hbm>>
    %dma_start3A_900 = arith.constant 0 : i32
    %dma_start3A_901 = arith.constant 0 : i32
    %dma_start3A_902 = tpu.memref_slice %arg7[%dma_start3A_891, %dma_start3A_900, %dma_start3A_901] : memref<3x80x512xf32, #tpu.memory_space<vmem>> -> memref<1x80x512xf32, #tpu.memory_space<vmem>>
    %dma_start3A_903 = tpu.memref_squeeze %dma_start3A_902 : memref<1x80x512xf32, #tpu.memory_space<vmem>> -> memref<80x512xf32, #tpu.memory_space<vmem>>
    tpu.enqueue_dma source(%dma_start3A_903 : memref<80x512xf32, #tpu.memory_space<vmem>>) target(%dma_start3A_899 : memref<80x512xf32, #tpu.memory_space<hbm>>) target_semaphore(%arg11 : memref<!tpu.dma_semaphore, #tpu.memory_space<semaphore_mem>>)
    %dma_wait3A_904 = arith.constant 1 : i32
    %dma_wait3A_905 = arith.constant 0 : i32
    %dma_wait3A_906 = arith.constant 0 : i32
    %dma_wait3A_907 = tpu.memref_slice %arg7[%dma_wait3A_904, %dma_wait3A_905, %dma_wait3A_906] : memref<3x80x512xf32, #tpu.memory_space<vmem>> -> memref<1x80x512xf32, #tpu.memory_space<vmem>>
    %dma_wait3A_908 = tpu.memref_squeeze %dma_wait3A_907 : memref<1x80x512xf32, #tpu.memory_space<vmem>> -> memref<80x512xf32, #tpu.memory_space<vmem>>
    %dma_wait3A_909 = arith.constant 1520 : i32
    %dma_wait3A_910 = tpu.memref_slice %arg6[%dma_wait3A_909] : memref<1600xi32, #tpu.memory_space<vmem>> -> memref<80xi32, #tpu.memory_space<vmem>>
    %dma_wait3A_911 = arith.constant 0 : i32
    %dma_wait3A_912 = arith.constant 0 : i32
    %dma_wait3A_913 = tpu.memref_slice %arg2[%dma_wait3A_911, %dma_wait3A_912] : memref<100000x512xf32, #tpu.memory_space<hbm>> -> memref<100000x512xf32, #tpu.memory_space<hbm>>
    tpu.wait_indirect_dma semaphore(%arg9 : memref<!tpu.dma_semaphore, #tpu.memory_space<semaphore_mem>>) src(%dma_wait3A_913 : memref<100000x512xf32, #tpu.memory_space<hbm>>) dst(%dma_wait3A_908 : memref<80x512xf32, #tpu.memory_space<vmem>>)
    %add3A_914 = arith.constant 1520 : i32
    %add3A_915 = arith.addi %mul3A_2, %add3A_914 : i32
    %dma_start3A_916 = arith.constant 1 : i32
    %dma_start3A_917 = arith.constant 0 : i32
    %dma_start3A_918 = arith.constant 0 : i32
    %dma_start3A_919 = tpu.memref_slice %arg7[%dma_start3A_916, %dma_start3A_917, %dma_start3A_918] : memref<3x80x512xf32, #tpu.memory_space<vmem>> -> memref<1x80x512xf32, #tpu.memory_space<vmem>>
    %dma_start3A_920 = tpu.memref_squeeze %dma_start3A_919 : memref<1x80x512xf32, #tpu.memory_space<vmem>> -> memref<80x512xf32, #tpu.memory_space<vmem>>
    %dma_start3A_921 = arith.constant 0 : i32
    %dma_start3A_922 = tpu.memref_slice %arg5[%add3A_915, %dma_start3A_921] : memref<52224x512xf32, #tpu.memory_space<hbm>> -> memref<80x512xf32, #tpu.memory_space<hbm>>
    %dma_start3A_923 = arith.constant 0 : i32
    %dma_start3A_924 = tpu.memref_slice %arg5[%add3A_915, %dma_start3A_923] : memref<52224x512xf32, #tpu.memory_space<hbm>> -> memref<80x512xf32, #tpu.memory_space<hbm>>
    %dma_start3A_925 = arith.constant 0 : i32
    %dma_start3A_926 = arith.constant 0 : i32
    %dma_start3A_927 = tpu.memref_slice %arg7[%dma_start3A_916, %dma_start3A_925, %dma_start3A_926] : memref<3x80x512xf32, #tpu.memory_space<vmem>> -> memref<1x80x512xf32, #tpu.memory_space<vmem>>
    %dma_start3A_928 = tpu.memref_squeeze %dma_start3A_927 : memref<1x80x512xf32, #tpu.memory_space<vmem>> -> memref<80x512xf32, #tpu.memory_space<vmem>>
    tpu.enqueue_dma source(%dma_start3A_928 : memref<80x512xf32, #tpu.memory_space<vmem>>) target(%dma_start3A_924 : memref<80x512xf32, #tpu.memory_space<hbm>>) target_semaphore(%arg12 : memref<!tpu.dma_semaphore, #tpu.memory_space<semaphore_mem>>)
    %dma_wait3A_929 = arith.constant 0 : i32
    %dma_wait3A_930 = arith.constant 0 : i32
    %dma_wait3A_931 = arith.constant 0 : i32
    %dma_wait3A_932 = tpu.memref_slice %arg7[%dma_wait3A_929, %dma_wait3A_930, %dma_wait3A_931] : memref<3x80x512xf32, #tpu.memory_space<vmem>> -> memref<1x80x512xf32, #tpu.memory_space<vmem>>
    %dma_wait3A_933 = tpu.memref_squeeze %dma_wait3A_932 : memref<1x80x512xf32, #tpu.memory_space<vmem>> -> memref<80x512xf32, #tpu.memory_space<vmem>>
    %dma_wait3A_934 = arith.constant 0 : i32
    %dma_wait3A_935 = tpu.memref_slice %arg5[%add3A_890, %dma_wait3A_934] : memref<52224x512xf32, #tpu.memory_space<hbm>> -> memref<80x512xf32, #tpu.memory_space<hbm>>
    %dma_wait3A_936 = arith.constant 0 : i32
    %dma_wait3A_937 = tpu.memref_slice %arg5[%add3A_890, %dma_wait3A_936] : memref<52224x512xf32, #tpu.memory_space<hbm>> -> memref<80x512xf32, #tpu.memory_space<hbm>>
    %dma_wait3A_938 = arith.constant 0 : i32
    %dma_wait3A_939 = arith.constant 0 : i32
    %dma_wait3A_940 = tpu.memref_slice %arg7[%dma_wait3A_929, %dma_wait3A_938, %dma_wait3A_939] : memref<3x80x512xf32, #tpu.memory_space<vmem>> -> memref<1x80x512xf32, #tpu.memory_space<vmem>>
    %dma_wait3A_941 = tpu.memref_squeeze %dma_wait3A_940 : memref<1x80x512xf32, #tpu.memory_space<vmem>> -> memref<80x512xf32, #tpu.memory_space<vmem>>
    tpu.wait_dma2 semaphore(%arg11 : memref<!tpu.dma_semaphore, #tpu.memory_space<semaphore_mem>>) src(%dma_wait3A_941 : memref<80x512xf32, #tpu.memory_space<vmem>>) dst(%dma_wait3A_937 : memref<80x512xf32, #tpu.memory_space<hbm>>)
    %dma_wait3A_942 = arith.constant 1 : i32
    %dma_wait3A_943 = arith.constant 0 : i32
    %dma_wait3A_944 = arith.constant 0 : i32
    %dma_wait3A_945 = tpu.memref_slice %arg7[%dma_wait3A_942, %dma_wait3A_943, %dma_wait3A_944] : memref<3x80x512xf32, #tpu.memory_space<vmem>> -> memref<1x80x512xf32, #tpu.memory_space<vmem>>
    %dma_wait3A_946 = tpu.memref_squeeze %dma_wait3A_945 : memref<1x80x512xf32, #tpu.memory_space<vmem>> -> memref<80x512xf32, #tpu.memory_space<vmem>>
    %dma_wait3A_947 = arith.constant 0 : i32
    %dma_wait3A_948 = tpu.memref_slice %arg5[%add3A_915, %dma_wait3A_947] : memref<52224x512xf32, #tpu.memory_space<hbm>> -> memref<80x512xf32, #tpu.memory_space<hbm>>
    %dma_wait3A_949 = arith.constant 0 : i32
    %dma_wait3A_950 = tpu.memref_slice %arg5[%add3A_915, %dma_wait3A_949] : memref<52224x512xf32, #tpu.memory_space<hbm>> -> memref<80x512xf32, #tpu.memory_space<hbm>>
    %dma_wait3A_951 = arith.constant 0 : i32
    %dma_wait3A_952 = arith.constant 0 : i32
    %dma_wait3A_953 = tpu.memref_slice %arg7[%dma_wait3A_942, %dma_wait3A_951, %dma_wait3A_952] : memref<3x80x512xf32, #tpu.memory_space<vmem>> -> memref<1x80x512xf32, #tpu.memory_space<vmem>>
    %dma_wait3A_954 = tpu.memref_squeeze %dma_wait3A_953 : memref<1x80x512xf32, #tpu.memory_space<vmem>> -> memref<80x512xf32, #tpu.memory_space<vmem>>
    tpu.wait_dma2 semaphore(%arg12 : memref<!tpu.dma_semaphore, #tpu.memory_space<semaphore_mem>>) src(%dma_wait3A_954 : memref<80x512xf32, #tpu.memory_space<vmem>>) dst(%dma_wait3A_950 : memref<80x512xf32, #tpu.memory_space<hbm>>)
    %dma_wait3A_955 = arith.constant 2 : i32
    %dma_wait3A_956 = arith.constant 0 : i32
    %dma_wait3A_957 = arith.constant 0 : i32
    %dma_wait3A_958 = tpu.memref_slice %arg7[%dma_wait3A_955, %dma_wait3A_956, %dma_wait3A_957] : memref<3x80x512xf32, #tpu.memory_space<vmem>> -> memref<1x80x512xf32, #tpu.memory_space<vmem>>
    %dma_wait3A_959 = tpu.memref_squeeze %dma_wait3A_958 : memref<1x80x512xf32, #tpu.memory_space<vmem>> -> memref<80x512xf32, #tpu.memory_space<vmem>>
    %dma_wait3A_960 = arith.constant 0 : i32
    %dma_wait3A_961 = tpu.memref_slice %arg5[%add3A_865, %dma_wait3A_960] : memref<52224x512xf32, #tpu.memory_space<hbm>> -> memref<80x512xf32, #tpu.memory_space<hbm>>
    %dma_wait3A_962 = arith.constant 0 : i32
    %dma_wait3A_963 = tpu.memref_slice %arg5[%add3A_865, %dma_wait3A_962] : memref<52224x512xf32, #tpu.memory_space<hbm>> -> memref<80x512xf32, #tpu.memory_space<hbm>>
    %dma_wait3A_964 = arith.constant 0 : i32
    %dma_wait3A_965 = arith.constant 0 : i32
    %dma_wait3A_966 = tpu.memref_slice %arg7[%dma_wait3A_955, %dma_wait3A_964, %dma_wait3A_965] : memref<3x80x512xf32, #tpu.memory_space<vmem>> -> memref<1x80x512xf32, #tpu.memory_space<vmem>>
    %dma_wait3A_967 = tpu.memref_squeeze %dma_wait3A_966 : memref<1x80x512xf32, #tpu.memory_space<vmem>> -> memref<80x512xf32, #tpu.memory_space<vmem>>
    tpu.wait_dma2 semaphore(%arg13 : memref<!tpu.dma_semaphore, #tpu.memory_space<semaphore_mem>>) src(%dma_wait3A_967 : memref<80x512xf32, #tpu.memory_space<vmem>>) dst(%dma_wait3A_963 : memref<80x512xf32, #tpu.memory_space<hbm>>)
    return
  }
}

module attributes {stable_mosaic.version = 14 : i64} {
  func.func @body(%arg0: i32, %arg1: memref<3072x512xf32, #tpu.memory_space<vmem>>, %arg2: memref<512x512xf32, #tpu.memory_space<vmem>>, %arg3: memref<3072x512xf32, #tpu.memory_space<vmem>>) attributes {dimension_semantics = [#tpu.dimension_semantics<arbitrary>], iteration_bounds = array<i64: 17>, scalar_prefetch = 0 : i64, scratch_operands = 0 : i64, tpu.core_type = #tpu.core_type<tc>, window_params = [{transform_indices = @transform_0, window_bounds = array<i64: 3072, 512>}, {pipeline_mode = #tpu.pipeline_mode<synchronous>, transform_indices = @transform_1, window_bounds = array<i64: 512, 512>}, {transform_indices = @transform_2, window_bounds = array<i64: 3072, 512>}]} {
    %lt3A = arith.constant 16 : i32
    %lt3A_0 = arith.cmpi slt, %arg0, %lt3A : i32
    %convert_element_type3A = arith.extui %lt3A_0 : i1 to i32
    %cond3A = arith.constant 0 : i32
    %cond3A_1 = arith.cmpi ne, %convert_element_type3A, %cond3A : i32
    scf.if %cond3A_1 {
      %get3A = arith.constant 0 : index
      %get3A_6 = arith.constant 0 : index
      %get3A_7 = vector.load %arg1[%get3A, %get3A_6] : memref<3072x512xf32, #tpu.memory_space<vmem>>, vector<3072x512xf32>
      %get3A_8 = arith.constant 0 : index
      %get3A_9 = arith.constant 0 : index
      %get3A_10 = vector.load %arg2[%get3A_8, %get3A_9] : memref<512x512xf32, #tpu.memory_space<vmem>>, vector<512x512xf32>
      %dot_general3A = arith.constant dense<0.000000e+00> : vector<3072x512xf32>
      %dot_general3A_11 = tpu.matmul %get3A_7, %get3A_10, %dot_general3A {dimension_numbers = #tpu.dot_dimension_numbers<[1], [0], [0], [1], [0, 0, 1, 1], [], []>, transpose_lhs_hint = false} : vector<3072x512xf32>, vector<512x512xf32>, vector<3072x512xf32> -> vector<3072x512xf32>
      %swap3A = arith.constant 0 : index
      %swap3A_12 = arith.constant 0 : index
      %swap3A_13 = vector.load %arg3[%swap3A, %swap3A_12] : memref<3072x512xf32, #tpu.memory_space<vmem>>, vector<3072x512xf32>
      tpu.vector_store %arg3[%swap3A, %swap3A_12], %dot_general3A_11 {strides = array<i32>} : memref<3072x512xf32, #tpu.memory_space<vmem>>, vector<3072x512xf32>,
    } else {
    }
    %eq3A = arith.constant 16 : i32
    %eq3A_2 = arith.cmpi eq, %arg0, %eq3A : i32
    %convert_element_type3A_3 = arith.extui %eq3A_2 : i1 to i32
    %cond3A_4 = arith.constant 0 : i32
    %cond3A_5 = arith.cmpi ne, %convert_element_type3A_3, %cond3A_4 : i32
    scf.if %cond3A_5 {
      %get3A = arith.constant 0 : index
      %get3A_6 = arith.constant 0 : index
      %get3A_7 = vector.load %arg1[%get3A, %get3A_6] : memref<3072x512xf32, #tpu.memory_space<vmem>>, vector<2048x512xf32>
      %get3A_8 = arith.constant 0 : index
      %get3A_9 = arith.constant 0 : index
      %get3A_10 = vector.load %arg2[%get3A_8, %get3A_9] : memref<512x512xf32, #tpu.memory_space<vmem>>, vector<512x512xf32>
      %dot_general3A = arith.constant dense<0.000000e+00> : vector<2048x512xf32>
      %dot_general3A_11 = tpu.matmul %get3A_7, %get3A_10, %dot_general3A {dimension_numbers = #tpu.dot_dimension_numbers<[1], [0], [0], [1], [0, 0, 1, 1], [], []>, transpose_lhs_hint = false} : vector<2048x512xf32>, vector<512x512xf32>, vector<2048x512xf32> -> vector<2048x512xf32>
      %swap3A = arith.constant 0 : index
      %swap3A_12 = arith.constant 0 : index
      %swap3A_13 = vector.load %arg3[%swap3A, %swap3A_12] : memref<3072x512xf32, #tpu.memory_space<vmem>>, vector<2048x512xf32>
      tpu.vector_store %arg3[%swap3A, %swap3A_12], %dot_general3A_11 {strides = array<i32>} : memref<3072x512xf32, #tpu.memory_space<vmem>>, vector<2048x512xf32>,
      %get3A_14 = arith.constant 2048 : index
      %get3A_15 = arith.constant 0 : index
      %get3A_16 = vector.load %arg1[%get3A_14, %get3A_15] : memref<3072x512xf32, #tpu.memory_space<vmem>>, vector<1024x512xf32>
      %swap3A_17 = arith.constant 2048 : index
      %swap3A_18 = arith.constant 0 : index
      %swap3A_19 = vector.load %arg3[%swap3A_17, %swap3A_18] : memref<3072x512xf32, #tpu.memory_space<vmem>>, vector<1024x512xf32>
      tpu.vector_store %arg3[%swap3A_17, %swap3A_18], %get3A_16 {strides = array<i32>} : memref<3072x512xf32, #tpu.memory_space<vmem>>, vector<1024x512xf32>,
    } else {
    }
    return
  }
  func.func @transform_0(%arg0: i32) -> (i32, i32) {
    %c0_i32 = arith.constant 0 : i32
    %c0_i32_0 = arith.constant 0 : i32
    return %arg0, %c0_i32 : i32, i32
  }
  func.func @transform_1(%arg0: i32) -> (i32, i32) {
    %c0_i32 = arith.constant 0 : i32
    %c0_i32_0 = arith.constant 0 : i32
    %c0_i32_1 = arith.constant 0 : i32
    return %c0_i32, %c0_i32_0 : i32, i32
  }
  func.func @transform_2(%arg0: i32) -> (i32, i32) {
    %c0_i32 = arith.constant 0 : i32
    %c0_i32_0 = arith.constant 0 : i32
    return %arg0, %c0_i32 : i32, i32
  }
}

</mosaic_0001>

<sc_bundles>
// kernel: kernel.4.cloned.1.call-start
scs
__scs_entry_jumppad:
0x0: {  	(pc) =	sbr.rel $0x88, $3  }
0x1: {  	(tag) =	ssettag $0x0;
	lr =	simm.s32 $0x1  }
0x2: {  	[smem:$0x3F9D] =	sst lr;
	_ =	strace $0xD0000000  }
0x3: {  	_ = 	snop  }
0x4: {  	_ = 	snop  }
0x5: {  	_ = 	snop  }
0x6: {  	_ = 	snop  }
0x7: {  	_ = 	snop  }
__scs_overlays_trampoline_lowered:
0x8: {  	[smem:$0x3FAC] =	sst s0  }
0x9: {  	[smem:$0x3FAD] =	sst s1  }
0xa: {  	[smem:$0x3FAE] =	sst s2  }
0xb: {  	[smem:$0x3FAF] =	sst s3  }
0xc: {  	[smem:$0x3FB0] =	sst s4  }
0xd: {  	[smem:$0x3FB1] =	sst s5  }
0xe: {  	[smem:$0x3FB2] =	sst s6  }
0xf: {  	[smem:$0x3FB3] =	sst s7  }
0x10: {  	[smem:$0x3FB4] =	sst s8  }
0x11: {  	[smem:$0x3FB5] =	sst s9;
	s0 =	simm.s32 @!p0 $0x0  }
0x12: {  	s1 =	sld [smem:$0x3F9B];
	s0 =	simm.s32 @p0 $0x1  }
0x13: {  	[smem:$0x3FB6] =	sst s0;
	s0 =	simm.s32 @!p1 $0x0  }
0x14: {  	s2 =	sld [smem:$0x3F9A];
	s0 =	simm.s32 @p1 $0x1  }
0x15: {  	[smem:$0x3FB7] =	sst s0;
	s0 =	simm.s32 @!p2 $0x0  }
0x16: {  	s3 =	sld [smem:$0x3FDB];
	s0 =	simm.s32 @p2 $0x1  }
0x17: {  	s4 =	simm.s32 $0x1BF5;
	[smem:$0x3FB9] =	sst s0  }
0x18: {  	s0 =	sld [smem:$0x3F9C];
	_ =	swait.ge [sflag:s4], $0x0  }
0x19: {  	s7 =	sld [smem:$0x3F9D]  }
0x1a: {  	s8 =	sadd.s32 $0xFFFFE003, lr  }
0x1b: {  	s9 =	sadd.s32 $0xFFFFFEF7, lr;
	s5 =	simm.s32 $0xFFFFFFFF;
	p2 =	slt.u32 s8, $0xFFFFF086  }
0x1c: {  	p1 =	slt.u32 s9, $0xF7A;
	s5 =	simm.s32 @!p2 $0x0  }
0x1d: {  	s5 =	simm.s32 @p1 $0x1;
	p0 =	seq.s32 s7, s2  }
0x1e: {  	s7 =	smul.u32 @!p0 $0xF7A, s2;
	p2 =	seq.s32 @!p0 s5, $0x0  }
0x1f: {  	s9 =	smul.u32 $0xF7A, s1;
	s8 =	simm.s32 @!p0 $0x1BF5;
	p2 =	por !p2, p0  }
0x20: {  	[sflag:s8] =	ssyncset.s32 @!p0 $0xFFFFF086;
	s6 =	sadd.s32 @!p0 s3, s7;
	s7 =	simm.s32 @!p0 $0x108  }
0x21: {  	s3 =	sadd.s32 s3, s9;
	s6 =	sadd.s32 @!p0 $0x88, s6;
	s7 =	simm.s32 @p2 $0x1082  }
0x22: {  	[simem:s7], [sflag:s8] =	dma.local @!p0 [hbm:s6], $0xF7A  }
0x23: {  	s9 =	sor.u32 $0xD0000000, s2;
	s6 =	simm.s32 $0x108;
	_ =	swait.ge @!p0 [sflag:s8], $0x0  }
0x24: {  	s3 =	sadd.s32 $0x88, s3;
	s6 =	simm.s32 @!p1 $0x1082;
	[sflag:s4] =	ssyncset.s32 $0xFFFFF086  }
0x25: {  	[simem:s6], [sflag:s4] =	dma.local [hbm:s3], $0xF7A  }
0x26: {  	[smem:$0x3F9D] =	sst s1;
	(tag) =	ssettag s2;
	_ =	strace s9  }
0x27: {  	s1 =	sld [smem:$0x3FAD]  }
0x28: {  	s2 =	sld [smem:$0x3FAE]  }
0x29: {  	s4 =	sld [smem:$0x3FB0]  }
0x2a: {  	p0 =	seq.s32 s5, $0x0;
	s5 =	sld [smem:$0x3FB1]  }
0x2b: {  	s6 =	sld [smem:$0x3FB2]  }
0x2c: {  	s7 =	sld [smem:$0x3FB3]  }
0x2d: {  	s3 =	simm.s32 $0x108;
	s8 =	sld [smem:$0x3FB4]  }
0x2e: {  	s3 =	simm.s32 @!p0 $0x1082;
	s9 =	sld [smem:$0x3FB5]  }
0x2f: {  	lr =	sadd.s32 s0, s3;
	s0 =	sld [smem:$0x3FAC]  }
0x30: {  	s3 =	sld [smem:$0x3FAF]  }
0x31: {  	[smem:$0x3FB8] =	sst s10  }
0x32: {  	s10 =	sld [smem:$0x3FB6];
	_ =	sdelay $0x3  }
0x33: {  	p0 =	seq.s32 s10, $0x1;
	s10 =	sld [smem:$0x3FB8];
	_ =	sdelay $0x3  }
0x34: {  	[smem:$0x3FB8] =	sst s10  }
0x35: {  	s10 =	sld [smem:$0x3FB7];
	_ =	sdelay $0x3  }
0x36: {  	p1 =	seq.s32 s10, $0x1;
	s10 =	sld [smem:$0x3FB8];
	_ =	sdelay $0x3  }
0x37: {  	[smem:$0x3FB8] =	sst s10  }
0x38: {  	s10 =	sld [smem:$0x3FB9]  }
0x39: {  	_ = 	snop;
	(pc) =	sbr.ind lr, $3  }
0x3a: {  	_ = 	snop  }
0x3b: {  	_ = 	snop  }
0x3c: {  	p2 =	seq.s32 s10, $0x1;
	s10 =	sld [smem:$0x3FB8]  }
0x3d: {  	_ =	shalt  }
0x3e: {  	_ =	shalt  }
0x3f: {  	_ =	shalt  }
0x40: {  	_ =	shalt  }
0x41: {  	_ =	shalt  }
0x42: {  	_ =	shalt  }
0x43: {  	_ =	shalt  }
0x44: {  	_ =	shalt  }
0x45: {  	_ =	shalt  }
0x46: {  	_ =	shalt  }
0x47: {  	_ =	shalt  }
0x48: {  	_ =	shalt  }
0x49: {  	_ =	shalt  }
0x4a: {  	_ =	shalt  }
0x4b: {  	_ =	shalt  }
0x4c: {  	_ =	shalt  }
0x4d: {  	_ =	shalt  }
0x4e: {  	_ =	shalt  }
0x4f: {  	_ =	shalt  }
0x50: {  	_ =	shalt  }
0x51: {  	_ =	shalt  }
0x52: {  	_ =	shalt  }
0x53: {  	_ =	shalt  }
0x54: {  	_ =	shalt  }
0x55: {  	_ =	shalt  }
0x56: {  	_ =	shalt  }
0x57: {  	_ =	shalt  }
0x58: {  	_ =	shalt  }
0x59: {  	_ =	shalt  }
0x5a: {  	_ =	shalt  }
0x5b: {  	_ =	shalt  }
0x5c: {  	_ =	shalt  }
0x5d: {  	_ =	shalt  }
0x5e: {  	_ =	shalt  }
0x5f: {  	_ =	shalt  }
0x60: {  	_ =	shalt  }
0x61: {  	_ =	shalt  }
0x62: {  	_ =	shalt  }
0x63: {  	_ =	shalt  }
0x64: {  	_ =	shalt  }
0x65: {  	_ =	shalt  }
0x66: {  	_ =	shalt  }
0x67: {  	_ =	shalt  }
0x68: {  	_ =	shalt  }
0x69: {  	_ =	shalt  }
0x6a: {  	_ =	shalt  }
0x6b: {  	_ =	shalt  }
0x6c: {  	_ =	shalt  }
0x6d: {  	_ =	shalt  }
0x6e: {  	_ =	shalt  }
0x6f: {  	_ =	shalt  }
0x70: {  	_ =	shalt  }
0x71: {  	_ =	shalt  }
0x72: {  	_ =	shalt  }
0x73: {  	_ =	shalt  }
0x74: {  	_ =	shalt  }
0x75: {  	_ =	shalt  }
0x76: {  	_ =	shalt  }
0x77: {  	_ =	shalt  }
0x78: {  	_ =	shalt  }
0x79: {  	_ =	shalt  }
0x7a: {  	_ =	shalt  }
0x7b: {  	_ =	shalt  }
0x7c: {  	_ =	shalt  }
0x7d: {  	_ =	shalt  }
0x7e: {  	_ =	shalt  }
0x7f: {  	_ =	shalt  }
0x80: {  	_ =	shalt  }
0x81: {  	_ =	shalt  }
0x82: {  	_ =	shalt  }
0x83: {  	_ =	shalt  }
0x84: {  	_ =	shalt  }
0x85: {  	_ =	shalt  }
0x86: {  	_ =	shalt  }
0x87: {  	_ =	shalt  }
.Lfunc_end0:
.L_simem_size_0:
called_computation_lowered:
.L_overlay_start_0:
0x88: {  	s2 =	sld [smem:$0x3FD9]  }
0x89: {  	s3 =	sld [smem:$0x3FFE];
	_ =	sdelay $0x1  }
0x8a: {  	s1 =	srdreg.scid  }
0x8b: {  	s0 =	sand.u32 $0x1, s1  }
0x8c: {  	s17 =	sshll.u32 s0, $0xA;
	s2 =	sadd.s32 s3, s2  }
0x8d: {  	s2 =	sadd.s32 s2, s17  }
0x8e: {  	[smem:$0x3FC4] =	sst s2  }
0x8f: {  	_ = 	snop  }
0x90: {  	s2 =	sld [smem:$0x3FC7]  }
0x91: {  	s18 =	sld [smem:$0x3FD0];
	(tm) =	ssettm $0x1  }
0x92: {  	s4 =	sld [smem:$0x3FFB];
	_ =	sdelay $0x3  }
0x93: {  	_ =	strace s4  }
0x94: {  	s4 =	sld [smem:$0x3FFC];
	_ =	sdelay $0x3  }
0x95: {  	_ =	strace s4  }
0x96: {  	s4 =	sld [smem:$0x3FFD];
	_ =	sdelay $0x3  }
0x97: {  	_ =	strace s4  }
0x98: {  	_ =	strace $0x8FFFFFFF  }
0x99: {  	s19 =	sld [smem:$0x3FDB];
	_ =	sdelay $0x1  }
0x9a: {  	s5 =	simm.s32 $_scs_section_size  }
0x9b: {  	s6 =	simm.s32 $_size__tile_overlayer_lowered;
	s7 =	simm.s32 $_tile_overlayer_lowered  }
0x9c: {  	s22 =	simm.s32 $0x1BFF;
	s21 =	sshll.u32 s7, $0x1;
	s4 =	sadd.s32 s5, s19  }
0x9d: {  	s8 =	simm.s32 $0x0;
	s20 =	sshll.u32 s6, $0x1;
	s6 =	sadd.s32 s21, s4  }
0x9e: {  	[timem:s8], [sflag:s22] =	dma.local [hbm:s6], s20  }
0x9f: {  	_ =	swait.ge [sflag:s22], s20  }
0xa0: {  	s5 =	ssub.s32 $0x0, s20;
	[sflag:s22] =	ssyncset.done $0x0  }
0xa1: {  	[sflag:s22] =	ssyncadd.s32 s5;
	_ =	sdelay $0x1  }
0xa2: {  	s23 =	simm.s32 $0x1B8B  }
0xa3: {  	_ =	swait.ge [sflag:s23], $0x1  }
0xa4: {  	[sflag:s23] =	ssyncset.done $0x0  }
0xa5: {  	s25 =	simm.s32 $0x1B8E;
	s24 =	sld [smem:$0x3FFE];
	[sflag:s23] =	ssyncadd.s32 $0xFFFFFFFF  }
0xa6: {  	s26 =	simm.s32 $execute0_lowered;
	[smem:$0x3FD2] =	sst s25  }
0xa7: {  	s6 =	sshll.u32 s26, $0x1;
	_ =	strace $0x80000046;
	[dreg:$0x1] =	wrdreg $0xFFFFFFFF  }
0xa8: {  	s28 =	simm.s32 $_size_execute0_lowered;
	s4 =	sadd.s32 s4, s6;
	[dreg:$0x0] =	wrdreg $0x0  }
0xa9: {  	s6 =	sshll.u32 s28, $0x1;
	[dreg:$0x2] =	wrdreg s4  }
0xaa: {  	[dreg:$0x3] =	wrdreg s6  }
0xab: {  	[dreg:$0x4] =	wrdreg $0xC0  }
0xac: {  	_ =	task [dreg:s8], $0x5FFFF  }
0xad: {  	[dreg:$0x1] =	wrdreg $0xFFFFFFFF  }
0xae: {  	[dreg:$0x0] =	wrdreg $0x60  }
0xaf: {  	[dreg:$0x2] =	wrdreg s2  }
0xb0: {  	[dreg:$0x3] =	wrdreg s24  }
0xb1: {  	[dreg:$0x4] =	wrdreg s18  }
0xb2: {  	[dreg:$0x5] =	wrdreg $0x9  }
0xb3: {  	_ =	task.clear_ibuf [dreg:s8], $0x6FFFF;
	_ =	strace $0x90000046  }
0xb4: {  	s29 =	simm.s32 $0x9;
	_ =	strace $0x80000048  }
0xb5: {  	_ =	swait.ge [sflag:s29], $0x1  }
0xb6: {  	[sflag:s29] =	ssyncadd.s32 $0xFFFFFFFF  }
0xb7: {  	_ =	strace $0x90000048  }
0xb8: {  	_ =	sfence  }
0xb9: {  	s30 =	sld [smem:$0x0];
	_ =	sdelay $0x2  }
0xba: {  	s31 =	sshll.u32 s1, $0xD;
	s1 =	sshrl.u32 s1, $0x2  }
0xbb: {  	s3 =	sand.u32 $0x4000, s31;
	s1 =	sadd.s32 s1, s30  }
0xbc: {  	s0 =	sor.u32 s3, s0;
	s1 =	sshll.u32 s1, $0x11  }
0xbd: {  	s0 =	sor.u32 s1, s0  }
0xbe: {  	s0 =	sadd.s32 $0x8F2B, s0  }
0xbf: {  	[sflag:s0] =	ssyncadd.remote.s32 $0x1  }
0xc0: {  	_ =	sfence.sel $0xFFFF  }
0xc1: {  	[dreg:$0x0] =	wrdreg $0xFFFFFFFF;
	(pc) =	sbr.abs _section_cstart, $3  }
0xc2: {  	[dreg:$0x1] =	wrdreg $0xFFFFFFFF  }
0xc3: {  	_ =	task.clear_ibuf [dreg:s8], $0x2FFFF;
	_ =	strace $0x9FFFFFFF  }
0xc4: {  	(tm) =	ssettm $0x7FFFFFFF  }
0xc5: {  	_ =	shalt  }
tec
execute0_lowered:
.L_overlay_start_1:
0x0: {  	(tag) =	ssettag $0x1  }
0x1: {  	s0 =	srdreg.scid;
	s2 =	stileid.u32  }
0x2: {  	s1 =	rddreg [dreg:$0x0];
	s0 =	sand.u32 $0x1, s0;
	s2 =	sshll.u32 s2, $0x1  }
0x3: {  	s4 =	rddreg [dreg:$0x1];
	s2 =	sor.u32 s0, s2  }
0x4: {  	s5 =	rddreg [dreg:$0x2];
	s3 =	simm.s32 $0x0;
	s6 =	smul.u32 $0xC8, s2  }
0x5: {  	[smem:$0x7FF] =	sst s3;
	s7 =	smul.u32 $0xC8000, s2  }
0x6: {  	_ =	strace $0x80000047;
	s31 =	sshll.u32 s2, $0xB;
	s2 =	smul.u32 $0x19000, s2  }
0x7: {  	s5 =	sadd.s32 s5, s31;
	s6 =	sadd.s32 s6, s4;
	s4 =	sadd.s32 $0x2000, s4  }
0x8: {  	[dreg:$0x5] =	wrdreg s5;
	s8 =	sshrl.u32 s7, $0x3;
	s6 =	sadd.s32 $0x600, s6  }
0x9: {  	s2 =	sadd.s32 s4, s2;
	s9 =	sadd.s32 s4, s8;
	[dreg:$0x4] =	wrdreg s6  }
0xa: {  	[dreg:$0x7] =	wrdreg s2;
	s10 =	sadd.s32 $0x1400, s9  }
0xb: {  	s11 =	sadd.s32 $0x2800, s9;
	[dreg:$0x8] =	wrdreg s10  }
0xc: {  	s12 =	sadd.s32 $0x3C00, s9;
	[dreg:$0x9] =	wrdreg s11  }
0xd: {  	s13 =	sadd.s32 $0x5000, s9;
	[dreg:$0xa] =	wrdreg s12  }
0xe: {  	s14 =	sadd.s32 $0x6400, s9;
	[dreg:$0xb] =	wrdreg s13  }
0xf: {  	s15 =	sadd.s32 $0x7800, s9;
	[dreg:$0xc] =	wrdreg s14  }
0x10: {  	s16 =	sadd.s32 $0x8C00, s9;
	[dreg:$0xd] =	wrdreg s15  }
0x11: {  	s17 =	sadd.s32 $0xA000, s9;
	[dreg:$0xe] =	wrdreg s16  }
0x12: {  	s18 =	sadd.s32 $0xB400, s9;
	[dreg:$0xf] =	wrdreg s17  }
0x13: {  	s19 =	sadd.s32 $0xC800, s9;
	[dreg:$0x10] =	wrdreg s18  }
0x14: {  	s20 =	sadd.s32 $0xDC00, s9;
	[dreg:$0x11] =	wrdreg s19  }
0x15: {  	s30 =	simm.s32 $0x3;
	s21 =	sadd.s32 $0xF000, s9;
	[dreg:$0x12] =	wrdreg s20  }
0x16: {  	s0 =	ssub.s32 $0x2, s0;
	s22 =	sadd.s32 $0x10400, s9;
	[dreg:$0x13] =	wrdreg s21  }
0x17: {  	s26 =	sshrl.u32 s0, $0x1;
	s23 =	sadd.s32 $0x11800, s9;
	[dreg:$0x14] =	wrdreg s22  }
0x18: {  	s0 =	ssub.s32 s0, s26;
	s24 =	sadd.s32 $0x12C00, s9;
	[dreg:$0x15] =	wrdreg s23  }
0x19: {  	s26 =	simm.s32 $0x5;
	s25 =	sadd.s32 $0x14000, s9;
	[dreg:$0x16] =	wrdreg s24  }
0x1a: {  	s0 =	smax.u32 s0, $0x1;
	s28 =	sadd.s32 $0x15400, s9;
	[dreg:$0x17] =	wrdreg s25  }
0x1b: {  	s6 =	sadd.s32 s31, s4;
	s29 =	sadd.s32 $0x16800, s9;
	[dreg:$0x18] =	wrdreg s28  }
0x1c: {  	v2 =	vlaneseq.u32;
	s4 =	sadd.s32 $0x100, s1;
	s31 =	sadd.s32 $0x17C00, s9;
	[dreg:$0x19] =	wrdreg s29  }
0x1d: {  	vm0 =	vmmov $0xffff;
	v1 =	vshrl.u32 v2, $0x3;
	s6 =	sadd.s32 $0x320000, s6;
	[dreg:$0x1a] =	wrdreg s31;
	s23 =	simm.s32 $0x1  }
0x1e: {  	v0 =	vand.u32 $0x7, v2;
	v2 =	vor.u32 $0x8, v2;
	v1 =	vmul.u32 $0x8, v1;
	s24 =	simm.s32 $0x4;
	s25 =	simm.s32 $0x2;
	[dreg:$0x6] =	wrdreg s6  }
.LBB2_1:
0x1f: {  	[dreg:$0x1b] =	wrdreg s0  }
0x20: {  	s31 =	rddreg [dreg:$0x4];
	s6 =	simm.s32 $0x7  }
0x21: {  	[tilespmem:s3], [sflag:$0x7] =	stream.linear.gather [hbm4b:s31+s3], $0x640, $0x38;
	[tilespmem:$0x1E680] =	vst v63  }
0x22: {  	_ =	swait.ge [sflag:s6], $0x640  }
0x23: {  	[sflag:s6] =	ssyncset.done $0x0  }
0x24: {  	s2 =	simm.s32 $0x680;
	s7 =	rddreg [dreg:$0x5];
	[sflag:s6] =	ssyncadd.s32 $0xFFFFF9C0  }
0x25: {  	[tilespmem:s2], [sflag:$0x7] =	stream.linear.gather [hbm4b:s7+s3], $0x4000, $0x38;
	[tilespmem:$0x1E680] =	vst v63  }
0x26: {  	_ =	swait.ge [sflag:s6], $0x4000  }
0x27: {  	[sflag:s6] =	ssyncset.done $0x0  }
0x28: {  	s8 =	rddreg [dreg:$0x6];
	[sflag:s6] =	ssyncadd.s32 $0xFFFFC000  }
0x29: {  	[hbm4b:s8+s3] =	stream.linear.scatter [tilespmem:s2], [sflag:$0x7], $0x4000, $0x38;
	[tilespmem:$0x1E680] =	vst v63  }
0x2a: {  	_ =	swait.ge [sflag:s6], $0x4000  }
0x2b: {  	[sflag:s6] =	ssyncset.done $0x0  }
0x2c: {  	[sflag:s6] =	ssyncadd.s32 $0xFFFFC000  }
0x2d: {  	v3 =	vld [tilespmem:$0x0];
	_ =	sdelay $0x4  }
0x2e: {  	v4 =	vshll.u32 v3, $0x2  }
0x2f: {  	v3 =	vand.u32 $0x7, v3;
	v4 =	vand.u32 $0xFFFFFFE0, v4  }
0x30: {  	v3 =	vor.u32 v3, v4  }
0x31: {  	v4 =	vperm.xlane v3, v0;
	_ =	sdelay $0x1  }
0x32: {  	v4 =	vadd.s32 v1, v4;
	_ =	sdelay $0x1  }
0x33: {  	v3 =	vperm.xlane v3, v2;
	_ =	sdelay $0x1  }
0x34: {  	s9 =	simm.s32 $0x680;
	v3 =	vadd.s32 v1, v3  }
0x35: {  	[tilespmem:s9], [sflag:$0x1] =	stream.indirect_vreg.gather [hbm4b:s1+s3], $0x80, v4, vm0, $0xb8;
	[tilespmem:$0x1E680] =	vst v63  }
0x36: {  	s10 =	simm.s32 $0xE80  }
0x37: {  	[tilespmem:s10], [sflag:$0x1] =	stream.indirect_vreg.gather [hbm4b:s4+s3], $0x80, v4, vm0, $0xb8;
	[tilespmem:$0x1E680] =	vst v63  }
0x38: {  	s11 =	simm.s32 $0x1680  }
0x39: {  	[tilespmem:s11], [sflag:$0x1] =	stream.indirect_vreg.gather [hbm4b:s1+s3], $0x80, v3, vm0, $0xb8;
	[tilespmem:$0x1E680] =	vst v63  }
0x3a: {  	s12 =	simm.s32 $0x1E80  }
0x3b: {  	[tilespmem:s12], [sflag:$0x1] =	stream.indirect_vreg.gather [hbm4b:s4+s3], $0x80, v3, vm0, $0xb8;
	[tilespmem:$0x1E680] =	vst v63  }
0x3c: {  	v3 =	vld [tilespmem:$0x10];
	_ =	sdelay $0x4  }
0x3d: {  	v21 =	vshll.u32 v3, $0x2  }
0x3e: {  	v3 =	vand.u32 $0x7, v3;
	v4 =	vand.u32 $0xFFFFFFE0, v21  }
0x3f: {  	v3 =	vor.u32 v3, v4  }
0x40: {  	v4 =	vperm.xlane v3, v0;
	_ =	sdelay $0x1  }
0x41: {  	v4 =	vadd.s32 v1, v4;
	_ =	sdelay $0x1  }
0x42: {  	v3 =	vperm.xlane v3, v2;
	_ =	sdelay $0x1  }
0x43: {  	s13 =	simm.s32 $0x2680;
	v3 =	vadd.s32 v1, v3  }
0x44: {  	[tilespmem:s13], [sflag:$0x1] =	stream.indirect_vreg.gather [hbm4b:s1+s3], $0x80, v4, vm0, $0xb8;
	[tilespmem:$0x1E680] =	vst v63  }
0x45: {  	s14 =	simm.s32 $0x2E80  }
0x46: {  	[tilespmem:s14], [sflag:$0x1] =	stream.indirect_vreg.gather [hbm4b:s4+s3], $0x80, v4, vm0, $0xb8;
	[tilespmem:$0x1E680] =	vst v63  }
0x47: {  	s15 =	simm.s32 $0x3680  }
0x48: {  	[tilespmem:s15], [sflag:$0x1] =	stream.indirect_vreg.gather [hbm4b:s1+s3], $0x80, v3, vm0, $0xb8;
	[tilespmem:$0x1E680] =	vst v63  }
0x49: {  	s16 =	simm.s32 $0x3E80  }
0x4a: {  	[tilespmem:s16], [sflag:$0x1] =	stream.indirect_vreg.gather [hbm4b:s4+s3], $0x80, v3, vm0, $0xb8;
	[tilespmem:$0x1E680] =	vst v63  }
0x4b: {  	v3 =	vld [tilespmem:$0x20];
	_ =	sdelay $0x4  }
0x4c: {  	v22 =	vshll.u32 v3, $0x2  }
0x4d: {  	v3 =	vand.u32 $0x7, v3;
	v4 =	vand.u32 $0xFFFFFFE0, v22  }
0x4e: {  	v3 =	vor.u32 v3, v4  }
0x4f: {  	v4 =	vperm.xlane v3, v0;
	_ =	sdelay $0x1  }
0x50: {  	v4 =	vadd.s32 v1, v4;
	_ =	sdelay $0x1  }
0x51: {  	v3 =	vperm.xlane v3, v2;
	_ =	sdelay $0x1  }
0x52: {  	s17 =	simm.s32 $0x4680;
	v3 =	vadd.s32 v1, v3  }
0x53: {  	[tilespmem:s17], [sflag:$0x1] =	stream.indirect_vreg.gather [hbm4b:s1+s3], $0x80, v4, vm0, $0xb8;
	[tilespmem:$0x1E680] =	vst v63  }
0x54: {  	s18 =	simm.s32 $0x4E80  }
0x55: {  	[tilespmem:s18], [sflag:$0x1] =	stream.indirect_vreg.gather [hbm4b:s4+s3], $0x80, v4, vm0, $0xb8;
	[tilespmem:$0x1E680] =	vst v63  }
0x56: {  	s19 =	simm.s32 $0x5680  }
0x57: {  	[tilespmem:s19], [sflag:$0x1] =	stream.indirect_vreg.gather [hbm4b:s1+s3], $0x80, v3, vm0, $0xb8;
	[tilespmem:$0x1E680] =	vst v63  }
0x58: {  	s20 =	simm.s32 $0x5E80  }
0x59: {  	[tilespmem:s20], [sflag:$0x1] =	stream.indirect_vreg.gather [hbm4b:s4+s3], $0x80, v3, vm0, $0xb8;
	[tilespmem:$0x1E680] =	vst v63  }
0x5a: {  	v3 =	vld [tilespmem:$0x30];
	_ =	sdelay $0x4  }
0x5b: {  	v23 =	vshll.u32 v3, $0x2  }
0x5c: {  	v3 =	vand.u32 $0x7, v3;
	v4 =	vand.u32 $0xFFFFFFE0, v23  }
0x5d: {  	v3 =	vor.u32 v3, v4  }
0x5e: {  	v4 =	vperm.xlane v3, v0;
	_ =	sdelay $0x1  }
0x5f: {  	v4 =	vadd.s32 v1, v4;
	_ =	sdelay $0x1  }
0x60: {  	v3 =	vperm.xlane v3, v2;
	_ =	sdelay $0x1  }
0x61: {  	s22 =	simm.s32 $0x6680;
	v3 =	vadd.s32 v1, v3  }
0x62: {  	[tilespmem:s22], [sflag:$0x1] =	stream.indirect_vreg.gather [hbm4b:s1+s3], $0x80, v4, vm0, $0xb8;
	[tilespmem:$0x1E680] =	vst v63  }
0x63: {  	s28 =	simm.s32 $0x6E80  }
0x64: {  	[tilespmem:s28], [sflag:$0x1] =	stream.indirect_vreg.gather [hbm4b:s4+s3], $0x80, v4, vm0, $0xb8;
	[tilespmem:$0x1E680] =	vst v63  }
0x65: {  	s29 =	simm.s32 $0x7680  }
0x66: {  	[tilespmem:s29], [sflag:$0x1] =	stream.indirect_vreg.gather [hbm4b:s1+s3], $0x80, v3, vm0, $0xb8;
	[tilespmem:$0x1E680] =	vst v63  }
0x67: {  	s31 =	simm.s32 $0x7E80  }
0x68: {  	[tilespmem:s31], [sflag:$0x1] =	stream.indirect_vreg.gather [hbm4b:s4+s3], $0x80, v3, vm0, $0xb8;
	[tilespmem:$0x1E680] =	vst v63  }
0x69: {  	v3 =	vld [tilespmem:$0x40];
	_ =	sdelay $0x4  }
0x6a: {  	v24 =	vshll.u32 v3, $0x2  }
0x6b: {  	v3 =	vand.u32 $0x7, v3;
	v4 =	vand.u32 $0xFFFFFFE0, v24  }
0x6c: {  	v3 =	vor.u32 v3, v4  }
0x6d: {  	v4 =	vperm.xlane v3, v0;
	_ =	sdelay $0x1  }
0x6e: {  	v4 =	vadd.s32 v1, v4;
	_ =	sdelay $0x1  }
0x6f: {  	v3 =	vperm.xlane v3, v2;
	_ =	sdelay $0x1  }
0x70: {  	s2 =	simm.s32 $0x8680;
	v3 =	vadd.s32 v1, v3  }
0x71: {  	[tilespmem:s2], [sflag:$0x1] =	stream.indirect_vreg.gather [hbm4b:s1+s3], $0x80, v4, vm0, $0xb8;
	[tilespmem:$0x1E680] =	vst v63  }
0x72: {  	s5 =	simm.s32 $0x8E80  }
0x73: {  	[tilespmem:s5], [sflag:$0x1] =	stream.indirect_vreg.gather [hbm4b:s4+s3], $0x80, v4, vm0, $0xb8;
	[tilespmem:$0x1E680] =	vst v63  }
0x74: {  	s6 =	simm.s32 $0x9680  }
0x75: {  	[tilespmem:s6], [sflag:$0x1] =	stream.indirect_vreg.gather [hbm4b:s1+s3], $0x80, v3, vm0, $0xb8;
	[tilespmem:$0x1E680] =	vst v63  }
0x76: {  	s9 =	simm.s32 $0x9E80  }
0x77: {  	[tilespmem:s9], [sflag:$0x1] =	stream.indirect_vreg.gather [hbm4b:s4+s3], $0x80, v3, vm0, $0xb8;
	[tilespmem:$0x1E680] =	vst v63  }
0x78: {  	v3 =	vld [tilespmem:$0x50];
	_ =	sdelay $0x4  }
0x79: {  	v25 =	vshll.u32 v3, $0x2  }
0x7a: {  	v3 =	vand.u32 $0x7, v3;
	v4 =	vand.u32 $0xFFFFFFE0, v25  }
0x7b: {  	v3 =	vor.u32 v3, v4  }
0x7c: {  	v4 =	vperm.xlane v3, v0;
	_ =	sdelay $0x1  }
0x7d: {  	v4 =	vadd.s32 v1, v4;
	_ =	sdelay $0x1  }
0x7e: {  	v3 =	vperm.xlane v3, v2;
	_ =	sdelay $0x1  }
0x7f: {  	s12 =	simm.s32 $0xA680;
	v3 =	vadd.s32 v1, v3  }
0x80: {  	[tilespmem:s12], [sflag:$0x2] =	stream.indirect_vreg.gather [hbm4b:s1+s3], $0x80, v4, vm0, $0xb8;
	[tilespmem:$0x1E680] =	vst v63  }
0x81: {  	s15 =	simm.s32 $0xAE80  }
0x82: {  	[tilespmem:s15], [sflag:$0x2] =	stream.indirect_vreg.gather [hbm4b:s4+s3], $0x80, v4, vm0, $0xb8;
	[tilespmem:$0x1E680] =	vst v63  }
0x83: {  	s19 =	simm.s32 $0xB680  }
0x84: {  	[tilespmem:s19], [sflag:$0x2] =	stream.indirect_vreg.gather [hbm4b:s1+s3], $0x80, v3, vm0, $0xb8;
	[tilespmem:$0x1E680] =	vst v63  }
0x85: {  	s28 =	simm.s32 $0xBE80  }
0x86: {  	[tilespmem:s28], [sflag:$0x2] =	stream.indirect_vreg.gather [hbm4b:s4+s3], $0x80, v3, vm0, $0xb8;
	[tilespmem:$0x1E680] =	vst v63  }
0x87: {  	v3 =	vld [tilespmem:$0x60];
	_ =	sdelay $0x4  }
0x88: {  	v26 =	vshll.u32 v3, $0x2  }
0x89: {  	v3 =	vand.u32 $0x7, v3;
	v4 =	vand.u32 $0xFFFFFFE0, v26  }
0x8a: {  	v3 =	vor.u32 v3, v4  }
0x8b: {  	v4 =	vperm.xlane v3, v0;
	_ =	sdelay $0x1  }
0x8c: {  	v4 =	vadd.s32 v1, v4;
	_ =	sdelay $0x1  }
0x8d: {  	v3 =	vperm.xlane v3, v2;
	_ =	sdelay $0x1  }
0x8e: {  	s29 =	simm.s32 $0xC680;
	v3 =	vadd.s32 v1, v3  }
0x8f: {  	[tilespmem:s29], [sflag:$0x2] =	stream.indirect_vreg.gather [hbm4b:s1+s3], $0x80, v4, vm0, $0xb8;
	[tilespmem:$0x1E680] =	vst v63  }
0x90: {  	s31 =	simm.s32 $0xCE80  }
0x91: {  	[tilespmem:s31], [sflag:$0x2] =	stream.indirect_vreg.gather [hbm4b:s4+s3], $0x80, v4, vm0, $0xb8;
	[tilespmem:$0x1E680] =	vst v63  }
0x92: {  	s6 =	simm.s32 $0xD680  }
0x93: {  	[tilespmem:s6], [sflag:$0x2] =	stream.indirect_vreg.gather [hbm4b:s1+s3], $0x80, v3, vm0, $0xb8;
	[tilespmem:$0x1E680] =	vst v63  }
0x94: {  	s9 =	simm.s32 $0xDE80  }
0x95: {  	[tilespmem:s9], [sflag:$0x2] =	stream.indirect_vreg.gather [hbm4b:s4+s3], $0x80, v3, vm0, $0xb8;
	[tilespmem:$0x1E680] =	vst v63  }
0x96: {  	v3 =	vld [tilespmem:$0x70];
	_ =	sdelay $0x4  }
0x97: {  	v27 =	vshll.u32 v3, $0x2  }
0x98: {  	v3 =	vand.u32 $0x7, v3;
	v4 =	vand.u32 $0xFFFFFFE0, v27  }
0x99: {  	v3 =	vor.u32 v3, v4  }
0x9a: {  	v4 =	vperm.xlane v3, v0;
	_ =	sdelay $0x1  }
0x9b: {  	v4 =	vadd.s32 v1, v4;
	_ =	sdelay $0x1  }
0x9c: {  	v3 =	vperm.xlane v3, v2;
	_ =	sdelay $0x1  }
0x9d: {  	s12 =	simm.s32 $0xE680;
	v3 =	vadd.s32 v1, v3  }
0x9e: {  	[tilespmem:s12], [sflag:$0x2] =	stream.indirect_vreg.gather [hbm4b:s1+s3], $0x80, v4, vm0, $0xb8;
	[tilespmem:$0x1E680] =	vst v63  }
0x9f: {  	s15 =	simm.s32 $0xEE80  }
0xa0: {  	[tilespmem:s15], [sflag:$0x2] =	stream.indirect_vreg.gather [hbm4b:s4+s3], $0x80, v4, vm0, $0xb8;
	[tilespmem:$0x1E680] =	vst v63  }
0xa1: {  	s19 =	simm.s32 $0xF680  }
0xa2: {  	[tilespmem:s19], [sflag:$0x2] =	stream.indirect_vreg.gather [hbm4b:s1+s3], $0x80, v3, vm0, $0xb8;
	[tilespmem:$0x1E680] =	vst v63  }
0xa3: {  	s28 =	simm.s32 $0xFE80  }
0xa4: {  	[tilespmem:s28], [sflag:$0x2] =	stream.indirect_vreg.gather [hbm4b:s4+s3], $0x80, v3, vm0, $0xb8;
	[tilespmem:$0x1E680] =	vst v63  }
0xa5: {  	v3 =	vld [tilespmem:$0x80];
	_ =	sdelay $0x4  }
0xa6: {  	v28 =	vshll.u32 v3, $0x2  }
0xa7: {  	v3 =	vand.u32 $0x7, v3;
	v4 =	vand.u32 $0xFFFFFFE0, v28  }
0xa8: {  	v3 =	vor.u32 v3, v4  }
0xa9: {  	v4 =	vperm.xlane v3, v0;
	_ =	sdelay $0x1  }
0xaa: {  	v4 =	vadd.s32 v1, v4;
	_ =	sdelay $0x1  }
0xab: {  	v3 =	vperm.xlane v3, v2;
	_ =	sdelay $0x1  }
0xac: {  	s29 =	simm.s32 $0x10680;
	v3 =	vadd.s32 v1, v3  }
0xad: {  	[tilespmem:s29], [sflag:$0x2] =	stream.indirect_vreg.gather [hbm4b:s1+s3], $0x80, v4, vm0, $0xb8;
	[tilespmem:$0x1E680] =	vst v63  }
0xae: {  	s31 =	simm.s32 $0x10E80  }
0xaf: {  	[tilespmem:s31], [sflag:$0x2] =	stream.indirect_vreg.gather [hbm4b:s4+s3], $0x80, v4, vm0, $0xb8;
	[tilespmem:$0x1E680] =	vst v63  }
0xb0: {  	s6 =	simm.s32 $0x11680  }
0xb1: {  	[tilespmem:s6], [sflag:$0x2] =	stream.indirect_vreg.gather [hbm4b:s1+s3], $0x80, v3, vm0, $0xb8;
	[tilespmem:$0x1E680] =	vst v63  }
0xb2: {  	s15 =	simm.s32 $0x11E80  }
0xb3: {  	[tilespmem:s15], [sflag:$0x2] =	stream.indirect_vreg.gather [hbm4b:s4+s3], $0x80, v3, vm0, $0xb8;
	[tilespmem:$0x1E680] =	vst v63  }
0xb4: {  	v3 =	vld [tilespmem:$0x90];
	_ =	sdelay $0x4  }
0xb5: {  	v29 =	vshll.u32 v3, $0x2  }
0xb6: {  	v3 =	vand.u32 $0x7, v3;
	v4 =	vand.u32 $0xFFFFFFE0, v29  }
0xb7: {  	v3 =	vor.u32 v3, v4  }
0xb8: {  	v4 =	vperm.xlane v3, v0;
	_ =	sdelay $0x1  }
0xb9: {  	v4 =	vadd.s32 v1, v4;
	_ =	sdelay $0x1  }
0xba: {  	v3 =	vperm.xlane v3, v2;
	_ =	sdelay $0x1  }
0xbb: {  	s19 =	simm.s32 $0x12680;
	v3 =	vadd.s32 v1, v3  }
0xbc: {  	[tilespmem:s19], [sflag:$0x2] =	stream.indirect_vreg.gather [hbm4b:s1+s3], $0x80, v4, vm0, $0xb8;
	[tilespmem:$0x1E680] =	vst v63  }
0xbd: {  	s28 =	simm.s32 $0x12E80  }
0xbe: {  	[tilespmem:s28], [sflag:$0x2] =	stream.indirect_vreg.gather [hbm4b:s4+s3], $0x80, v4, vm0, $0xb8;
	[tilespmem:$0x1E680] =	vst v63  }
0xbf: {  	s29 =	simm.s32 $0x13680  }
0xc0: {  	[tilespmem:s29], [sflag:$0x2] =	stream.indirect_vreg.gather [hbm4b:s1+s3], $0x80, v3, vm0, $0xb8;
	[tilespmem:$0x1E680] =	vst v63  }
0xc1: {  	s31 =	simm.s32 $0x13E80  }
0xc2: {  	[tilespmem:s31], [sflag:$0x2] =	stream.indirect_vreg.gather [hbm4b:s4+s3], $0x80, v3, vm0, $0xb8;
	[tilespmem:$0x1E680] =	vst v63  }
0xc3: {  	v3 =	vld [tilespmem:$0xA0];
	_ =	sdelay $0x4  }
0xc4: {  	v30 =	vshll.u32 v3, $0x2  }
0xc5: {  	v3 =	vand.u32 $0x7, v3;
	v4 =	vand.u32 $0xFFFFFFE0, v30  }
0xc6: {  	v3 =	vor.u32 v3, v4  }
0xc7: {  	v4 =	vperm.xlane v3, v0;
	_ =	sdelay $0x1  }
0xc8: {  	v4 =	vadd.s32 v1, v4;
	_ =	sdelay $0x1  }
0xc9: {  	v3 =	vperm.xlane v3, v2;
	_ =	sdelay $0x1  }
0xca: {  	s6 =	simm.s32 $0x14680;
	v3 =	vadd.s32 v1, v3  }
0xcb: {  	[tilespmem:s6], [sflag:$0x3] =	stream.indirect_vreg.gather [hbm4b:s1+s3], $0x80, v4, vm0, $0xb8;
	[tilespmem:$0x1E680] =	vst v63  }
0xcc: {  	s19 =	simm.s32 $0x14E80  }
0xcd: {  	[tilespmem:s19], [sflag:$0x3] =	stream.indirect_vreg.gather [hbm4b:s4+s3], $0x80, v4, vm0, $0xb8;
	[tilespmem:$0x1E680] =	vst v63  }
0xce: {  	s28 =	simm.s32 $0x15680  }
0xcf: {  	[tilespmem:s28], [sflag:$0x3] =	stream.indirect_vreg.gather [hbm4b:s1+s3], $0x80, v3, vm0, $0xb8;
	[tilespmem:$0x1E680] =	vst v63  }
0xd0: {  	s31 =	simm.s32 $0x15E80  }
0xd1: {  	[tilespmem:s31], [sflag:$0x3] =	stream.indirect_vreg.gather [hbm4b:s4+s3], $0x80, v3, vm0, $0xb8;
	[tilespmem:$0x1E680] =	vst v63  }
0xd2: {  	v3 =	vld [tilespmem:$0xB0];
	_ =	sdelay $0x4  }
0xd3: {  	v31 =	vshll.u32 v3, $0x2  }
0xd4: {  	v3 =	vand.u32 $0x7, v3;
	v4 =	vand.u32 $0xFFFFFFE0, v31  }
0xd5: {  	v3 =	vor.u32 v3, v4  }
0xd6: {  	v4 =	vperm.xlane v3, v0;
	_ =	sdelay $0x1  }
0xd7: {  	v4 =	vadd.s32 v1, v4;
	_ =	sdelay $0x1  }
0xd8: {  	v3 =	vperm.xlane v3, v2;
	_ =	sdelay $0x1  }
0xd9: {  	s6 =	simm.s32 $0x16680;
	v3 =	vadd.s32 v1, v3  }
0xda: {  	[tilespmem:s6], [sflag:$0x3] =	stream.indirect_vreg.gather [hbm4b:s1+s3], $0x80, v4, vm0, $0xb8;
	[tilespmem:$0x1E680] =	vst v63  }
0xdb: {  	s19 =	simm.s32 $0x16E80  }
0xdc: {  	[tilespmem:s19], [sflag:$0x3] =	stream.indirect_vreg.gather [hbm4b:s4+s3], $0x80, v4, vm0, $0xb8;
	[tilespmem:$0x1E680] =	vst v63  }
0xdd: {  	s28 =	simm.s32 $0x17680  }
0xde: {  	[tilespmem:s28], [sflag:$0x3] =	stream.indirect_vreg.gather [hbm4b:s1+s3], $0x80, v3, vm0, $0xb8;
	[tilespmem:$0x1E680] =	vst v63  }
0xdf: {  	s31 =	simm.s32 $0x17E80  }
0xe0: {  	[tilespmem:s31], [sflag:$0x3] =	stream.indirect_vreg.gather [hbm4b:s4+s3], $0x80, v3, vm0, $0xb8;
	[tilespmem:$0x1E680] =	vst v63  }
0xe1: {  	v3 =	vld [tilespmem:$0xC0];
	_ =	sdelay $0x4  }
0xe2: {  	v32 =	vshll.u32 v3, $0x2  }
0xe3: {  	v3 =	vand.u32 $0x7, v3;
	v4 =	vand.u32 $0xFFFFFFE0, v32  }
0xe4: {  	v3 =	vor.u32 v3, v4  }
0xe5: {  	v4 =	vperm.xlane v3, v0;
	_ =	sdelay $0x1  }
0xe6: {  	v4 =	vadd.s32 v1, v4;
	_ =	sdelay $0x1  }
0xe7: {  	v3 =	vperm.xlane v3, v2;
	_ =	sdelay $0x1  }
0xe8: {  	s6 =	simm.s32 $0x18680;
	v3 =	vadd.s32 v1, v3  }
0xe9: {  	[tilespmem:s6], [sflag:$0x3] =	stream.indirect_vreg.gather [hbm4b:s1+s3], $0x80, v4, vm0, $0xb8;
	[tilespmem:$0x1E680] =	vst v63  }
0xea: {  	s19 =	simm.s32 $0x18E80  }
0xeb: {  	[tilespmem:s19], [sflag:$0x3] =	stream.indirect_vreg.gather [hbm4b:s4+s3], $0x80, v4, vm0, $0xb8;
	[tilespmem:$0x1E680] =	vst v63  }
0xec: {  	s28 =	simm.s32 $0x19680  }
0xed: {  	[tilespmem:s28], [sflag:$0x3] =	stream.indirect_vreg.gather [hbm4b:s1+s3], $0x80, v3, vm0, $0xb8;
	[tilespmem:$0x1E680] =	vst v63  }
0xee: {  	s31 =	simm.s32 $0x19E80  }
0xef: {  	[tilespmem:s31], [sflag:$0x3] =	stream.indirect_vreg.gather [hbm4b:s4+s3], $0x80, v3, vm0, $0xb8;
	[tilespmem:$0x1E680] =	vst v63  }
0xf0: {  	v3 =	vld [tilespmem:$0xD0];
	_ =	sdelay $0x4  }
0xf1: {  	v33 =	vshll.u32 v3, $0x2  }
0xf2: {  	v3 =	vand.u32 $0x7, v3;
	v4 =	vand.u32 $0xFFFFFFE0, v33  }
0xf3: {  	v3 =	vor.u32 v3, v4  }
0xf4: {  	v4 =	vperm.xlane v3, v0;
	_ =	sdelay $0x1  }
0xf5: {  	v4 =	vadd.s32 v1, v4;
	_ =	sdelay $0x1  }
0xf6: {  	v3 =	vperm.xlane v3, v2;
	_ =	sdelay $0x1  }
0xf7: {  	s6 =	simm.s32 $0x1A680;
	v3 =	vadd.s32 v1, v3  }
0xf8: {  	[tilespmem:s6], [sflag:$0x3] =	stream.indirect_vreg.gather [hbm4b:s1+s3], $0x80, v4, vm0, $0xb8;
	[tilespmem:$0x1E680] =	vst v63  }
0xf9: {  	s19 =	simm.s32 $0x1AE80  }
0xfa: {  	[tilespmem:s19], [sflag:$0x3] =	stream.indirect_vreg.gather [hbm4b:s4+s3], $0x80, v4, vm0, $0xb8;
	[tilespmem:$0x1E680] =	vst v63  }
0xfb: {  	s28 =	simm.s32 $0x1B680  }
0xfc: {  	[tilespmem:s28], [sflag:$0x3] =	stream.indirect_vreg.gather [hbm4b:s1+s3], $0x80, v3, vm0, $0xb8;
	[tilespmem:$0x1E680] =	vst v63  }
0xfd: {  	s31 =	simm.s32 $0x1BE80  }
0xfe: {  	[tilespmem:s31], [sflag:$0x3] =	stream.indirect_vreg.gather [hbm4b:s4+s3], $0x80, v3, vm0, $0xb8;
	[tilespmem:$0x1E680] =	vst v63  }
0xff: {  	v3 =	vld [tilespmem:$0xE0];
	_ =	sdelay $0x4  }
0x100: {  	v34 =	vshll.u32 v3, $0x2  }
0x101: {  	v3 =	vand.u32 $0x7, v3;
	v4 =	vand.u32 $0xFFFFFFE0, v34  }
0x102: {  	v3 =	vor.u32 v3, v4  }
0x103: {  	v4 =	vperm.xlane v3, v0;
	_ =	sdelay $0x1  }
0x104: {  	v4 =	vadd.s32 v1, v4;
	_ =	sdelay $0x1  }
0x105: {  	v3 =	vperm.xlane v3, v2;
	_ =	sdelay $0x1  }
0x106: {  	s6 =	simm.s32 $0x1C680;
	v3 =	vadd.s32 v1, v3  }
0x107: {  	[tilespmem:s6], [sflag:$0x3] =	stream.indirect_vreg.gather [hbm4b:s1+s3], $0x80, v4, vm0, $0xb8;
	[tilespmem:$0x1E680] =	vst v63  }
0x108: {  	s19 =	simm.s32 $0x1CE80  }
0x109: {  	[tilespmem:s19], [sflag:$0x3] =	stream.indirect_vreg.gather [hbm4b:s4+s3], $0x80, v4, vm0, $0xb8;
	[tilespmem:$0x1E680] =	vst v63  }
0x10a: {  	s28 =	simm.s32 $0x1D680  }
0x10b: {  	[tilespmem:s28], [sflag:$0x3] =	stream.indirect_vreg.gather [hbm4b:s1+s3], $0x80, v3, vm0, $0xb8;
	[tilespmem:$0x1E680] =	vst v63  }
0x10c: {  	s31 =	simm.s32 $0x1DE80  }
0x10d: {  	[tilespmem:s31], [sflag:$0x3] =	stream.indirect_vreg.gather [hbm4b:s4+s3], $0x80, v3, vm0, $0xb8;
	[tilespmem:$0x1E680] =	vst v63  }
0x10e: {  	_ =	swait.ge [sflag:s23], $0xA000  }
0x10f: {  	[sflag:s23] =	ssyncset.done $0x0  }
0x110: {  	s6 =	simm.s32 $0x680;
	s0 =	rddreg [dreg:$0x7];
	[sflag:s23] =	ssyncadd.s32 $0xFFFF6000  }
0x111: {  	[hbm4b:s0+s3] =	stream.linear.scatter [tilespmem:s6], [sflag:$0x4], $0xA000, $0x38;
	[tilespmem:$0x1E680] =	vst v63  }
0x112: {  	_ =	swait.ge [sflag:s24], $0xA000  }
0x113: {  	[sflag:s24] =	ssyncset.done $0x0  }
0x114: {  	[sflag:s24] =	ssyncadd.s32 $0xFFFF6000  }
0x115: {  	v3 =	vld [tilespmem:$0xF0];
	_ =	sdelay $0x4  }
0x116: {  	v35 =	vshll.u32 v3, $0x2  }
0x117: {  	v3 =	vand.u32 $0x7, v3;
	v4 =	vand.u32 $0xFFFFFFE0, v35  }
0x118: {  	v3 =	vor.u32 v3, v4  }
0x119: {  	v4 =	vperm.xlane v3, v0;
	_ =	sdelay $0x1  }
0x11a: {  	v4 =	vadd.s32 v1, v4;
	_ =	sdelay $0x1  }
0x11b: {  	v3 =	vperm.xlane v3, v2;
	_ =	sdelay $0x1  }
0x11c: {  	v3 =	vadd.s32 v1, v3  }
0x11d: {  	[tilespmem:s6], [sflag:$0x1] =	stream.indirect_vreg.gather [hbm4b:s1+s3], $0x80, v4, vm0, $0xb8;
	[tilespmem:$0x1E680] =	vst v63  }
0x11e: {  	s7 =	simm.s32 $0xE80  }
0x11f: {  	[tilespmem:s7], [sflag:$0x1] =	stream.indirect_vreg.gather [hbm4b:s4+s3], $0x80, v4, vm0, $0xb8;
	[tilespmem:$0x1E680] =	vst v63  }
0x120: {  	s8 =	simm.s32 $0x1680  }
0x121: {  	[tilespmem:s8], [sflag:$0x1] =	stream.indirect_vreg.gather [hbm4b:s1+s3], $0x80, v3, vm0, $0xb8;
	[tilespmem:$0x1E680] =	vst v63  }
0x122: {  	s21 =	simm.s32 $0x1E80  }
0x123: {  	[tilespmem:s21], [sflag:$0x1] =	stream.indirect_vreg.gather [hbm4b:s4+s3], $0x80, v3, vm0, $0xb8;
	[tilespmem:$0x1E680] =	vst v63  }
0x124: {  	v3 =	vld [tilespmem:$0x100];
	_ =	sdelay $0x4  }
0x125: {  	v36 =	vshll.u32 v3, $0x2  }
0x126: {  	v3 =	vand.u32 $0x7, v3;
	v4 =	vand.u32 $0xFFFFFFE0, v36  }
0x127: {  	v3 =	vor.u32 v3, v4  }
0x128: {  	v4 =	vperm.xlane v3, v0;
	_ =	sdelay $0x1  }
0x129: {  	v4 =	vadd.s32 v1, v4;
	_ =	sdelay $0x1  }
0x12a: {  	v3 =	vperm.xlane v3, v2;
	_ =	sdelay $0x1  }
0x12b: {  	s10 =	simm.s32 $0x2680;
	v3 =	vadd.s32 v1, v3  }
0x12c: {  	[tilespmem:s10], [sflag:$0x1] =	stream.indirect_vreg.gather [hbm4b:s1+s3], $0x80, v4, vm0, $0xb8;
	[tilespmem:$0x1E680] =	vst v63  }
0x12d: {  	s11 =	simm.s32 $0x2E80  }
0x12e: {  	[tilespmem:s11], [sflag:$0x1] =	stream.indirect_vreg.gather [hbm4b:s4+s3], $0x80, v4, vm0, $0xb8;
	[tilespmem:$0x1E680] =	vst v63  }
0x12f: {  	s13 =	simm.s32 $0x3680  }
0x130: {  	[tilespmem:s13], [sflag:$0x1] =	stream.indirect_vreg.gather [hbm4b:s1+s3], $0x80, v3, vm0, $0xb8;
	[tilespmem:$0x1E680] =	vst v63  }
0x131: {  	s19 =	simm.s32 $0x3E80  }
0x132: {  	[tilespmem:s19], [sflag:$0x1] =	stream.indirect_vreg.gather [hbm4b:s4+s3], $0x80, v3, vm0, $0xb8;
	[tilespmem:$0x1E680] =	vst v63  }
0x133: {  	v3 =	vld [tilespmem:$0x110];
	_ =	sdelay $0x4  }
0x134: {  	v37 =	vshll.u32 v3, $0x2  }
0x135: {  	v3 =	vand.u32 $0x7, v3;
	v4 =	vand.u32 $0xFFFFFFE0, v37  }
0x136: {  	v3 =	vor.u32 v3, v4  }
0x137: {  	v4 =	vperm.xlane v3, v0;
	_ =	sdelay $0x1  }
0x138: {  	v4 =	vadd.s32 v1, v4;
	_ =	sdelay $0x1  }
0x139: {  	v3 =	vperm.xlane v3, v2;
	_ =	sdelay $0x1  }
0x13a: {  	s14 =	simm.s32 $0x4680;
	v3 =	vadd.s32 v1, v3  }
0x13b: {  	[tilespmem:s14], [sflag:$0x1] =	stream.indirect_vreg.gather [hbm4b:s1+s3], $0x80, v4, vm0, $0xb8;
	[tilespmem:$0x1E680] =	vst v63  }
0x13c: {  	s16 =	simm.s32 $0x4E80  }
0x13d: {  	[tilespmem:s16], [sflag:$0x1] =	stream.indirect_vreg.gather [hbm4b:s4+s3], $0x80, v4, vm0, $0xb8;
	[tilespmem:$0x1E680] =	vst v63  }
0x13e: {  	s17 =	simm.s32 $0x5680  }
0x13f: {  	[tilespmem:s17], [sflag:$0x1] =	stream.indirect_vreg.gather [hbm4b:s1+s3], $0x80, v3, vm0, $0xb8;
	[tilespmem:$0x1E680] =	vst v63  }
0x140: {  	s28 =	simm.s32 $0x5E80  }
0x141: {  	[tilespmem:s28], [sflag:$0x1] =	stream.indirect_vreg.gather [hbm4b:s4+s3], $0x80, v3, vm0, $0xb8;
	[tilespmem:$0x1E680] =	vst v63  }
0x142: {  	v3 =	vld [tilespmem:$0x120];
	_ =	sdelay $0x4  }
0x143: {  	v38 =	vshll.u32 v3, $0x2  }
0x144: {  	v3 =	vand.u32 $0x7, v3;
	v4 =	vand.u32 $0xFFFFFFE0, v38  }
0x145: {  	v3 =	vor.u32 v3, v4  }
0x146: {  	v4 =	vperm.xlane v3, v0;
	_ =	sdelay $0x1  }
0x147: {  	v4 =	vadd.s32 v1, v4;
	_ =	sdelay $0x1  }
0x148: {  	v3 =	vperm.xlane v3, v2;
	_ =	sdelay $0x1  }
0x149: {  	s22 =	simm.s32 $0x6680;
	v3 =	vadd.s32 v1, v3  }
0x14a: {  	[tilespmem:s22], [sflag:$0x1] =	stream.indirect_vreg.gather [hbm4b:s1+s3], $0x80, v4, vm0, $0xb8;
	[tilespmem:$0x1E680] =	vst v63  }
0x14b: {  	s18 =	simm.s32 $0x6E80  }
0x14c: {  	[tilespmem:s18], [sflag:$0x1] =	stream.indirect_vreg.gather [hbm4b:s4+s3], $0x80, v4, vm0, $0xb8;
	[tilespmem:$0x1E680] =	vst v63  }
0x14d: {  	s20 =	simm.s32 $0x7680  }
0x14e: {  	[tilespmem:s20], [sflag:$0x1] =	stream.indirect_vreg.gather [hbm4b:s1+s3], $0x80, v3, vm0, $0xb8;
	[tilespmem:$0x1E680] =	vst v63  }
0x14f: {  	s7 =	simm.s32 $0x7E80  }
0x150: {  	[tilespmem:s7], [sflag:$0x1] =	stream.indirect_vreg.gather [hbm4b:s4+s3], $0x80, v3, vm0, $0xb8;
	[tilespmem:$0x1E680] =	vst v63  }
0x151: {  	v3 =	vld [tilespmem:$0x130];
	_ =	sdelay $0x4  }
0x152: {  	v39 =	vshll.u32 v3, $0x2  }
0x153: {  	v3 =	vand.u32 $0x7, v3;
	v4 =	vand.u32 $0xFFFFFFE0, v39  }
0x154: {  	v3 =	vor.u32 v3, v4  }
0x155: {  	v4 =	vperm.xlane v3, v0;
	_ =	sdelay $0x1  }
0x156: {  	v4 =	vadd.s32 v1, v4;
	_ =	sdelay $0x1  }
0x157: {  	v3 =	vperm.xlane v3, v2;
	_ =	sdelay $0x1  }
0x158: {  	s20 =	simm.s32 $0x8680;
	v3 =	vadd.s32 v1, v3  }
0x159: {  	[tilespmem:s20], [sflag:$0x1] =	stream.indirect_vreg.gather [hbm4b:s1+s3], $0x80, v4, vm0, $0xb8;
	[tilespmem:$0x1E680] =	vst v63  }
0x15a: {  	s21 =	simm.s32 $0x8E80  }
0x15b: {  	[tilespmem:s21], [sflag:$0x1] =	stream.indirect_vreg.gather [hbm4b:s4+s3], $0x80, v4, vm0, $0xb8;
	[tilespmem:$0x1E680] =	vst v63  }
0x15c: {  	s18 =	simm.s32 $0x9680  }
0x15d: {  	[tilespmem:s18], [sflag:$0x1] =	stream.indirect_vreg.gather [hbm4b:s1+s3], $0x80, v3, vm0, $0xb8;
	[tilespmem:$0x1E680] =	vst v63  }
0x15e: {  	s2 =	simm.s32 $0x9E80  }
0x15f: {  	[tilespmem:s2], [sflag:$0x1] =	stream.indirect_vreg.gather [hbm4b:s4+s3], $0x80, v3, vm0, $0xb8;
	[tilespmem:$0x1E680] =	vst v63  }
0x160: {  	_ =	swait.ge [sflag:s25], $0xA000  }
0x161: {  	[sflag:s25] =	ssyncset.done $0x0  }
0x162: {  	s17 =	simm.s32 $0xA680;
	s16 =	rddreg [dreg:$0x8];
	[sflag:s25] =	ssyncadd.s32 $0xFFFF6000  }
0x163: {  	[hbm4b:s16+s3] =	stream.linear.scatter [tilespmem:s17], [sflag:$0x5], $0xA000, $0x38;
	[tilespmem:$0x1E680] =	vst v63  }
0x164: {  	_ =	swait.ge [sflag:s26], $0xA000  }
0x165: {  	[sflag:s26] =	ssyncset.done $0x0  }
0x166: {  	[sflag:s26] =	ssyncadd.s32 $0xFFFF6000  }
0x167: {  	v3 =	vld [tilespmem:$0x140];
	_ =	sdelay $0x4  }
0x168: {  	v40 =	vshll.u32 v3, $0x2  }
0x169: {  	v3 =	vand.u32 $0x7, v3;
	v4 =	vand.u32 $0xFFFFFFE0, v40  }
0x16a: {  	v3 =	vor.u32 v3, v4  }
0x16b: {  	v4 =	vperm.xlane v3, v0;
	_ =	sdelay $0x1  }
0x16c: {  	v4 =	vadd.s32 v1, v4;
	_ =	sdelay $0x1  }
0x16d: {  	v3 =	vperm.xlane v3, v2;
	_ =	sdelay $0x1  }
0x16e: {  	v3 =	vadd.s32 v1, v3  }
0x16f: {  	[tilespmem:s17], [sflag:$0x2] =	stream.indirect_vreg.gather [hbm4b:s1+s3], $0x80, v4, vm0, $0xb8;
	[tilespmem:$0x1E680] =	vst v63  }
0x170: {  	s0 =	simm.s32 $0xAE80  }
0x171: {  	[tilespmem:s0], [sflag:$0x2] =	stream.indirect_vreg.gather [hbm4b:s4+s3], $0x80, v4, vm0, $0xb8;
	[tilespmem:$0x1E680] =	vst v63  }
0x172: {  	s22 =	simm.s32 $0xB680  }
0x173: {  	[tilespmem:s22], [sflag:$0x2] =	stream.indirect_vreg.gather [hbm4b:s1+s3], $0x80, v3, vm0, $0xb8;
	[tilespmem:$0x1E680] =	vst v63  }
0x174: {  	s5 =	simm.s32 $0xBE80  }
0x175: {  	[tilespmem:s5], [sflag:$0x2] =	stream.indirect_vreg.gather [hbm4b:s4+s3], $0x80, v3, vm0, $0xb8;
	[tilespmem:$0x1E680] =	vst v63  }
0x176: {  	v3 =	vld [tilespmem:$0x150];
	_ =	sdelay $0x4  }
0x177: {  	v41 =	vshll.u32 v3, $0x2  }
0x178: {  	v3 =	vand.u32 $0x7, v3;
	v4 =	vand.u32 $0xFFFFFFE0, v41  }
0x179: {  	v3 =	vor.u32 v3, v4  }
0x17a: {  	v4 =	vperm.xlane v3, v0;
	_ =	sdelay $0x1  }
0x17b: {  	v4 =	vadd.s32 v1, v4;
	_ =	sdelay $0x1  }
0x17c: {  	v3 =	vperm.xlane v3, v2;
	_ =	sdelay $0x1  }
0x17d: {  	s22 =	simm.s32 $0xC680;
	v3 =	vadd.s32 v1, v3  }
0x17e: {  	[tilespmem:s22], [sflag:$0x2] =	stream.indirect_vreg.gather [hbm4b:s1+s3], $0x80, v4, vm0, $0xb8;
	[tilespmem:$0x1E680] =	vst v63  }
0x17f: {  	s31 =	simm.s32 $0xCE80  }
0x180: {  	[tilespmem:s31], [sflag:$0x2] =	stream.indirect_vreg.gather [hbm4b:s4+s3], $0x80, v4, vm0, $0xb8;
	[tilespmem:$0x1E680] =	vst v63  }
0x181: {  	s8 =	simm.s32 $0xD680  }
0x182: {  	[tilespmem:s8], [sflag:$0x2] =	stream.indirect_vreg.gather [hbm4b:s1+s3], $0x80, v3, vm0, $0xb8;
	[tilespmem:$0x1E680] =	vst v63  }
0x183: {  	s9 =	simm.s32 $0xDE80  }
0x184: {  	[tilespmem:s9], [sflag:$0x2] =	stream.indirect_vreg.gather [hbm4b:s4+s3], $0x80, v3, vm0, $0xb8;
	[tilespmem:$0x1E680] =	vst v63  }
0x185: {  	v3 =	vld [tilespmem:$0x160];
	_ =	sdelay $0x4  }
0x186: {  	v42 =	vshll.u32 v3, $0x2  }
0x187: {  	v3 =	vand.u32 $0x7, v3;
	v4 =	vand.u32 $0xFFFFFFE0, v42  }
0x188: {  	v3 =	vor.u32 v3, v4  }
0x189: {  	v4 =	vperm.xlane v3, v0;
	_ =	sdelay $0x1  }
0x18a: {  	v4 =	vadd.s32 v1, v4;
	_ =	sdelay $0x1  }
0x18b: {  	v3 =	vperm.xlane v3, v2;
	_ =	sdelay $0x1  }
0x18c: {  	s9 =	simm.s32 $0xE680;
	v3 =	vadd.s32 v1, v3  }
0x18d: {  	[tilespmem:s9], [sflag:$0x2] =	stream.indirect_vreg.gather [hbm4b:s1+s3], $0x80, v4, vm0, $0xb8;
	[tilespmem:$0x1E680] =	vst v63  }
0x18e: {  	s10 =	simm.s32 $0xEE80  }
0x18f: {  	[tilespmem:s10], [sflag:$0x2] =	stream.indirect_vreg.gather [hbm4b:s4+s3], $0x80, v4, vm0, $0xb8;
	[tilespmem:$0x1E680] =	vst v63  }
0x190: {  	s11 =	simm.s32 $0xF680  }
0x191: {  	[tilespmem:s11], [sflag:$0x2] =	stream.indirect_vreg.gather [hbm4b:s1+s3], $0x80, v3, vm0, $0xb8;
	[tilespmem:$0x1E680] =	vst v63  }
0x192: {  	s12 =	simm.s32 $0xFE80  }
0x193: {  	[tilespmem:s12], [sflag:$0x2] =	stream.indirect_vreg.gather [hbm4b:s4+s3], $0x80, v3, vm0, $0xb8;
	[tilespmem:$0x1E680] =	vst v63  }
0x194: {  	v3 =	vld [tilespmem:$0x170];
	_ =	sdelay $0x4  }
0x195: {  	v43 =	vshll.u32 v3, $0x2  }
0x196: {  	v3 =	vand.u32 $0x7, v3;
	v4 =	vand.u32 $0xFFFFFFE0, v43  }
0x197: {  	v3 =	vor.u32 v3, v4  }
0x198: {  	v4 =	vperm.xlane v3, v0;
	_ =	sdelay $0x1  }
0x199: {  	v4 =	vadd.s32 v1, v4;
	_ =	sdelay $0x1  }
0x19a: {  	v3 =	vperm.xlane v3, v2;
	_ =	sdelay $0x1  }
0x19b: {  	s12 =	simm.s32 $0x10680;
	v3 =	vadd.s32 v1, v3  }
0x19c: {  	[tilespmem:s12], [sflag:$0x2] =	stream.indirect_vreg.gather [hbm4b:s1+s3], $0x80, v4, vm0, $0xb8;
	[tilespmem:$0x1E680] =	vst v63  }
0x19d: {  	s13 =	simm.s32 $0x10E80  }
0x19e: {  	[tilespmem:s13], [sflag:$0x2] =	stream.indirect_vreg.gather [hbm4b:s4+s3], $0x80, v4, vm0, $0xb8;
	[tilespmem:$0x1E680] =	vst v63  }
0x19f: {  	s14 =	simm.s32 $0x11680  }
0x1a0: {  	[tilespmem:s14], [sflag:$0x2] =	stream.indirect_vreg.gather [hbm4b:s1+s3], $0x80, v3, vm0, $0xb8;
	[tilespmem:$0x1E680] =	vst v63  }
0x1a1: {  	s15 =	simm.s32 $0x11E80  }
0x1a2: {  	[tilespmem:s15], [sflag:$0x2] =	stream.indirect_vreg.gather [hbm4b:s4+s3], $0x80, v3, vm0, $0xb8;
	[tilespmem:$0x1E680] =	vst v63  }
0x1a3: {  	v3 =	vld [tilespmem:$0x180];
	_ =	sdelay $0x4  }
0x1a4: {  	v44 =	vshll.u32 v3, $0x2  }
0x1a5: {  	v3 =	vand.u32 $0x7, v3;
	v4 =	vand.u32 $0xFFFFFFE0, v44  }
0x1a6: {  	v3 =	vor.u32 v3, v4  }
0x1a7: {  	v4 =	vperm.xlane v3, v0;
	_ =	sdelay $0x1  }
0x1a8: {  	v4 =	vadd.s32 v1, v4;
	_ =	sdelay $0x1  }
0x1a9: {  	v3 =	vperm.xlane v3, v2;
	_ =	sdelay $0x1  }
0x1aa: {  	s15 =	simm.s32 $0x12680;
	v3 =	vadd.s32 v1, v3  }
0x1ab: {  	[tilespmem:s15], [sflag:$0x2] =	stream.indirect_vreg.gather [hbm4b:s1+s3], $0x80, v4, vm0, $0xb8;
	[tilespmem:$0x1E680] =	vst v63  }
0x1ac: {  	s16 =	simm.s32 $0x12E80  }
0x1ad: {  	[tilespmem:s16], [sflag:$0x2] =	stream.indirect_vreg.gather [hbm4b:s4+s3], $0x80, v4, vm0, $0xb8;
	[tilespmem:$0x1E680] =	vst v63  }
0x1ae: {  	s17 =	simm.s32 $0x13680  }
0x1af: {  	[tilespmem:s17], [sflag:$0x2] =	stream.indirect_vreg.gather [hbm4b:s1+s3], $0x80, v3, vm0, $0xb8;
	[tilespmem:$0x1E680] =	vst v63  }
0x1b0: {  	s29 =	simm.s32 $0x13E80  }
0x1b1: {  	[tilespmem:s29], [sflag:$0x2] =	stream.indirect_vreg.gather [hbm4b:s4+s3], $0x80, v3, vm0, $0xb8;
	[tilespmem:$0x1E680] =	vst v63  }
0x1b2: {  	_ =	swait.ge [sflag:s30], $0xA000  }
0x1b3: {  	s2 =	simm.s32 $0x6;
	[sflag:s30] =	ssyncset.done $0x0  }
0x1b4: {  	s29 =	simm.s32 $0x14680;
	s5 =	rddreg [dreg:$0x9];
	[sflag:s30] =	ssyncadd.s32 $0xFFFF6000  }
0x1b5: {  	[hbm4b:s5+s3] =	stream.linear.scatter [tilespmem:s29], [sflag:$0x6], $0xA000, $0x38;
	[tilespmem:$0x1E680] =	vst v63  }
0x1b6: {  	_ =	swait.ge [sflag:s2], $0xA000  }
0x1b7: {  	[sflag:s2] =	ssyncset.done $0x0  }
0x1b8: {  	[sflag:s2] =	ssyncadd.s32 $0xFFFF6000  }
0x1b9: {  	v3 =	vld [tilespmem:$0x190];
	_ =	sdelay $0x4  }
0x1ba: {  	v45 =	vshll.u32 v3, $0x2  }
0x1bb: {  	v3 =	vand.u32 $0x7, v3;
	v4 =	vand.u32 $0xFFFFFFE0, v45  }
0x1bc: {  	v3 =	vor.u32 v3, v4  }
0x1bd: {  	v4 =	vperm.xlane v3, v0;
	_ =	sdelay $0x1  }
0x1be: {  	v4 =	vadd.s32 v1, v4;
	_ =	sdelay $0x1  }
0x1bf: {  	v3 =	vperm.xlane v3, v2;
	_ =	sdelay $0x1  }
0x1c0: {  	v3 =	vadd.s32 v1, v3  }
0x1c1: {  	[tilespmem:s29], [sflag:$0x3] =	stream.indirect_vreg.gather [hbm4b:s1+s3], $0x80, v4, vm0, $0xb8;
	[tilespmem:$0x1E680] =	vst v63  }
0x1c2: {  	s5 =	simm.s32 $0x14E80  }
0x1c3: {  	[tilespmem:s5], [sflag:$0x3] =	stream.indirect_vreg.gather [hbm4b:s4+s3], $0x80, v4, vm0, $0xb8;
	[tilespmem:$0x1E680] =	vst v63  }
0x1c4: {  	s29 =	simm.s32 $0x15680  }
0x1c5: {  	[tilespmem:s29], [sflag:$0x3] =	stream.indirect_vreg.gather [hbm4b:s1+s3], $0x80, v3, vm0, $0xb8;
	[tilespmem:$0x1E680] =	vst v63  }
0x1c6: {  	s31 =	simm.s32 $0x15E80  }
0x1c7: {  	[tilespmem:s31], [sflag:$0x3] =	stream.indirect_vreg.gather [hbm4b:s4+s3], $0x80, v3, vm0, $0xb8;
	[tilespmem:$0x1E680] =	vst v63  }
0x1c8: {  	v3 =	vld [tilespmem:$0x1A0];
	_ =	sdelay $0x4  }
0x1c9: {  	v46 =	vshll.u32 v3, $0x2  }
0x1ca: {  	v3 =	vand.u32 $0x7, v3;
	v4 =	vand.u32 $0xFFFFFFE0, v46  }
0x1cb: {  	v3 =	vor.u32 v3, v4  }
0x1cc: {  	v4 =	vperm.xlane v3, v0;
	_ =	sdelay $0x1  }
0x1cd: {  	v4 =	vadd.s32 v1, v4;
	_ =	sdelay $0x1  }
0x1ce: {  	v3 =	vperm.xlane v3, v2;
	_ =	sdelay $0x1  }
0x1cf: {  	s31 =	simm.s32 $0x16680;
	v3 =	vadd.s32 v1, v3  }
0x1d0: {  	[tilespmem:s31], [sflag:$0x3] =	stream.indirect_vreg.gather [hbm4b:s1+s3], $0x80, v4, vm0, $0xb8;
	[tilespmem:$0x1E680] =	vst v63  }
0x1d1: {  	s31 =	simm.s32 $0x16E80  }
0x1d2: {  	[tilespmem:s31], [sflag:$0x3] =	stream.indirect_vreg.gather [hbm4b:s4+s3], $0x80, v4, vm0, $0xb8;
	[tilespmem:$0x1E680] =	vst v63  }
0x1d3: {  	s31 =	simm.s32 $0x17680  }
0x1d4: {  	[tilespmem:s31], [sflag:$0x3] =	stream.indirect_vreg.gather [hbm4b:s1+s3], $0x80, v3, vm0, $0xb8;
	[tilespmem:$0x1E680] =	vst v63  }
0x1d5: {  	s31 =	simm.s32 $0x17E80  }
0x1d6: {  	[tilespmem:s31], [sflag:$0x3] =	stream.indirect_vreg.gather [hbm4b:s4+s3], $0x80, v3, vm0, $0xb8;
	[tilespmem:$0x1E680] =	vst v63  }
0x1d7: {  	v3 =	vld [tilespmem:$0x1B0];
	_ =	sdelay $0x4  }
0x1d8: {  	v47 =	vshll.u32 v3, $0x2  }
0x1d9: {  	v3 =	vand.u32 $0x7, v3;
	v4 =	vand.u32 $0xFFFFFFE0, v47  }
0x1da: {  	v3 =	vor.u32 v3, v4  }
0x1db: {  	v4 =	vperm.xlane v3, v0;
	_ =	sdelay $0x1  }
0x1dc: {  	v4 =	vadd.s32 v1, v4;
	_ =	sdelay $0x1  }
0x1dd: {  	v3 =	vperm.xlane v3, v2;
	_ =	sdelay $0x1  }
0x1de: {  	s31 =	simm.s32 $0x18680;
	v3 =	vadd.s32 v1, v3  }
0x1df: {  	[tilespmem:s31], [sflag:$0x3] =	stream.indirect_vreg.gather [hbm4b:s1+s3], $0x80, v4, vm0, $0xb8;
	[tilespmem:$0x1E680] =	vst v63  }
0x1e0: {  	s31 =	simm.s32 $0x18E80  }
0x1e1: {  	[tilespmem:s31], [sflag:$0x3] =	stream.indirect_vreg.gather [hbm4b:s4+s3], $0x80, v4, vm0, $0xb8;
	[tilespmem:$0x1E680] =	vst v63  }
0x1e2: {  	s31 =	simm.s32 $0x19680  }
0x1e3: {  	[tilespmem:s31], [sflag:$0x3] =	stream.indirect_vreg.gather [hbm4b:s1+s3], $0x80, v3, vm0, $0xb8;
	[tilespmem:$0x1E680] =	vst v63  }
0x1e4: {  	s31 =	simm.s32 $0x19E80  }
0x1e5: {  	[tilespmem:s31], [sflag:$0x3] =	stream.indirect_vreg.gather [hbm4b:s4+s3], $0x80, v3, vm0, $0xb8;
	[tilespmem:$0x1E680] =	vst v63  }
0x1e6: {  	v3 =	vld [tilespmem:$0x1C0];
	_ =	sdelay $0x4  }
0x1e7: {  	v48 =	vshll.u32 v3, $0x2  }
0x1e8: {  	v3 =	vand.u32 $0x7, v3;
	v4 =	vand.u32 $0xFFFFFFE0, v48  }
0x1e9: {  	v3 =	vor.u32 v3, v4  }
0x1ea: {  	v4 =	vperm.xlane v3, v0;
	_ =	sdelay $0x1  }
0x1eb: {  	v4 =	vadd.s32 v1, v4;
	_ =	sdelay $0x1  }
0x1ec: {  	v3 =	vperm.xlane v3, v2;
	_ =	sdelay $0x1  }
0x1ed: {  	s31 =	simm.s32 $0x1A680;
	v3 =	vadd.s32 v1, v3  }
0x1ee: {  	[tilespmem:s31], [sflag:$0x3] =	stream.indirect_vreg.gather [hbm4b:s1+s3], $0x80, v4, vm0, $0xb8;
	[tilespmem:$0x1E680] =	vst v63  }
0x1ef: {  	s31 =	simm.s32 $0x1AE80  }
0x1f0: {  	[tilespmem:s31], [sflag:$0x3] =	stream.indirect_vreg.gather [hbm4b:s4+s3], $0x80, v4, vm0, $0xb8;
	[tilespmem:$0x1E680] =	vst v63  }
0x1f1: {  	s31 =	simm.s32 $0x1B680  }
0x1f2: {  	[tilespmem:s31], [sflag:$0x3] =	stream.indirect_vreg.gather [hbm4b:s1+s3], $0x80, v3, vm0, $0xb8;
	[tilespmem:$0x1E680] =	vst v63  }
0x1f3: {  	s31 =	simm.s32 $0x1BE80  }
0x1f4: {  	[tilespmem:s31], [sflag:$0x3] =	stream.indirect_vreg.gather [hbm4b:s4+s3], $0x80, v3, vm0, $0xb8;
	[tilespmem:$0x1E680] =	vst v63  }
0x1f5: {  	v3 =	vld [tilespmem:$0x1D0];
	_ =	sdelay $0x4  }
0x1f6: {  	v49 =	vshll.u32 v3, $0x2  }
0x1f7: {  	v3 =	vand.u32 $0x7, v3;
	v4 =	vand.u32 $0xFFFFFFE0, v49  }
0x1f8: {  	v3 =	vor.u32 v3, v4  }
0x1f9: {  	v4 =	vperm.xlane v3, v0;
	_ =	sdelay $0x1  }
0x1fa: {  	v4 =	vadd.s32 v1, v4;
	_ =	sdelay $0x1  }
0x1fb: {  	v3 =	vperm.xlane v3, v2;
	_ =	sdelay $0x1  }
0x1fc: {  	s31 =	simm.s32 $0x1C680;
	v3 =	vadd.s32 v1, v3  }
0x1fd: {  	[tilespmem:s31], [sflag:$0x3] =	stream.indirect_vreg.gather [hbm4b:s1+s3], $0x80, v4, vm0, $0xb8;
	[tilespmem:$0x1E680] =	vst v63  }
0x1fe: {  	s31 =	simm.s32 $0x1CE80  }
0x1ff: {  	[tilespmem:s31], [sflag:$0x3] =	stream.indirect_vreg.gather [hbm4b:s4+s3], $0x80, v4, vm0, $0xb8;
	[tilespmem:$0x1E680] =	vst v63  }
0x200: {  	s31 =	simm.s32 $0x1D680  }
0x201: {  	[tilespmem:s31], [sflag:$0x3] =	stream.indirect_vreg.gather [hbm4b:s1+s3], $0x80, v3, vm0, $0xb8;
	[tilespmem:$0x1E680] =	vst v63  }
0x202: {  	s31 =	simm.s32 $0x1DE80  }
0x203: {  	[tilespmem:s31], [sflag:$0x3] =	stream.indirect_vreg.gather [hbm4b:s4+s3], $0x80, v3, vm0, $0xb8;
	[tilespmem:$0x1E680] =	vst v63  }
0x204: {  	_ =	swait.ge [sflag:s23], $0xA000  }
0x205: {  	[sflag:s23] =	ssyncset.done $0x0  }
0x206: {  	s6 =	simm.s32 $0x680;
	s31 =	rddreg [dreg:$0xa];
	[sflag:s23] =	ssyncadd.s32 $0xFFFF6000  }
0x207: {  	[hbm4b:s31+s3] =	stream.linear.scatter [tilespmem:s6], [sflag:$0x4], $0xA000, $0x38;
	[tilespmem:$0x1E680] =	vst v63  }
0x208: {  	_ =	swait.ge [sflag:s24], $0xA000  }
0x209: {  	[sflag:s24] =	ssyncset.done $0x0  }
0x20a: {  	[sflag:s24] =	ssyncadd.s32 $0xFFFF6000  }
0x20b: {  	v3 =	vld [tilespmem:$0x1E0];
	_ =	sdelay $0x4  }
0x20c: {  	v50 =	vshll.u32 v3, $0x2  }
0x20d: {  	v3 =	vand.u32 $0x7, v3;
	v4 =	vand.u32 $0xFFFFFFE0, v50  }
0x20e: {  	v3 =	vor.u32 v3, v4  }
0x20f: {  	v4 =	vperm.xlane v3, v0;
	_ =	sdelay $0x1  }
0x210: {  	v4 =	vadd.s32 v1, v4;
	_ =	sdelay $0x1  }
0x211: {  	v3 =	vperm.xlane v3, v2;
	_ =	sdelay $0x1  }
0x212: {  	v3 =	vadd.s32 v1, v3  }
0x213: {  	[tilespmem:s6], [sflag:$0x1] =	stream.indirect_vreg.gather [hbm4b:s1+s3], $0x80, v4, vm0, $0xb8;
	[tilespmem:$0x1E680] =	vst v63  }
0x214: {  	s31 =	simm.s32 $0xE80  }
0x215: {  	[tilespmem:s31], [sflag:$0x1] =	stream.indirect_vreg.gather [hbm4b:s4+s3], $0x80, v4, vm0, $0xb8;
	[tilespmem:$0x1E680] =	vst v63  }
0x216: {  	s31 =	simm.s32 $0x1680  }
0x217: {  	[tilespmem:s31], [sflag:$0x1] =	stream.indirect_vreg.gather [hbm4b:s1+s3], $0x80, v3, vm0, $0xb8;
	[tilespmem:$0x1E680] =	vst v63  }
0x218: {  	s31 =	simm.s32 $0x1E80  }
0x219: {  	[tilespmem:s31], [sflag:$0x1] =	stream.indirect_vreg.gather [hbm4b:s4+s3], $0x80, v3, vm0, $0xb8;
	[tilespmem:$0x1E680] =	vst v63  }
0x21a: {  	v3 =	vld [tilespmem:$0x1F0];
	_ =	sdelay $0x4  }
0x21b: {  	v51 =	vshll.u32 v3, $0x2  }
0x21c: {  	v3 =	vand.u32 $0x7, v3;
	v4 =	vand.u32 $0xFFFFFFE0, v51  }
0x21d: {  	v3 =	vor.u32 v3, v4  }
0x21e: {  	v4 =	vperm.xlane v3, v0;
	_ =	sdelay $0x1  }
0x21f: {  	v4 =	vadd.s32 v1, v4;
	_ =	sdelay $0x1  }
0x220: {  	v3 =	vperm.xlane v3, v2;
	_ =	sdelay $0x1  }
0x221: {  	s31 =	simm.s32 $0x2680;
	v3 =	vadd.s32 v1, v3  }
0x222: {  	[tilespmem:s31], [sflag:$0x1] =	stream.indirect_vreg.gather [hbm4b:s1+s3], $0x80, v4, vm0, $0xb8;
	[tilespmem:$0x1E680] =	vst v63  }
0x223: {  	s31 =	simm.s32 $0x2E80  }
0x224: {  	[tilespmem:s31], [sflag:$0x1] =	stream.indirect_vreg.gather [hbm4b:s4+s3], $0x80, v4, vm0, $0xb8;
	[tilespmem:$0x1E680] =	vst v63  }
0x225: {  	s31 =	simm.s32 $0x3680  }
0x226: {  	[tilespmem:s31], [sflag:$0x1] =	stream.indirect_vreg.gather [hbm4b:s1+s3], $0x80, v3, vm0, $0xb8;
	[tilespmem:$0x1E680] =	vst v63  }
0x227: {  	_ = 	snop  }
0x228: {  	[tilespmem:s19], [sflag:$0x1] =	stream.indirect_vreg.gather [hbm4b:s4+s3], $0x80, v3, vm0, $0xb8;
	[tilespmem:$0x1E680] =	vst v63  }
0x229: {  	v3 =	vld [tilespmem:$0x200];
	_ =	sdelay $0x4  }
0x22a: {  	v52 =	vshll.u32 v3, $0x2  }
0x22b: {  	v3 =	vand.u32 $0x7, v3;
	v4 =	vand.u32 $0xFFFFFFE0, v52  }
0x22c: {  	v3 =	vor.u32 v3, v4  }
0x22d: {  	v4 =	vperm.xlane v3, v0;
	_ =	sdelay $0x1  }
0x22e: {  	v4 =	vadd.s32 v1, v4;
	_ =	sdelay $0x1  }
0x22f: {  	v3 =	vperm.xlane v3, v2;
	_ =	sdelay $0x1  }
0x230: {  	s19 =	simm.s32 $0x4680;
	v3 =	vadd.s32 v1, v3  }
0x231: {  	[tilespmem:s19], [sflag:$0x1] =	stream.indirect_vreg.gather [hbm4b:s1+s3], $0x80, v4, vm0, $0xb8;
	[tilespmem:$0x1E680] =	vst v63  }
0x232: {  	s31 =	simm.s32 $0x4E80  }
0x233: {  	[tilespmem:s31], [sflag:$0x1] =	stream.indirect_vreg.gather [hbm4b:s4+s3], $0x80, v4, vm0, $0xb8;
	[tilespmem:$0x1E680] =	vst v63  }
0x234: {  	s19 =	simm.s32 $0x5680  }
0x235: {  	[tilespmem:s19], [sflag:$0x1] =	stream.indirect_vreg.gather [hbm4b:s1+s3], $0x80, v3, vm0, $0xb8;
	[tilespmem:$0x1E680] =	vst v63  }
0x236: {  	_ = 	snop  }
0x237: {  	[tilespmem:s28], [sflag:$0x1] =	stream.indirect_vreg.gather [hbm4b:s4+s3], $0x80, v3, vm0, $0xb8;
	[tilespmem:$0x1E680] =	vst v63  }
0x238: {  	v3 =	vld [tilespmem:$0x210];
	_ =	sdelay $0x4  }
0x239: {  	v53 =	vshll.u32 v3, $0x2  }
0x23a: {  	v3 =	vand.u32 $0x7, v3;
	v4 =	vand.u32 $0xFFFFFFE0, v53  }
0x23b: {  	v3 =	vor.u32 v3, v4  }
0x23c: {  	v4 =	vperm.xlane v3, v0;
	_ =	sdelay $0x1  }
0x23d: {  	v4 =	vadd.s32 v1, v4;
	_ =	sdelay $0x1  }
0x23e: {  	v3 =	vperm.xlane v3, v2;
	_ =	sdelay $0x1  }
0x23f: {  	s6 =	simm.s32 $0x6680;
	v3 =	vadd.s32 v1, v3  }
0x240: {  	[tilespmem:s6], [sflag:$0x1] =	stream.indirect_vreg.gather [hbm4b:s1+s3], $0x80, v4, vm0, $0xb8;
	[tilespmem:$0x1E680] =	vst v63  }
0x241: {  	s28 =	simm.s32 $0x6E80  }
0x242: {  	[tilespmem:s28], [sflag:$0x1] =	stream.indirect_vreg.gather [hbm4b:s4+s3], $0x80, v4, vm0, $0xb8;
	[tilespmem:$0x1E680] =	vst v63  }
0x243: {  	s31 =	simm.s32 $0x7680  }
0x244: {  	[tilespmem:s31], [sflag:$0x1] =	stream.indirect_vreg.gather [hbm4b:s1+s3], $0x80, v3, vm0, $0xb8;
	[tilespmem:$0x1E680] =	vst v63  }
0x245: {  	_ = 	snop  }
0x246: {  	[tilespmem:s7], [sflag:$0x1] =	stream.indirect_vreg.gather [hbm4b:s4+s3], $0x80, v3, vm0, $0xb8;
	[tilespmem:$0x1E680] =	vst v63  }
0x247: {  	v3 =	vld [tilespmem:$0x220];
	_ =	sdelay $0x4  }
0x248: {  	v54 =	vshll.u32 v3, $0x2  }
0x249: {  	v3 =	vand.u32 $0x7, v3;
	v4 =	vand.u32 $0xFFFFFFE0, v54  }
0x24a: {  	v3 =	vor.u32 v3, v4  }
0x24b: {  	v4 =	vperm.xlane v3, v0;
	_ =	sdelay $0x1  }
0x24c: {  	v4 =	vadd.s32 v1, v4;
	_ =	sdelay $0x1  }
0x24d: {  	v3 =	vperm.xlane v3, v2;
	_ =	sdelay $0x1  }
0x24e: {  	v3 =	vadd.s32 v1, v3  }
0x24f: {  	[tilespmem:s20], [sflag:$0x1] =	stream.indirect_vreg.gather [hbm4b:s1+s3], $0x80, v4, vm0, $0xb8;
	[tilespmem:$0x1E680] =	vst v63  }
0x250: {  	_ = 	snop  }
0x251: {  	[tilespmem:s21], [sflag:$0x1] =	stream.indirect_vreg.gather [hbm4b:s4+s3], $0x80, v4, vm0, $0xb8;
	[tilespmem:$0x1E680] =	vst v63  }
0x252: {  	_ = 	snop  }
0x253: {  	[tilespmem:s18], [sflag:$0x1] =	stream.indirect_vreg.gather [hbm4b:s1+s3], $0x80, v3, vm0, $0xb8;
	[tilespmem:$0x1E680] =	vst v63  }
0x254: {  	s7 =	simm.s32 $0x9E80  }
0x255: {  	[tilespmem:s7], [sflag:$0x1] =	stream.indirect_vreg.gather [hbm4b:s4+s3], $0x80, v3, vm0, $0xb8;
	[tilespmem:$0x1E680] =	vst v63  }
0x256: {  	_ =	swait.ge [sflag:s25], $0xA000  }
0x257: {  	[sflag:s25] =	ssyncset.done $0x0  }
0x258: {  	s20 =	simm.s32 $0xA680;
	s19 =	rddreg [dreg:$0xb];
	[sflag:s25] =	ssyncadd.s32 $0xFFFF6000  }
0x259: {  	[hbm4b:s19+s3] =	stream.linear.scatter [tilespmem:s20], [sflag:$0x5], $0xA000, $0x38;
	[tilespmem:$0x1E680] =	vst v63  }
0x25a: {  	_ =	swait.ge [sflag:s26], $0xA000  }
0x25b: {  	[sflag:s26] =	ssyncset.done $0x0  }
0x25c: {  	[sflag:s26] =	ssyncadd.s32 $0xFFFF6000  }
0x25d: {  	v3 =	vld [tilespmem:$0x230];
	_ =	sdelay $0x4  }
0x25e: {  	v55 =	vshll.u32 v3, $0x2  }
0x25f: {  	v3 =	vand.u32 $0x7, v3;
	v4 =	vand.u32 $0xFFFFFFE0, v55  }
0x260: {  	v3 =	vor.u32 v3, v4  }
0x261: {  	v4 =	vperm.xlane v3, v0;
	_ =	sdelay $0x1  }
0x262: {  	v4 =	vadd.s32 v1, v4;
	_ =	sdelay $0x1  }
0x263: {  	v3 =	vperm.xlane v3, v2;
	_ =	sdelay $0x1  }
0x264: {  	v3 =	vadd.s32 v1, v3  }
0x265: {  	[tilespmem:s20], [sflag:$0x2] =	stream.indirect_vreg.gather [hbm4b:s1+s3], $0x80, v4, vm0, $0xb8;
	[tilespmem:$0x1E680] =	vst v63  }
0x266: {  	_ = 	snop  }
0x267: {  	[tilespmem:s0], [sflag:$0x2] =	stream.indirect_vreg.gather [hbm4b:s4+s3], $0x80, v4, vm0, $0xb8;
	[tilespmem:$0x1E680] =	vst v63  }
0x268: {  	s21 =	simm.s32 $0xB680  }
0x269: {  	[tilespmem:s21], [sflag:$0x2] =	stream.indirect_vreg.gather [hbm4b:s1+s3], $0x80, v3, vm0, $0xb8;
	[tilespmem:$0x1E680] =	vst v63  }
0x26a: {  	s19 =	simm.s32 $0xBE80  }
0x26b: {  	[tilespmem:s19], [sflag:$0x2] =	stream.indirect_vreg.gather [hbm4b:s4+s3], $0x80, v3, vm0, $0xb8;
	[tilespmem:$0x1E680] =	vst v63  }
0x26c: {  	v3 =	vld [tilespmem:$0x240];
	_ =	sdelay $0x4  }
0x26d: {  	v56 =	vshll.u32 v3, $0x2  }
0x26e: {  	v3 =	vand.u32 $0x7, v3;
	v4 =	vand.u32 $0xFFFFFFE0, v56  }
0x26f: {  	v3 =	vor.u32 v3, v4  }
0x270: {  	v4 =	vperm.xlane v3, v0;
	_ =	sdelay $0x1  }
0x271: {  	v4 =	vadd.s32 v1, v4;
	_ =	sdelay $0x1  }
0x272: {  	v3 =	vperm.xlane v3, v2;
	_ =	sdelay $0x1  }
0x273: {  	v3 =	vadd.s32 v1, v3  }
0x274: {  	[tilespmem:s22], [sflag:$0x2] =	stream.indirect_vreg.gather [hbm4b:s1+s3], $0x80, v4, vm0, $0xb8;
	[tilespmem:$0x1E680] =	vst v63  }
0x275: {  	s31 =	simm.s32 $0xCE80  }
0x276: {  	[tilespmem:s31], [sflag:$0x2] =	stream.indirect_vreg.gather [hbm4b:s4+s3], $0x80, v4, vm0, $0xb8;
	[tilespmem:$0x1E680] =	vst v63  }
0x277: {  	_ = 	snop  }
0x278: {  	[tilespmem:s8], [sflag:$0x2] =	stream.indirect_vreg.gather [hbm4b:s1+s3], $0x80, v3, vm0, $0xb8;
	[tilespmem:$0x1E680] =	vst v63  }
0x279: {  	s20 =	simm.s32 $0xDE80  }
0x27a: {  	[tilespmem:s20], [sflag:$0x2] =	stream.indirect_vreg.gather [hbm4b:s4+s3], $0x80, v3, vm0, $0xb8;
	[tilespmem:$0x1E680] =	vst v63  }
0x27b: {  	v3 =	vld [tilespmem:$0x250];
	_ =	sdelay $0x4  }
0x27c: {  	v57 =	vshll.u32 v3, $0x2  }
0x27d: {  	v3 =	vand.u32 $0x7, v3;
	v4 =	vand.u32 $0xFFFFFFE0, v57  }
0x27e: {  	v3 =	vor.u32 v3, v4  }
0x27f: {  	v4 =	vperm.xlane v3, v0;
	_ =	sdelay $0x1  }
0x280: {  	v4 =	vadd.s32 v1, v4;
	_ =	sdelay $0x1  }
0x281: {  	v3 =	vperm.xlane v3, v2;
	_ =	sdelay $0x1  }
0x282: {  	v3 =	vadd.s32 v1, v3  }
0x283: {  	[tilespmem:s9], [sflag:$0x2] =	stream.indirect_vreg.gather [hbm4b:s1+s3], $0x80, v4, vm0, $0xb8;
	[tilespmem:$0x1E680] =	vst v63  }
0x284: {  	_ = 	snop  }
0x285: {  	[tilespmem:s10], [sflag:$0x2] =	stream.indirect_vreg.gather [hbm4b:s4+s3], $0x80, v4, vm0, $0xb8;
	[tilespmem:$0x1E680] =	vst v63  }
0x286: {  	_ = 	snop  }
0x287: {  	[tilespmem:s11], [sflag:$0x2] =	stream.indirect_vreg.gather [hbm4b:s1+s3], $0x80, v3, vm0, $0xb8;
	[tilespmem:$0x1E680] =	vst v63  }
0x288: {  	s21 =	simm.s32 $0xFE80  }
0x289: {  	[tilespmem:s21], [sflag:$0x2] =	stream.indirect_vreg.gather [hbm4b:s4+s3], $0x80, v3, vm0, $0xb8;
	[tilespmem:$0x1E680] =	vst v63  }
0x28a: {  	v3 =	vld [tilespmem:$0x260];
	_ =	sdelay $0x4  }
0x28b: {  	v58 =	vshll.u32 v3, $0x2  }
0x28c: {  	v3 =	vand.u32 $0x7, v3;
	v4 =	vand.u32 $0xFFFFFFE0, v58  }
0x28d: {  	v3 =	vor.u32 v3, v4  }
0x28e: {  	v4 =	vperm.xlane v3, v0;
	_ =	sdelay $0x1  }
0x28f: {  	v4 =	vadd.s32 v1, v4;
	_ =	sdelay $0x1  }
0x290: {  	v3 =	vperm.xlane v3, v2;
	_ =	sdelay $0x1  }
0x291: {  	v3 =	vadd.s32 v1, v3  }
0x292: {  	[tilespmem:s12], [sflag:$0x2] =	stream.indirect_vreg.gather [hbm4b:s1+s3], $0x80, v4, vm0, $0xb8;
	[tilespmem:$0x1E680] =	vst v63  }
0x293: {  	_ = 	snop  }
0x294: {  	[tilespmem:s13], [sflag:$0x2] =	stream.indirect_vreg.gather [hbm4b:s4+s3], $0x80, v4, vm0, $0xb8;
	[tilespmem:$0x1E680] =	vst v63  }
0x295: {  	_ = 	snop  }
0x296: {  	[tilespmem:s14], [sflag:$0x2] =	stream.indirect_vreg.gather [hbm4b:s1+s3], $0x80, v3, vm0, $0xb8;
	[tilespmem:$0x1E680] =	vst v63  }
0x297: {  	s22 =	simm.s32 $0x11E80  }
0x298: {  	[tilespmem:s22], [sflag:$0x2] =	stream.indirect_vreg.gather [hbm4b:s4+s3], $0x80, v3, vm0, $0xb8;
	[tilespmem:$0x1E680] =	vst v63  }
0x299: {  	v3 =	vld [tilespmem:$0x270];
	_ =	sdelay $0x4  }
0x29a: {  	v59 =	vshll.u32 v3, $0x2  }
0x29b: {  	v3 =	vand.u32 $0x7, v3;
	v4 =	vand.u32 $0xFFFFFFE0, v59  }
0x29c: {  	v3 =	vor.u32 v3, v4  }
0x29d: {  	v4 =	vperm.xlane v3, v0;
	_ =	sdelay $0x1  }
0x29e: {  	v4 =	vadd.s32 v1, v4;
	_ =	sdelay $0x1  }
0x29f: {  	v3 =	vperm.xlane v3, v2;
	_ =	sdelay $0x1  }
0x2a0: {  	v3 =	vadd.s32 v1, v3  }
0x2a1: {  	[tilespmem:s15], [sflag:$0x2] =	stream.indirect_vreg.gather [hbm4b:s1+s3], $0x80, v4, vm0, $0xb8;
	[tilespmem:$0x1E680] =	vst v63  }
0x2a2: {  	_ = 	snop  }
0x2a3: {  	[tilespmem:s16], [sflag:$0x2] =	stream.indirect_vreg.gather [hbm4b:s4+s3], $0x80, v4, vm0, $0xb8;
	[tilespmem:$0x1E680] =	vst v63  }
0x2a4: {  	_ = 	snop  }
0x2a5: {  	[tilespmem:s17], [sflag:$0x2] =	stream.indirect_vreg.gather [hbm4b:s1+s3], $0x80, v3, vm0, $0xb8;
	[tilespmem:$0x1E680] =	vst v63  }
0x2a6: {  	s17 =	simm.s32 $0x13E80  }
0x2a7: {  	[tilespmem:s17], [sflag:$0x2] =	stream.indirect_vreg.gather [hbm4b:s4+s3], $0x80, v3, vm0, $0xb8;
	[tilespmem:$0x1E680] =	vst v63  }
0x2a8: {  	_ =	swait.ge [sflag:s30], $0xA000  }
0x2a9: {  	[sflag:s30] =	ssyncset.done $0x0  }
0x2aa: {  	s15 =	simm.s32 $0x14680;
	s10 =	rddreg [dreg:$0xc];
	[sflag:s30] =	ssyncadd.s32 $0xFFFF6000  }
0x2ab: {  	[hbm4b:s10+s3] =	stream.linear.scatter [tilespmem:s15], [sflag:$0x6], $0xA000, $0x38;
	[tilespmem:$0x1E680] =	vst v63  }
0x2ac: {  	_ =	swait.ge [sflag:s2], $0xA000  }
0x2ad: {  	[sflag:s2] =	ssyncset.done $0x0  }
0x2ae: {  	[sflag:s2] =	ssyncadd.s32 $0xFFFF6000  }
0x2af: {  	v3 =	vld [tilespmem:$0x280];
	_ =	sdelay $0x4  }
0x2b0: {  	v60 =	vshll.u32 v3, $0x2  }
0x2b1: {  	v3 =	vand.u32 $0x7, v3;
	v4 =	vand.u32 $0xFFFFFFE0, v60  }
0x2b2: {  	v3 =	vor.u32 v3, v4  }
0x2b3: {  	v4 =	vperm.xlane v3, v0;
	_ =	sdelay $0x1  }
0x2b4: {  	v4 =	vadd.s32 v1, v4;
	_ =	sdelay $0x1  }
0x2b5: {  	v3 =	vperm.xlane v3, v2;
	_ =	sdelay $0x1  }
0x2b6: {  	v3 =	vadd.s32 v1, v3  }
0x2b7: {  	[tilespmem:s15], [sflag:$0x3] =	stream.indirect_vreg.gather [hbm4b:s1+s3], $0x80, v4, vm0, $0xb8;
	[tilespmem:$0x1E680] =	vst v63  }
0x2b8: {  	_ = 	snop  }
0x2b9: {  	[tilespmem:s5], [sflag:$0x3] =	stream.indirect_vreg.gather [hbm4b:s4+s3], $0x80, v4, vm0, $0xb8;
	[tilespmem:$0x1E680] =	vst v63  }
0x2ba: {  	_ = 	snop  }
0x2bb: {  	[tilespmem:s29], [sflag:$0x3] =	stream.indirect_vreg.gather [hbm4b:s1+s3], $0x80, v3, vm0, $0xb8;
	[tilespmem:$0x1E680] =	vst v63  }
0x2bc: {  	s16 =	simm.s32 $0x15E80  }
0x2bd: {  	[tilespmem:s16], [sflag:$0x3] =	stream.indirect_vreg.gather [hbm4b:s4+s3], $0x80, v3, vm0, $0xb8;
	[tilespmem:$0x1E680] =	vst v63  }
0x2be: {  	v3 =	vld [tilespmem:$0x290];
	_ =	sdelay $0x4  }
0x2bf: {  	v61 =	vshll.u32 v3, $0x2  }
0x2c0: {  	v3 =	vand.u32 $0x7, v3;
	v4 =	vand.u32 $0xFFFFFFE0, v61  }
0x2c1: {  	v3 =	vor.u32 v3, v4  }
0x2c2: {  	v4 =	vperm.xlane v3, v0;
	_ =	sdelay $0x1  }
0x2c3: {  	v4 =	vadd.s32 v1, v4;
	_ =	sdelay $0x1  }
0x2c4: {  	v3 =	vperm.xlane v3, v2;
	_ =	sdelay $0x1  }
0x2c5: {  	s18 =	simm.s32 $0x16680;
	v3 =	vadd.s32 v1, v3  }
0x2c6: {  	[tilespmem:s18], [sflag:$0x3] =	stream.indirect_vreg.gather [hbm4b:s1+s3], $0x80, v4, vm0, $0xb8;
	[tilespmem:$0x1E680] =	vst v63  }
0x2c7: {  	s29 =	simm.s32 $0x16E80  }
0x2c8: {  	[tilespmem:s29], [sflag:$0x3] =	stream.indirect_vreg.gather [hbm4b:s4+s3], $0x80, v4, vm0, $0xb8;
	[tilespmem:$0x1E680] =	vst v63  }
0x2c9: {  	s31 =	simm.s32 $0x17680  }
0x2ca: {  	[tilespmem:s31], [sflag:$0x3] =	stream.indirect_vreg.gather [hbm4b:s1+s3], $0x80, v3, vm0, $0xb8;
	[tilespmem:$0x1E680] =	vst v63  }
0x2cb: {  	s5 =	simm.s32 $0x17E80  }
0x2cc: {  	[tilespmem:s5], [sflag:$0x3] =	stream.indirect_vreg.gather [hbm4b:s4+s3], $0x80, v3, vm0, $0xb8;
	[tilespmem:$0x1E680] =	vst v63  }
0x2cd: {  	v3 =	vld [tilespmem:$0x2A0];
	_ =	sdelay $0x4  }
0x2ce: {  	v62 =	vshll.u32 v3, $0x2  }
0x2cf: {  	v3 =	vand.u32 $0x7, v3;
	v4 =	vand.u32 $0xFFFFFFE0, v62  }
0x2d0: {  	v3 =	vor.u32 v3, v4  }
0x2d1: {  	v4 =	vperm.xlane v3, v0;
	_ =	sdelay $0x1  }
0x2d2: {  	v4 =	vadd.s32 v1, v4;
	_ =	sdelay $0x1  }
0x2d3: {  	v3 =	vperm.xlane v3, v2;
	_ =	sdelay $0x1  }
0x2d4: {  	s9 =	simm.s32 $0x18680;
	v3 =	vadd.s32 v1, v3  }
0x2d5: {  	[tilespmem:s9], [sflag:$0x3] =	stream.indirect_vreg.gather [hbm4b:s1+s3], $0x80, v4, vm0, $0xb8;
	[tilespmem:$0x1E680] =	vst v63  }
0x2d6: {  	s10 =	simm.s32 $0x18E80  }
0x2d7: {  	[tilespmem:s10], [sflag:$0x3] =	stream.indirect_vreg.gather [hbm4b:s4+s3], $0x80, v4, vm0, $0xb8;
	[tilespmem:$0x1E680] =	vst v63  }
0x2d8: {  	s29 =	simm.s32 $0x19680  }
0x2d9: {  	[tilespmem:s29], [sflag:$0x3] =	stream.indirect_vreg.gather [hbm4b:s1+s3], $0x80, v3, vm0, $0xb8;
	[tilespmem:$0x1E680] =	vst v63  }
0x2da: {  	s31 =	simm.s32 $0x19E80  }
0x2db: {  	[tilespmem:s31], [sflag:$0x3] =	stream.indirect_vreg.gather [hbm4b:s4+s3], $0x80, v3, vm0, $0xb8;
	[tilespmem:$0x1E680] =	vst v63  }
0x2dc: {  	v3 =	vld [tilespmem:$0x2B0];
	_ =	sdelay $0x4  }
0x2dd: {  	v63 =	vshll.u32 v3, $0x2  }
0x2de: {  	v3 =	vand.u32 $0x7, v3;
	v4 =	vand.u32 $0xFFFFFFE0, v63  }
0x2df: {  	v3 =	vor.u32 v3, v4  }
0x2e0: {  	v4 =	vperm.xlane v3, v0;
	_ =	sdelay $0x1  }
0x2e1: {  	v4 =	vadd.s32 v1, v4;
	_ =	sdelay $0x1  }
0x2e2: {  	v3 =	vperm.xlane v3, v2;
	_ =	sdelay $0x1  }
0x2e3: {  	s5 =	simm.s32 $0x1A680;
	v3 =	vadd.s32 v1, v3  }
0x2e4: {  	[tilespmem:s5], [sflag:$0x3] =	stream.indirect_vreg.gather [hbm4b:s1+s3], $0x80, v4, vm0, $0xb8;
	[tilespmem:$0x1E680] =	vst v63  }
0x2e5: {  	s9 =	simm.s32 $0x1AE80  }
0x2e6: {  	[tilespmem:s9], [sflag:$0x3] =	stream.indirect_vreg.gather [hbm4b:s4+s3], $0x80, v4, vm0, $0xb8;
	[tilespmem:$0x1E680] =	vst v63  }
0x2e7: {  	s10 =	simm.s32 $0x1B680  }
0x2e8: {  	[tilespmem:s10], [sflag:$0x3] =	stream.indirect_vreg.gather [hbm4b:s1+s3], $0x80, v3, vm0, $0xb8;
	[tilespmem:$0x1E680] =	vst v63  }
0x2e9: {  	s31 =	simm.s32 $0x1BE80  }
0x2ea: {  	[tilespmem:s31], [sflag:$0x3] =	stream.indirect_vreg.gather [hbm4b:s4+s3], $0x80, v3, vm0, $0xb8;
	[tilespmem:$0x1E680] =	vst v63  }
0x2eb: {  	v3 =	vld [tilespmem:$0x2C0];
	_ =	sdelay $0x4  }
0x2ec: {  	v8 =	vshll.u32 v3, $0x2  }
0x2ed: {  	v3 =	vand.u32 $0x7, v3;
	v4 =	vand.u32 $0xFFFFFFE0, v8  }
0x2ee: {  	v3 =	vor.u32 v3, v4  }
0x2ef: {  	v4 =	vperm.xlane v3, v0;
	_ =	sdelay $0x1  }
0x2f0: {  	v4 =	vadd.s32 v1, v4;
	_ =	sdelay $0x1  }
0x2f1: {  	v3 =	vperm.xlane v3, v2;
	_ =	sdelay $0x1  }
0x2f2: {  	s5 =	simm.s32 $0x1C680;
	v3 =	vadd.s32 v1, v3  }
0x2f3: {  	[tilespmem:s5], [sflag:$0x3] =	stream.indirect_vreg.gather [hbm4b:s1+s3], $0x80, v4, vm0, $0xb8;
	[tilespmem:$0x1E680] =	vst v63  }
0x2f4: {  	s9 =	simm.s32 $0x1CE80  }
0x2f5: {  	[tilespmem:s9], [sflag:$0x3] =	stream.indirect_vreg.gather [hbm4b:s4+s3], $0x80, v4, vm0, $0xb8;
	[tilespmem:$0x1E680] =	vst v63  }
0x2f6: {  	s10 =	simm.s32 $0x1D680  }
0x2f7: {  	[tilespmem:s10], [sflag:$0x3] =	stream.indirect_vreg.gather [hbm4b:s1+s3], $0x80, v3, vm0, $0xb8;
	[tilespmem:$0x1E680] =	vst v63  }
0x2f8: {  	s31 =	simm.s32 $0x1DE80  }
0x2f9: {  	[tilespmem:s31], [sflag:$0x3] =	stream.indirect_vreg.gather [hbm4b:s4+s3], $0x80, v3, vm0, $0xb8;
	[tilespmem:$0x1E680] =	vst v63  }
0x2fa: {  	_ =	swait.ge [sflag:s23], $0xA000  }
0x2fb: {  	[sflag:s23] =	ssyncset.done $0x0  }
0x2fc: {  	s5 =	simm.s32 $0x680;
	s0 =	rddreg [dreg:$0xd];
	[sflag:s23] =	ssyncadd.s32 $0xFFFF6000  }
0x2fd: {  	[hbm4b:s0+s3] =	stream.linear.scatter [tilespmem:s5], [sflag:$0x4], $0xA000, $0x38;
	[tilespmem:$0x1E680] =	vst v63  }
0x2fe: {  	_ =	swait.ge [sflag:s24], $0xA000  }
0x2ff: {  	[sflag:s24] =	ssyncset.done $0x0  }
0x300: {  	[sflag:s24] =	ssyncadd.s32 $0xFFFF6000  }
0x301: {  	v3 =	vld [tilespmem:$0x2D0];
	_ =	sdelay $0x4  }
0x302: {  	v9 =	vshll.u32 v3, $0x2  }
0x303: {  	v3 =	vand.u32 $0x7, v3;
	v4 =	vand.u32 $0xFFFFFFE0, v9  }
0x304: {  	v3 =	vor.u32 v3, v4  }
0x305: {  	v4 =	vperm.xlane v3, v0;
	_ =	sdelay $0x1  }
0x306: {  	v4 =	vadd.s32 v1, v4;
	_ =	sdelay $0x1  }
0x307: {  	v3 =	vperm.xlane v3, v2;
	_ =	sdelay $0x1  }
0x308: {  	v3 =	vadd.s32 v1, v3  }
0x309: {  	[tilespmem:s5], [sflag:$0x1] =	stream.indirect_vreg.gather [hbm4b:s1+s3], $0x80, v4, vm0, $0xb8;
	[tilespmem:$0x1E680] =	vst v63  }
0x30a: {  	s9 =	simm.s32 $0xE80  }
0x30b: {  	[tilespmem:s9], [sflag:$0x1] =	stream.indirect_vreg.gather [hbm4b:s4+s3], $0x80, v4, vm0, $0xb8;
	[tilespmem:$0x1E680] =	vst v63  }
0x30c: {  	s10 =	simm.s32 $0x1680  }
0x30d: {  	[tilespmem:s10], [sflag:$0x1] =	stream.indirect_vreg.gather [hbm4b:s1+s3], $0x80, v3, vm0, $0xb8;
	[tilespmem:$0x1E680] =	vst v63  }
0x30e: {  	s31 =	simm.s32 $0x1E80  }
0x30f: {  	[tilespmem:s31], [sflag:$0x1] =	stream.indirect_vreg.gather [hbm4b:s4+s3], $0x80, v3, vm0, $0xb8;
	[tilespmem:$0x1E680] =	vst v63  }
0x310: {  	v3 =	vld [tilespmem:$0x2E0];
	_ =	sdelay $0x4  }
0x311: {  	v10 =	vshll.u32 v3, $0x2  }
0x312: {  	v3 =	vand.u32 $0x7, v3;
	v4 =	vand.u32 $0xFFFFFFE0, v10  }
0x313: {  	v3 =	vor.u32 v3, v4  }
0x314: {  	v4 =	vperm.xlane v3, v0;
	_ =	sdelay $0x1  }
0x315: {  	v4 =	vadd.s32 v1, v4;
	_ =	sdelay $0x1  }
0x316: {  	v3 =	vperm.xlane v3, v2;
	_ =	sdelay $0x1  }
0x317: {  	s5 =	simm.s32 $0x2680;
	v3 =	vadd.s32 v1, v3  }
0x318: {  	[tilespmem:s5], [sflag:$0x1] =	stream.indirect_vreg.gather [hbm4b:s1+s3], $0x80, v4, vm0, $0xb8;
	[tilespmem:$0x1E680] =	vst v63  }
0x319: {  	s9 =	simm.s32 $0x2E80  }
0x31a: {  	[tilespmem:s9], [sflag:$0x1] =	stream.indirect_vreg.gather [hbm4b:s4+s3], $0x80, v4, vm0, $0xb8;
	[tilespmem:$0x1E680] =	vst v63  }
0x31b: {  	s10 =	simm.s32 $0x3680  }
0x31c: {  	[tilespmem:s10], [sflag:$0x1] =	stream.indirect_vreg.gather [hbm4b:s1+s3], $0x80, v3, vm0, $0xb8;
	[tilespmem:$0x1E680] =	vst v63  }
0x31d: {  	s0 =	simm.s32 $0x3E80  }
0x31e: {  	[tilespmem:s0], [sflag:$0x1] =	stream.indirect_vreg.gather [hbm4b:s4+s3], $0x80, v3, vm0, $0xb8;
	[tilespmem:$0x1E680] =	vst v63  }
0x31f: {  	v3 =	vld [tilespmem:$0x2F0];
	_ =	sdelay $0x4  }
0x320: {  	v11 =	vshll.u32 v3, $0x2  }
0x321: {  	v3 =	vand.u32 $0x7, v3;
	v4 =	vand.u32 $0xFFFFFFE0, v11  }
0x322: {  	v3 =	vor.u32 v3, v4  }
0x323: {  	v4 =	vperm.xlane v3, v0;
	_ =	sdelay $0x1  }
0x324: {  	v4 =	vadd.s32 v1, v4;
	_ =	sdelay $0x1  }
0x325: {  	v3 =	vperm.xlane v3, v2;
	_ =	sdelay $0x1  }
0x326: {  	s31 =	simm.s32 $0x4680;
	v3 =	vadd.s32 v1, v3  }
0x327: {  	[tilespmem:s31], [sflag:$0x1] =	stream.indirect_vreg.gather [hbm4b:s1+s3], $0x80, v4, vm0, $0xb8;
	[tilespmem:$0x1E680] =	vst v63  }
0x328: {  	s9 =	simm.s32 $0x4E80  }
0x329: {  	[tilespmem:s9], [sflag:$0x1] =	stream.indirect_vreg.gather [hbm4b:s4+s3], $0x80, v4, vm0, $0xb8;
	[tilespmem:$0x1E680] =	vst v63  }
0x32a: {  	s10 =	simm.s32 $0x5680  }
0x32b: {  	[tilespmem:s10], [sflag:$0x1] =	stream.indirect_vreg.gather [hbm4b:s1+s3], $0x80, v3, vm0, $0xb8;
	[tilespmem:$0x1E680] =	vst v63  }
0x32c: {  	s9 =	simm.s32 $0x5E80  }
0x32d: {  	[tilespmem:s9], [sflag:$0x1] =	stream.indirect_vreg.gather [hbm4b:s4+s3], $0x80, v3, vm0, $0xb8;
	[tilespmem:$0x1E680] =	vst v63  }
0x32e: {  	v3 =	vld [tilespmem:$0x300];
	_ =	sdelay $0x4  }
0x32f: {  	v12 =	vshll.u32 v3, $0x2  }
0x330: {  	v3 =	vand.u32 $0x7, v3;
	v4 =	vand.u32 $0xFFFFFFE0, v12  }
0x331: {  	v3 =	vor.u32 v3, v4  }
0x332: {  	v4 =	vperm.xlane v3, v0;
	_ =	sdelay $0x1  }
0x333: {  	v4 =	vadd.s32 v1, v4;
	_ =	sdelay $0x1  }
0x334: {  	v3 =	vperm.xlane v3, v2;
	_ =	sdelay $0x1  }
0x335: {  	v3 =	vadd.s32 v1, v3  }
0x336: {  	[tilespmem:s6], [sflag:$0x1] =	stream.indirect_vreg.gather [hbm4b:s1+s3], $0x80, v4, vm0, $0xb8;
	[tilespmem:$0x1E680] =	vst v63  }
0x337: {  	s31 =	simm.s32 $0x6E80  }
0x338: {  	[tilespmem:s31], [sflag:$0x1] =	stream.indirect_vreg.gather [hbm4b:s4+s3], $0x80, v4, vm0, $0xb8;
	[tilespmem:$0x1E680] =	vst v63  }
0x339: {  	s6 =	simm.s32 $0x7680  }
0x33a: {  	[tilespmem:s6], [sflag:$0x1] =	stream.indirect_vreg.gather [hbm4b:s1+s3], $0x80, v3, vm0, $0xb8;
	[tilespmem:$0x1E680] =	vst v63  }
0x33b: {  	s6 =	simm.s32 $0x7E80  }
0x33c: {  	[tilespmem:s6], [sflag:$0x1] =	stream.indirect_vreg.gather [hbm4b:s4+s3], $0x80, v3, vm0, $0xb8;
	[tilespmem:$0x1E680] =	vst v63  }
0x33d: {  	v3 =	vld [tilespmem:$0x310];
	_ =	sdelay $0x4  }
0x33e: {  	v13 =	vshll.u32 v3, $0x2  }
0x33f: {  	v3 =	vand.u32 $0x7, v3;
	v4 =	vand.u32 $0xFFFFFFE0, v13  }
0x340: {  	v3 =	vor.u32 v3, v4  }
0x341: {  	v4 =	vperm.xlane v3, v0;
	_ =	sdelay $0x1  }
0x342: {  	v4 =	vadd.s32 v1, v4;
	_ =	sdelay $0x1  }
0x343: {  	v3 =	vperm.xlane v3, v2;
	_ =	sdelay $0x1  }
0x344: {  	s10 =	simm.s32 $0x8680;
	v3 =	vadd.s32 v1, v3  }
0x345: {  	[tilespmem:s10], [sflag:$0x1] =	stream.indirect_vreg.gather [hbm4b:s1+s3], $0x80, v4, vm0, $0xb8;
	[tilespmem:$0x1E680] =	vst v63  }
0x346: {  	s31 =	simm.s32 $0x8E80  }
0x347: {  	[tilespmem:s31], [sflag:$0x1] =	stream.indirect_vreg.gather [hbm4b:s4+s3], $0x80, v4, vm0, $0xb8;
	[tilespmem:$0x1E680] =	vst v63  }
0x348: {  	s10 =	simm.s32 $0x9680  }
0x349: {  	[tilespmem:s10], [sflag:$0x1] =	stream.indirect_vreg.gather [hbm4b:s1+s3], $0x80, v3, vm0, $0xb8;
	[tilespmem:$0x1E680] =	vst v63  }
0x34a: {  	_ = 	snop  }
0x34b: {  	[tilespmem:s7], [sflag:$0x1] =	stream.indirect_vreg.gather [hbm4b:s4+s3], $0x80, v3, vm0, $0xb8;
	[tilespmem:$0x1E680] =	vst v63  }
0x34c: {  	_ =	swait.ge [sflag:s25], $0xA000  }
0x34d: {  	[sflag:s25] =	ssyncset.done $0x0  }
0x34e: {  	s28 =	simm.s32 $0xA680;
	s7 =	rddreg [dreg:$0xe];
	[sflag:s25] =	ssyncadd.s32 $0xFFFF6000  }
0x34f: {  	[hbm4b:s7+s3] =	stream.linear.scatter [tilespmem:s28], [sflag:$0x5], $0xA000, $0x38;
	[tilespmem:$0x1E680] =	vst v63  }
0x350: {  	_ =	swait.ge [sflag:s26], $0xA000  }
0x351: {  	[sflag:s26] =	ssyncset.done $0x0  }
0x352: {  	[sflag:s26] =	ssyncadd.s32 $0xFFFF6000  }
0x353: {  	v3 =	vld [tilespmem:$0x320];
	_ =	sdelay $0x4  }
0x354: {  	v14 =	vshll.u32 v3, $0x2  }
0x355: {  	v3 =	vand.u32 $0x7, v3;
	v4 =	vand.u32 $0xFFFFFFE0, v14  }
0x356: {  	v3 =	vor.u32 v3, v4  }
0x357: {  	v4 =	vperm.xlane v3, v0;
	_ =	sdelay $0x1  }
0x358: {  	v4 =	vadd.s32 v1, v4;
	_ =	sdelay $0x1  }
0x359: {  	v3 =	vperm.xlane v3, v2;
	_ =	sdelay $0x1  }
0x35a: {  	v3 =	vadd.s32 v1, v3  }
0x35b: {  	[tilespmem:s28], [sflag:$0x2] =	stream.indirect_vreg.gather [hbm4b:s1+s3], $0x80, v4, vm0, $0xb8;
	[tilespmem:$0x1E680] =	vst v63  }
0x35c: {  	s31 =	simm.s32 $0xAE80  }
0x35d: {  	[tilespmem:s31], [sflag:$0x2] =	stream.indirect_vreg.gather [hbm4b:s4+s3], $0x80, v4, vm0, $0xb8;
	[tilespmem:$0x1E680] =	vst v63  }
0x35e: {  	s7 =	simm.s32 $0xB680  }
0x35f: {  	[tilespmem:s7], [sflag:$0x2] =	stream.indirect_vreg.gather [hbm4b:s1+s3], $0x80, v3, vm0, $0xb8;
	[tilespmem:$0x1E680] =	vst v63  }
0x360: {  	_ = 	snop  }
0x361: {  	[tilespmem:s19], [sflag:$0x2] =	stream.indirect_vreg.gather [hbm4b:s4+s3], $0x80, v3, vm0, $0xb8;
	[tilespmem:$0x1E680] =	vst v63  }
0x362: {  	v3 =	vld [tilespmem:$0x330];
	_ =	sdelay $0x4  }
0x363: {  	v15 =	vshll.u32 v3, $0x2  }
0x364: {  	v3 =	vand.u32 $0x7, v3;
	v4 =	vand.u32 $0xFFFFFFE0, v15  }
0x365: {  	v3 =	vor.u32 v3, v4  }
0x366: {  	v4 =	vperm.xlane v3, v0;
	_ =	sdelay $0x1  }
0x367: {  	v4 =	vadd.s32 v1, v4;
	_ =	sdelay $0x1  }
0x368: {  	v3 =	vperm.xlane v3, v2;
	_ =	sdelay $0x1  }
0x369: {  	s19 =	simm.s32 $0xC680;
	v3 =	vadd.s32 v1, v3  }
0x36a: {  	[tilespmem:s19], [sflag:$0x2] =	stream.indirect_vreg.gather [hbm4b:s1+s3], $0x80, v4, vm0, $0xb8;
	[tilespmem:$0x1E680] =	vst v63  }
0x36b: {  	s28 =	simm.s32 $0xCE80  }
0x36c: {  	[tilespmem:s28], [sflag:$0x2] =	stream.indirect_vreg.gather [hbm4b:s4+s3], $0x80, v4, vm0, $0xb8;
	[tilespmem:$0x1E680] =	vst v63  }
0x36d: {  	s8 =	simm.s32 $0xD680  }
0x36e: {  	[tilespmem:s8], [sflag:$0x2] =	stream.indirect_vreg.gather [hbm4b:s1+s3], $0x80, v3, vm0, $0xb8;
	[tilespmem:$0x1E680] =	vst v63  }
0x36f: {  	_ = 	snop  }
0x370: {  	[tilespmem:s20], [sflag:$0x2] =	stream.indirect_vreg.gather [hbm4b:s4+s3], $0x80, v3, vm0, $0xb8;
	[tilespmem:$0x1E680] =	vst v63  }
0x371: {  	v3 =	vld [tilespmem:$0x340];
	_ =	sdelay $0x4  }
0x372: {  	v16 =	vshll.u32 v3, $0x2  }
0x373: {  	v3 =	vand.u32 $0x7, v3;
	v4 =	vand.u32 $0xFFFFFFE0, v16  }
0x374: {  	v3 =	vor.u32 v3, v4  }
0x375: {  	v4 =	vperm.xlane v3, v0;
	_ =	sdelay $0x1  }
0x376: {  	v4 =	vadd.s32 v1, v4;
	_ =	sdelay $0x1  }
0x377: {  	v3 =	vperm.xlane v3, v2;
	_ =	sdelay $0x1  }
0x378: {  	s31 =	simm.s32 $0xE680;
	v3 =	vadd.s32 v1, v3  }
0x379: {  	[tilespmem:s31], [sflag:$0x2] =	stream.indirect_vreg.gather [hbm4b:s1+s3], $0x80, v4, vm0, $0xb8;
	[tilespmem:$0x1E680] =	vst v63  }
0x37a: {  	s7 =	simm.s32 $0xEE80  }
0x37b: {  	[tilespmem:s7], [sflag:$0x2] =	stream.indirect_vreg.gather [hbm4b:s4+s3], $0x80, v4, vm0, $0xb8;
	[tilespmem:$0x1E680] =	vst v63  }
0x37c: {  	s8 =	simm.s32 $0xF680  }
0x37d: {  	[tilespmem:s8], [sflag:$0x2] =	stream.indirect_vreg.gather [hbm4b:s1+s3], $0x80, v3, vm0, $0xb8;
	[tilespmem:$0x1E680] =	vst v63  }
0x37e: {  	_ = 	snop  }
0x37f: {  	[tilespmem:s21], [sflag:$0x2] =	stream.indirect_vreg.gather [hbm4b:s4+s3], $0x80, v3, vm0, $0xb8;
	[tilespmem:$0x1E680] =	vst v63  }
0x380: {  	v3 =	vld [tilespmem:$0x350];
	_ =	sdelay $0x4  }
0x381: {  	v17 =	vshll.u32 v3, $0x2  }
0x382: {  	v3 =	vand.u32 $0x7, v3;
	v4 =	vand.u32 $0xFFFFFFE0, v17  }
0x383: {  	v3 =	vor.u32 v3, v4  }
0x384: {  	v4 =	vperm.xlane v3, v0;
	_ =	sdelay $0x1  }
0x385: {  	v4 =	vadd.s32 v1, v4;
	_ =	sdelay $0x1  }
0x386: {  	v3 =	vperm.xlane v3, v2;
	_ =	sdelay $0x1  }
0x387: {  	s19 =	simm.s32 $0x10680;
	v3 =	vadd.s32 v1, v3  }
0x388: {  	[tilespmem:s19], [sflag:$0x2] =	stream.indirect_vreg.gather [hbm4b:s1+s3], $0x80, v4, vm0, $0xb8;
	[tilespmem:$0x1E680] =	vst v63  }
0x389: {  	s11 =	simm.s32 $0x10E80  }
0x38a: {  	[tilespmem:s11], [sflag:$0x2] =	stream.indirect_vreg.gather [hbm4b:s4+s3], $0x80, v4, vm0, $0xb8;
	[tilespmem:$0x1E680] =	vst v63  }
0x38b: {  	s12 =	simm.s32 $0x11680  }
0x38c: {  	[tilespmem:s12], [sflag:$0x2] =	stream.indirect_vreg.gather [hbm4b:s1+s3], $0x80, v3, vm0, $0xb8;
	[tilespmem:$0x1E680] =	vst v63  }
0x38d: {  	_ = 	snop  }
0x38e: {  	[tilespmem:s22], [sflag:$0x2] =	stream.indirect_vreg.gather [hbm4b:s4+s3], $0x80, v3, vm0, $0xb8;
	[tilespmem:$0x1E680] =	vst v63  }
0x38f: {  	v3 =	vld [tilespmem:$0x360];
	_ =	sdelay $0x4  }
0x390: {  	v18 =	vshll.u32 v3, $0x2  }
0x391: {  	v3 =	vand.u32 $0x7, v3;
	v4 =	vand.u32 $0xFFFFFFE0, v18  }
0x392: {  	v3 =	vor.u32 v3, v4  }
0x393: {  	v4 =	vperm.xlane v3, v0;
	_ =	sdelay $0x1  }
0x394: {  	v4 =	vadd.s32 v1, v4;
	_ =	sdelay $0x1  }
0x395: {  	v3 =	vperm.xlane v3, v2;
	_ =	sdelay $0x1  }
0x396: {  	s13 =	simm.s32 $0x12680;
	v3 =	vadd.s32 v1, v3  }
0x397: {  	[tilespmem:s13], [sflag:$0x2] =	stream.indirect_vreg.gather [hbm4b:s1+s3], $0x80, v4, vm0, $0xb8;
	[tilespmem:$0x1E680] =	vst v63  }
0x398: {  	s14 =	simm.s32 $0x12E80  }
0x399: {  	[tilespmem:s14], [sflag:$0x2] =	stream.indirect_vreg.gather [hbm4b:s4+s3], $0x80, v4, vm0, $0xb8;
	[tilespmem:$0x1E680] =	vst v63  }
0x39a: {  	s20 =	simm.s32 $0x13680  }
0x39b: {  	[tilespmem:s20], [sflag:$0x2] =	stream.indirect_vreg.gather [hbm4b:s1+s3], $0x80, v3, vm0, $0xb8;
	[tilespmem:$0x1E680] =	vst v63  }
0x39c: {  	_ = 	snop  }
0x39d: {  	[tilespmem:s17], [sflag:$0x2] =	stream.indirect_vreg.gather [hbm4b:s4+s3], $0x80, v3, vm0, $0xb8;
	[tilespmem:$0x1E680] =	vst v63  }
0x39e: {  	_ =	swait.ge [sflag:s30], $0xA000  }
0x39f: {  	[sflag:s30] =	ssyncset.done $0x0  }
0x3a0: {  	s22 =	simm.s32 $0x14680;
	s21 =	rddreg [dreg:$0xf];
	[sflag:s30] =	ssyncadd.s32 $0xFFFF6000  }
0x3a1: {  	[hbm4b:s21+s3] =	stream.linear.scatter [tilespmem:s22], [sflag:$0x6], $0xA000, $0x38;
	[tilespmem:$0x1E680] =	vst v63  }
0x3a2: {  	_ =	swait.ge [sflag:s2], $0xA000  }
0x3a3: {  	[sflag:s2] =	ssyncset.done $0x0  }
0x3a4: {  	[sflag:s2] =	ssyncadd.s32 $0xFFFF6000  }
0x3a5: {  	v3 =	vld [tilespmem:$0x370];
	_ =	sdelay $0x4  }
0x3a6: {  	v19 =	vshll.u32 v3, $0x2  }
0x3a7: {  	v3 =	vand.u32 $0x7, v3;
	v4 =	vand.u32 $0xFFFFFFE0, v19  }
0x3a8: {  	v3 =	vor.u32 v3, v4  }
0x3a9: {  	v4 =	vperm.xlane v3, v0;
	_ =	sdelay $0x1  }
0x3aa: {  	v4 =	vadd.s32 v1, v4;
	_ =	sdelay $0x1  }
0x3ab: {  	v3 =	vperm.xlane v3, v2;
	_ =	sdelay $0x1  }
0x3ac: {  	v3 =	vadd.s32 v1, v3  }
0x3ad: {  	[tilespmem:s22], [sflag:$0x3] =	stream.indirect_vreg.gather [hbm4b:s1+s3], $0x80, v4, vm0, $0xb8;
	[tilespmem:$0x1E680] =	vst v63  }
0x3ae: {  	s17 =	simm.s32 $0x14E80  }
0x3af: {  	[tilespmem:s17], [sflag:$0x3] =	stream.indirect_vreg.gather [hbm4b:s4+s3], $0x80, v4, vm0, $0xb8;
	[tilespmem:$0x1E680] =	vst v63  }
0x3b0: {  	s28 =	simm.s32 $0x15680  }
0x3b1: {  	[tilespmem:s28], [sflag:$0x3] =	stream.indirect_vreg.gather [hbm4b:s1+s3], $0x80, v3, vm0, $0xb8;
	[tilespmem:$0x1E680] =	vst v63  }
0x3b2: {  	s16 =	simm.s32 $0x15E80  }
0x3b3: {  	[tilespmem:s16], [sflag:$0x3] =	stream.indirect_vreg.gather [hbm4b:s4+s3], $0x80, v3, vm0, $0xb8;
	[tilespmem:$0x1E680] =	vst v63  }
0x3b4: {  	v3 =	vld [tilespmem:$0x380];
	_ =	sdelay $0x4  }
0x3b5: {  	v20 =	vshll.u32 v3, $0x2  }
0x3b6: {  	v3 =	vand.u32 $0x7, v3;
	v4 =	vand.u32 $0xFFFFFFE0, v20  }
0x3b7: {  	v3 =	vor.u32 v3, v4  }
0x3b8: {  	v4 =	vperm.xlane v3, v0;
	_ =	sdelay $0x1  }
0x3b9: {  	v4 =	vadd.s32 v1, v4;
	_ =	sdelay $0x1  }
0x3ba: {  	v3 =	vperm.xlane v3, v2;
	_ =	sdelay $0x1  }
0x3bb: {  	s15 =	simm.s32 $0x16680;
	v3 =	vadd.s32 v1, v3  }
0x3bc: {  	[tilespmem:s15], [sflag:$0x3] =	stream.indirect_vreg.gather [hbm4b:s1+s3], $0x80, v4, vm0, $0xb8;
	[tilespmem:$0x1E680] =	vst v63  }
0x3bd: {  	s11 =	simm.s32 $0x16E80  }
0x3be: {  	[tilespmem:s11], [sflag:$0x3] =	stream.indirect_vreg.gather [hbm4b:s4+s3], $0x80, v4, vm0, $0xb8;
	[tilespmem:$0x1E680] =	vst v63  }
0x3bf: {  	s12 =	simm.s32 $0x17680  }
0x3c0: {  	[tilespmem:s12], [sflag:$0x3] =	stream.indirect_vreg.gather [hbm4b:s1+s3], $0x80, v3, vm0, $0xb8;
	[tilespmem:$0x1E680] =	vst v63  }
0x3c1: {  	s18 =	simm.s32 $0x17E80  }
0x3c2: {  	[tilespmem:s18], [sflag:$0x3] =	stream.indirect_vreg.gather [hbm4b:s4+s3], $0x80, v3, vm0, $0xb8;
	[tilespmem:$0x1E680] =	vst v63  }
0x3c3: {  	v3 =	vld [tilespmem:$0x390];
	_ =	sdelay $0x4  }
0x3c4: {  	v21 =	vshll.u32 v3, $0x2  }
0x3c5: {  	v3 =	vand.u32 $0x7, v3;
	v4 =	vand.u32 $0xFFFFFFE0, v21  }
0x3c6: {  	v3 =	vor.u32 v3, v4  }
0x3c7: {  	v4 =	vperm.xlane v3, v0;
	_ =	sdelay $0x1  }
0x3c8: {  	v4 =	vadd.s32 v1, v4;
	_ =	sdelay $0x1  }
0x3c9: {  	v3 =	vperm.xlane v3, v2;
	_ =	sdelay $0x1  }
0x3ca: {  	s13 =	simm.s32 $0x18680;
	v3 =	vadd.s32 v1, v3  }
0x3cb: {  	[tilespmem:s13], [sflag:$0x3] =	stream.indirect_vreg.gather [hbm4b:s1+s3], $0x80, v4, vm0, $0xb8;
	[tilespmem:$0x1E680] =	vst v63  }
0x3cc: {  	s14 =	simm.s32 $0x18E80  }
0x3cd: {  	[tilespmem:s14], [sflag:$0x3] =	stream.indirect_vreg.gather [hbm4b:s4+s3], $0x80, v4, vm0, $0xb8;
	[tilespmem:$0x1E680] =	vst v63  }
0x3ce: {  	s15 =	simm.s32 $0x19680  }
0x3cf: {  	[tilespmem:s15], [sflag:$0x3] =	stream.indirect_vreg.gather [hbm4b:s1+s3], $0x80, v3, vm0, $0xb8;
	[tilespmem:$0x1E680] =	vst v63  }
0x3d0: {  	s29 =	simm.s32 $0x19E80  }
0x3d1: {  	[tilespmem:s29], [sflag:$0x3] =	stream.indirect_vreg.gather [hbm4b:s4+s3], $0x80, v3, vm0, $0xb8;
	[tilespmem:$0x1E680] =	vst v63  }
0x3d2: {  	v3 =	vld [tilespmem:$0x3A0];
	_ =	sdelay $0x4  }
0x3d3: {  	v22 =	vshll.u32 v3, $0x2  }
0x3d4: {  	v3 =	vand.u32 $0x7, v3;
	v4 =	vand.u32 $0xFFFFFFE0, v22  }
0x3d5: {  	v3 =	vor.u32 v3, v4  }
0x3d6: {  	v4 =	vperm.xlane v3, v0;
	_ =	sdelay $0x1  }
0x3d7: {  	v4 =	vadd.s32 v1, v4;
	_ =	sdelay $0x1  }
0x3d8: {  	v3 =	vperm.xlane v3, v2;
	_ =	sdelay $0x1  }
0x3d9: {  	s16 =	simm.s32 $0x1A680;
	v3 =	vadd.s32 v1, v3  }
0x3da: {  	[tilespmem:s16], [sflag:$0x3] =	stream.indirect_vreg.gather [hbm4b:s1+s3], $0x80, v4, vm0, $0xb8;
	[tilespmem:$0x1E680] =	vst v63  }
0x3db: {  	s18 =	simm.s32 $0x1AE80  }
0x3dc: {  	[tilespmem:s18], [sflag:$0x3] =	stream.indirect_vreg.gather [hbm4b:s4+s3], $0x80, v4, vm0, $0xb8;
	[tilespmem:$0x1E680] =	vst v63  }
0x3dd: {  	s19 =	simm.s32 $0x1B680  }
0x3de: {  	[tilespmem:s19], [sflag:$0x3] =	stream.indirect_vreg.gather [hbm4b:s1+s3], $0x80, v3, vm0, $0xb8;
	[tilespmem:$0x1E680] =	vst v63  }
0x3df: {  	s31 =	simm.s32 $0x1BE80  }
0x3e0: {  	[tilespmem:s31], [sflag:$0x3] =	stream.indirect_vreg.gather [hbm4b:s4+s3], $0x80, v3, vm0, $0xb8;
	[tilespmem:$0x1E680] =	vst v63  }
0x3e1: {  	v3 =	vld [tilespmem:$0x3B0];
	_ =	sdelay $0x4  }
0x3e2: {  	v23 =	vshll.u32 v3, $0x2  }
0x3e3: {  	v3 =	vand.u32 $0x7, v3;
	v4 =	vand.u32 $0xFFFFFFE0, v23  }
0x3e4: {  	v3 =	vor.u32 v3, v4  }
0x3e5: {  	v4 =	vperm.xlane v3, v0;
	_ =	sdelay $0x1  }
0x3e6: {  	v4 =	vadd.s32 v1, v4;
	_ =	sdelay $0x1  }
0x3e7: {  	v3 =	vperm.xlane v3, v2;
	_ =	sdelay $0x1  }
0x3e8: {  	s20 =	simm.s32 $0x1C680;
	v3 =	vadd.s32 v1, v3  }
0x3e9: {  	[tilespmem:s20], [sflag:$0x3] =	stream.indirect_vreg.gather [hbm4b:s1+s3], $0x80, v4, vm0, $0xb8;
	[tilespmem:$0x1E680] =	vst v63  }
0x3ea: {  	s21 =	simm.s32 $0x1CE80  }
0x3eb: {  	[tilespmem:s21], [sflag:$0x3] =	stream.indirect_vreg.gather [hbm4b:s4+s3], $0x80, v4, vm0, $0xb8;
	[tilespmem:$0x1E680] =	vst v63  }
0x3ec: {  	s22 =	simm.s32 $0x1D680  }
0x3ed: {  	[tilespmem:s22], [sflag:$0x3] =	stream.indirect_vreg.gather [hbm4b:s1+s3], $0x80, v3, vm0, $0xb8;
	[tilespmem:$0x1E680] =	vst v63  }
0x3ee: {  	s7 =	simm.s32 $0x1DE80  }
0x3ef: {  	[tilespmem:s7], [sflag:$0x3] =	stream.indirect_vreg.gather [hbm4b:s4+s3], $0x80, v3, vm0, $0xb8;
	[tilespmem:$0x1E680] =	vst v63  }
0x3f0: {  	_ =	swait.ge [sflag:s23], $0xA000  }
0x3f1: {  	[sflag:s23] =	ssyncset.done $0x0  }
0x3f2: {  	s29 =	simm.s32 $0x680;
	s28 =	rddreg [dreg:$0x10];
	[sflag:s23] =	ssyncadd.s32 $0xFFFF6000  }
0x3f3: {  	[hbm4b:s28+s3] =	stream.linear.scatter [tilespmem:s29], [sflag:$0x4], $0xA000, $0x38;
	[tilespmem:$0x1E680] =	vst v63  }
0x3f4: {  	_ =	swait.ge [sflag:s24], $0xA000  }
0x3f5: {  	[sflag:s24] =	ssyncset.done $0x0  }
0x3f6: {  	[sflag:s24] =	ssyncadd.s32 $0xFFFF6000  }
0x3f7: {  	v3 =	vld [tilespmem:$0x3C0];
	_ =	sdelay $0x4  }
0x3f8: {  	v24 =	vshll.u32 v3, $0x2  }
0x3f9: {  	v3 =	vand.u32 $0x7, v3;
	v4 =	vand.u32 $0xFFFFFFE0, v24  }
0x3fa: {  	v3 =	vor.u32 v3, v4  }
0x3fb: {  	v4 =	vperm.xlane v3, v0;
	_ =	sdelay $0x1  }
0x3fc: {  	v4 =	vadd.s32 v1, v4;
	_ =	sdelay $0x1  }
0x3fd: {  	v3 =	vperm.xlane v3, v2;
	_ =	sdelay $0x1  }
0x3fe: {  	v3 =	vadd.s32 v1, v3  }
0x3ff: {  	[tilespmem:s29], [sflag:$0x1] =	stream.indirect_vreg.gather [hbm4b:s1+s3], $0x80, v4, vm0, $0xb8;
	[tilespmem:$0x1E680] =	vst v63  }
0x400: {  	s28 =	simm.s32 $0xE80  }
0x401: {  	[tilespmem:s28], [sflag:$0x1] =	stream.indirect_vreg.gather [hbm4b:s4+s3], $0x80, v4, vm0, $0xb8;
	[tilespmem:$0x1E680] =	vst v63  }
0x402: {  	s29 =	simm.s32 $0x1680  }
0x403: {  	[tilespmem:s29], [sflag:$0x1] =	stream.indirect_vreg.gather [hbm4b:s1+s3], $0x80, v3, vm0, $0xb8;
	[tilespmem:$0x1E680] =	vst v63  }
0x404: {  	s7 =	simm.s32 $0x1E80  }
0x405: {  	[tilespmem:s7], [sflag:$0x1] =	stream.indirect_vreg.gather [hbm4b:s4+s3], $0x80, v3, vm0, $0xb8;
	[tilespmem:$0x1E680] =	vst v63  }
0x406: {  	v3 =	vld [tilespmem:$0x3D0];
	_ =	sdelay $0x4  }
0x407: {  	v25 =	vshll.u32 v3, $0x2  }
0x408: {  	v3 =	vand.u32 $0x7, v3;
	v4 =	vand.u32 $0xFFFFFFE0, v25  }
0x409: {  	v3 =	vor.u32 v3, v4  }
0x40a: {  	v4 =	vperm.xlane v3, v0;
	_ =	sdelay $0x1  }
0x40b: {  	v4 =	vadd.s32 v1, v4;
	_ =	sdelay $0x1  }
0x40c: {  	v3 =	vperm.xlane v3, v2;
	_ =	sdelay $0x1  }
0x40d: {  	s7 =	simm.s32 $0x2680;
	v3 =	vadd.s32 v1, v3  }
0x40e: {  	[tilespmem:s7], [sflag:$0x1] =	stream.indirect_vreg.gather [hbm4b:s1+s3], $0x80, v4, vm0, $0xb8;
	[tilespmem:$0x1E680] =	vst v63  }
0x40f: {  	s31 =	simm.s32 $0x2E80  }
0x410: {  	[tilespmem:s31], [sflag:$0x1] =	stream.indirect_vreg.gather [hbm4b:s4+s3], $0x80, v4, vm0, $0xb8;
	[tilespmem:$0x1E680] =	vst v63  }
0x411: {  	s7 =	simm.s32 $0x3680  }
0x412: {  	[tilespmem:s7], [sflag:$0x1] =	stream.indirect_vreg.gather [hbm4b:s1+s3], $0x80, v3, vm0, $0xb8;
	[tilespmem:$0x1E680] =	vst v63  }
0x413: {  	_ = 	snop  }
0x414: {  	[tilespmem:s0], [sflag:$0x1] =	stream.indirect_vreg.gather [hbm4b:s4+s3], $0x80, v3, vm0, $0xb8;
	[tilespmem:$0x1E680] =	vst v63  }
0x415: {  	v3 =	vld [tilespmem:$0x3E0];
	_ =	sdelay $0x4  }
0x416: {  	v26 =	vshll.u32 v3, $0x2  }
0x417: {  	v3 =	vand.u32 $0x7, v3;
	v4 =	vand.u32 $0xFFFFFFE0, v26  }
0x418: {  	v3 =	vor.u32 v3, v4  }
0x419: {  	v4 =	vperm.xlane v3, v0;
	_ =	sdelay $0x1  }
0x41a: {  	v4 =	vadd.s32 v1, v4;
	_ =	sdelay $0x1  }
0x41b: {  	v3 =	vperm.xlane v3, v2;
	_ =	sdelay $0x1  }
0x41c: {  	s7 =	simm.s32 $0x4680;
	v3 =	vadd.s32 v1, v3  }
0x41d: {  	[tilespmem:s7], [sflag:$0x1] =	stream.indirect_vreg.gather [hbm4b:s1+s3], $0x80, v4, vm0, $0xb8;
	[tilespmem:$0x1E680] =	vst v63  }
0x41e: {  	s31 =	simm.s32 $0x4E80  }
0x41f: {  	[tilespmem:s31], [sflag:$0x1] =	stream.indirect_vreg.gather [hbm4b:s4+s3], $0x80, v4, vm0, $0xb8;
	[tilespmem:$0x1E680] =	vst v63  }
0x420: {  	s7 =	simm.s32 $0x5680  }
0x421: {  	[tilespmem:s7], [sflag:$0x1] =	stream.indirect_vreg.gather [hbm4b:s1+s3], $0x80, v3, vm0, $0xb8;
	[tilespmem:$0x1E680] =	vst v63  }
0x422: {  	_ = 	snop  }
0x423: {  	[tilespmem:s9], [sflag:$0x1] =	stream.indirect_vreg.gather [hbm4b:s4+s3], $0x80, v3, vm0, $0xb8;
	[tilespmem:$0x1E680] =	vst v63  }
0x424: {  	v3 =	vld [tilespmem:$0x3F0];
	_ =	sdelay $0x4  }
0x425: {  	v27 =	vshll.u32 v3, $0x2  }
0x426: {  	v3 =	vand.u32 $0x7, v3;
	v4 =	vand.u32 $0xFFFFFFE0, v27  }
0x427: {  	v3 =	vor.u32 v3, v4  }
0x428: {  	v4 =	vperm.xlane v3, v0;
	_ =	sdelay $0x1  }
0x429: {  	v4 =	vadd.s32 v1, v4;
	_ =	sdelay $0x1  }
0x42a: {  	v3 =	vperm.xlane v3, v2;
	_ =	sdelay $0x1  }
0x42b: {  	s9 =	simm.s32 $0x6680;
	v3 =	vadd.s32 v1, v3  }
0x42c: {  	[tilespmem:s9], [sflag:$0x1] =	stream.indirect_vreg.gather [hbm4b:s1+s3], $0x80, v4, vm0, $0xb8;
	[tilespmem:$0x1E680] =	vst v63  }
0x42d: {  	s31 =	simm.s32 $0x6E80  }
0x42e: {  	[tilespmem:s31], [sflag:$0x1] =	stream.indirect_vreg.gather [hbm4b:s4+s3], $0x80, v4, vm0, $0xb8;
	[tilespmem:$0x1E680] =	vst v63  }
0x42f: {  	s7 =	simm.s32 $0x7680  }
0x430: {  	[tilespmem:s7], [sflag:$0x1] =	stream.indirect_vreg.gather [hbm4b:s1+s3], $0x80, v3, vm0, $0xb8;
	[tilespmem:$0x1E680] =	vst v63  }
0x431: {  	_ = 	snop  }
0x432: {  	[tilespmem:s6], [sflag:$0x1] =	stream.indirect_vreg.gather [hbm4b:s4+s3], $0x80, v3, vm0, $0xb8;
	[tilespmem:$0x1E680] =	vst v63  }
0x433: {  	v3 =	vld [tilespmem:$0x400];
	_ =	sdelay $0x4  }
0x434: {  	v28 =	vshll.u32 v3, $0x2  }
0x435: {  	v3 =	vand.u32 $0x7, v3;
	v4 =	vand.u32 $0xFFFFFFE0, v28  }
0x436: {  	v3 =	vor.u32 v3, v4  }
0x437: {  	v4 =	vperm.xlane v3, v0;
	_ =	sdelay $0x1  }
0x438: {  	v4 =	vadd.s32 v1, v4;
	_ =	sdelay $0x1  }
0x439: {  	v3 =	vperm.xlane v3, v2;
	_ =	sdelay $0x1  }
0x43a: {  	s9 =	simm.s32 $0x8680;
	v3 =	vadd.s32 v1, v3  }
0x43b: {  	[tilespmem:s9], [sflag:$0x1] =	stream.indirect_vreg.gather [hbm4b:s1+s3], $0x80, v4, vm0, $0xb8;
	[tilespmem:$0x1E680] =	vst v63  }
0x43c: {  	s31 =	simm.s32 $0x8E80  }
0x43d: {  	[tilespmem:s31], [sflag:$0x1] =	stream.indirect_vreg.gather [hbm4b:s4+s3], $0x80, v4, vm0, $0xb8;
	[tilespmem:$0x1E680] =	vst v63  }
0x43e: {  	_ = 	snop  }
0x43f: {  	[tilespmem:s10], [sflag:$0x1] =	stream.indirect_vreg.gather [hbm4b:s1+s3], $0x80, v3, vm0, $0xb8;
	[tilespmem:$0x1E680] =	vst v63  }
0x440: {  	s6 =	simm.s32 $0x9E80  }
0x441: {  	[tilespmem:s6], [sflag:$0x1] =	stream.indirect_vreg.gather [hbm4b:s4+s3], $0x80, v3, vm0, $0xb8;
	[tilespmem:$0x1E680] =	vst v63  }
0x442: {  	_ =	swait.ge [sflag:s25], $0xA000  }
0x443: {  	[sflag:s25] =	ssyncset.done $0x0  }
0x444: {  	s9 =	simm.s32 $0xA680;
	s7 =	rddreg [dreg:$0x11];
	[sflag:s25] =	ssyncadd.s32 $0xFFFF6000  }
0x445: {  	[hbm4b:s7+s3] =	stream.linear.scatter [tilespmem:s9], [sflag:$0x5], $0xA000, $0x38;
	[tilespmem:$0x1E680] =	vst v63  }
0x446: {  	_ =	swait.ge [sflag:s26], $0xA000  }
0x447: {  	[sflag:s26] =	ssyncset.done $0x0  }
0x448: {  	[sflag:s26] =	ssyncadd.s32 $0xFFFF6000  }
0x449: {  	v3 =	vld [tilespmem:$0x410];
	_ =	sdelay $0x4  }
0x44a: {  	v29 =	vshll.u32 v3, $0x2  }
0x44b: {  	v3 =	vand.u32 $0x7, v3;
	v4 =	vand.u32 $0xFFFFFFE0, v29  }
0x44c: {  	v3 =	vor.u32 v3, v4  }
0x44d: {  	v4 =	vperm.xlane v3, v0;
	_ =	sdelay $0x1  }
0x44e: {  	v4 =	vadd.s32 v1, v4;
	_ =	sdelay $0x1  }
0x44f: {  	v3 =	vperm.xlane v3, v2;
	_ =	sdelay $0x1  }
0x450: {  	v3 =	vadd.s32 v1, v3  }
0x451: {  	[tilespmem:s9], [sflag:$0x2] =	stream.indirect_vreg.gather [hbm4b:s1+s3], $0x80, v4, vm0, $0xb8;
	[tilespmem:$0x1E680] =	vst v63  }
0x452: {  	s7 =	simm.s32 $0xAE80  }
0x453: {  	[tilespmem:s7], [sflag:$0x2] =	stream.indirect_vreg.gather [hbm4b:s4+s3], $0x80, v4, vm0, $0xb8;
	[tilespmem:$0x1E680] =	vst v63  }
0x454: {  	s10 =	simm.s32 $0xB680  }
0x455: {  	[tilespmem:s10], [sflag:$0x2] =	stream.indirect_vreg.gather [hbm4b:s1+s3], $0x80, v3, vm0, $0xb8;
	[tilespmem:$0x1E680] =	vst v63  }
0x456: {  	s31 =	simm.s32 $0xBE80  }
0x457: {  	[tilespmem:s31], [sflag:$0x2] =	stream.indirect_vreg.gather [hbm4b:s4+s3], $0x80, v3, vm0, $0xb8;
	[tilespmem:$0x1E680] =	vst v63  }
0x458: {  	v3 =	vld [tilespmem:$0x420];
	_ =	sdelay $0x4  }
0x459: {  	v30 =	vshll.u32 v3, $0x2  }
0x45a: {  	v3 =	vand.u32 $0x7, v3;
	v4 =	vand.u32 $0xFFFFFFE0, v30  }
0x45b: {  	v3 =	vor.u32 v3, v4  }
0x45c: {  	v4 =	vperm.xlane v3, v0;
	_ =	sdelay $0x1  }
0x45d: {  	v4 =	vadd.s32 v1, v4;
	_ =	sdelay $0x1  }
0x45e: {  	v3 =	vperm.xlane v3, v2;
	_ =	sdelay $0x1  }
0x45f: {  	s9 =	simm.s32 $0xC680;
	v3 =	vadd.s32 v1, v3  }
0x460: {  	[tilespmem:s9], [sflag:$0x2] =	stream.indirect_vreg.gather [hbm4b:s1+s3], $0x80, v4, vm0, $0xb8;
	[tilespmem:$0x1E680] =	vst v63  }
0x461: {  	s10 =	simm.s32 $0xCE80  }
0x462: {  	[tilespmem:s10], [sflag:$0x2] =	stream.indirect_vreg.gather [hbm4b:s4+s3], $0x80, v4, vm0, $0xb8;
	[tilespmem:$0x1E680] =	vst v63  }
0x463: {  	s31 =	simm.s32 $0xD680  }
0x464: {  	[tilespmem:s31], [sflag:$0x2] =	stream.indirect_vreg.gather [hbm4b:s1+s3], $0x80, v3, vm0, $0xb8;
	[tilespmem:$0x1E680] =	vst v63  }
0x465: {  	s9 =	simm.s32 $0xDE80  }
0x466: {  	[tilespmem:s9], [sflag:$0x2] =	stream.indirect_vreg.gather [hbm4b:s4+s3], $0x80, v3, vm0, $0xb8;
	[tilespmem:$0x1E680] =	vst v63  }
0x467: {  	v3 =	vld [tilespmem:$0x430];
	_ =	sdelay $0x4  }
0x468: {  	v31 =	vshll.u32 v3, $0x2  }
0x469: {  	v3 =	vand.u32 $0x7, v3;
	v4 =	vand.u32 $0xFFFFFFE0, v31  }
0x46a: {  	v3 =	vor.u32 v3, v4  }
0x46b: {  	v4 =	vperm.xlane v3, v0;
	_ =	sdelay $0x1  }
0x46c: {  	v4 =	vadd.s32 v1, v4;
	_ =	sdelay $0x1  }
0x46d: {  	v3 =	vperm.xlane v3, v2;
	_ =	sdelay $0x1  }
0x46e: {  	s10 =	simm.s32 $0xE680;
	v3 =	vadd.s32 v1, v3  }
0x46f: {  	[tilespmem:s10], [sflag:$0x2] =	stream.indirect_vreg.gather [hbm4b:s1+s3], $0x80, v4, vm0, $0xb8;
	[tilespmem:$0x1E680] =	vst v63  }
0x470: {  	s31 =	simm.s32 $0xEE80  }
0x471: {  	[tilespmem:s31], [sflag:$0x2] =	stream.indirect_vreg.gather [hbm4b:s4+s3], $0x80, v4, vm0, $0xb8;
	[tilespmem:$0x1E680] =	vst v63  }
0x472: {  	s9 =	simm.s32 $0xF680  }
0x473: {  	[tilespmem:s9], [sflag:$0x2] =	stream.indirect_vreg.gather [hbm4b:s1+s3], $0x80, v3, vm0, $0xb8;
	[tilespmem:$0x1E680] =	vst v63  }
0x474: {  	s10 =	simm.s32 $0xFE80  }
0x475: {  	[tilespmem:s10], [sflag:$0x2] =	stream.indirect_vreg.gather [hbm4b:s4+s3], $0x80, v3, vm0, $0xb8;
	[tilespmem:$0x1E680] =	vst v63  }
0x476: {  	v3 =	vld [tilespmem:$0x440];
	_ =	sdelay $0x4  }
0x477: {  	v32 =	vshll.u32 v3, $0x2  }
0x478: {  	v3 =	vand.u32 $0x7, v3;
	v4 =	vand.u32 $0xFFFFFFE0, v32  }
0x479: {  	v3 =	vor.u32 v3, v4  }
0x47a: {  	v4 =	vperm.xlane v3, v0;
	_ =	sdelay $0x1  }
0x47b: {  	v4 =	vadd.s32 v1, v4;
	_ =	sdelay $0x1  }
0x47c: {  	v3 =	vperm.xlane v3, v2;
	_ =	sdelay $0x1  }
0x47d: {  	s31 =	simm.s32 $0x10680;
	v3 =	vadd.s32 v1, v3  }
0x47e: {  	[tilespmem:s31], [sflag:$0x2] =	stream.indirect_vreg.gather [hbm4b:s1+s3], $0x80, v4, vm0, $0xb8;
	[tilespmem:$0x1E680] =	vst v63  }
0x47f: {  	s9 =	simm.s32 $0x10E80  }
0x480: {  	[tilespmem:s9], [sflag:$0x2] =	stream.indirect_vreg.gather [hbm4b:s4+s3], $0x80, v4, vm0, $0xb8;
	[tilespmem:$0x1E680] =	vst v63  }
0x481: {  	s10 =	simm.s32 $0x11680  }
0x482: {  	[tilespmem:s10], [sflag:$0x2] =	stream.indirect_vreg.gather [hbm4b:s1+s3], $0x80, v3, vm0, $0xb8;
	[tilespmem:$0x1E680] =	vst v63  }
0x483: {  	s31 =	simm.s32 $0x11E80  }
0x484: {  	[tilespmem:s31], [sflag:$0x2] =	stream.indirect_vreg.gather [hbm4b:s4+s3], $0x80, v3, vm0, $0xb8;
	[tilespmem:$0x1E680] =	vst v63  }
0x485: {  	v3 =	vld [tilespmem:$0x450];
	_ =	sdelay $0x4  }
0x486: {  	v33 =	vshll.u32 v3, $0x2  }
0x487: {  	v3 =	vand.u32 $0x7, v3;
	v4 =	vand.u32 $0xFFFFFFE0, v33  }
0x488: {  	v3 =	vor.u32 v3, v4  }
0x489: {  	v4 =	vperm.xlane v3, v0;
	_ =	sdelay $0x1  }
0x48a: {  	v4 =	vadd.s32 v1, v4;
	_ =	sdelay $0x1  }
0x48b: {  	v3 =	vperm.xlane v3, v2;
	_ =	sdelay $0x1  }
0x48c: {  	s9 =	simm.s32 $0x12680;
	v3 =	vadd.s32 v1, v3  }
0x48d: {  	[tilespmem:s9], [sflag:$0x2] =	stream.indirect_vreg.gather [hbm4b:s1+s3], $0x80, v4, vm0, $0xb8;
	[tilespmem:$0x1E680] =	vst v63  }
0x48e: {  	s10 =	simm.s32 $0x12E80  }
0x48f: {  	[tilespmem:s10], [sflag:$0x2] =	stream.indirect_vreg.gather [hbm4b:s4+s3], $0x80, v4, vm0, $0xb8;
	[tilespmem:$0x1E680] =	vst v63  }
0x490: {  	s31 =	simm.s32 $0x13680  }
0x491: {  	[tilespmem:s31], [sflag:$0x2] =	stream.indirect_vreg.gather [hbm4b:s1+s3], $0x80, v3, vm0, $0xb8;
	[tilespmem:$0x1E680] =	vst v63  }
0x492: {  	s9 =	simm.s32 $0x13E80  }
0x493: {  	[tilespmem:s9], [sflag:$0x2] =	stream.indirect_vreg.gather [hbm4b:s4+s3], $0x80, v3, vm0, $0xb8;
	[tilespmem:$0x1E680] =	vst v63  }
0x494: {  	_ =	swait.ge [sflag:s30], $0xA000  }
0x495: {  	[sflag:s30] =	ssyncset.done $0x0  }
0x496: {  	s8 =	simm.s32 $0x14680;
	s10 =	rddreg [dreg:$0x12];
	[sflag:s30] =	ssyncadd.s32 $0xFFFF6000  }
0x497: {  	[hbm4b:s10+s3] =	stream.linear.scatter [tilespmem:s8], [sflag:$0x6], $0xA000, $0x38;
	[tilespmem:$0x1E680] =	vst v63  }
0x498: {  	_ =	swait.ge [sflag:s2], $0xA000  }
0x499: {  	[sflag:s2] =	ssyncset.done $0x0  }
0x49a: {  	[sflag:s2] =	ssyncadd.s32 $0xFFFF6000  }
0x49b: {  	v3 =	vld [tilespmem:$0x460];
	_ =	sdelay $0x4  }
0x49c: {  	v34 =	vshll.u32 v3, $0x2  }
0x49d: {  	v3 =	vand.u32 $0x7, v3;
	v4 =	vand.u32 $0xFFFFFFE0, v34  }
0x49e: {  	v3 =	vor.u32 v3, v4  }
0x49f: {  	v4 =	vperm.xlane v3, v0;
	_ =	sdelay $0x1  }
0x4a0: {  	v4 =	vadd.s32 v1, v4;
	_ =	sdelay $0x1  }
0x4a1: {  	v3 =	vperm.xlane v3, v2;
	_ =	sdelay $0x1  }
0x4a2: {  	v3 =	vadd.s32 v1, v3  }
0x4a3: {  	[tilespmem:s8], [sflag:$0x3] =	stream.indirect_vreg.gather [hbm4b:s1+s3], $0x80, v4, vm0, $0xb8;
	[tilespmem:$0x1E680] =	vst v63  }
0x4a4: {  	_ = 	snop  }
0x4a5: {  	[tilespmem:s17], [sflag:$0x3] =	stream.indirect_vreg.gather [hbm4b:s4+s3], $0x80, v4, vm0, $0xb8;
	[tilespmem:$0x1E680] =	vst v63  }
0x4a6: {  	s17 =	simm.s32 $0x15680  }
0x4a7: {  	[tilespmem:s17], [sflag:$0x3] =	stream.indirect_vreg.gather [hbm4b:s1+s3], $0x80, v3, vm0, $0xb8;
	[tilespmem:$0x1E680] =	vst v63  }
0x4a8: {  	s31 =	simm.s32 $0x15E80  }
0x4a9: {  	[tilespmem:s31], [sflag:$0x3] =	stream.indirect_vreg.gather [hbm4b:s4+s3], $0x80, v3, vm0, $0xb8;
	[tilespmem:$0x1E680] =	vst v63  }
0x4aa: {  	v3 =	vld [tilespmem:$0x470];
	_ =	sdelay $0x4  }
0x4ab: {  	v35 =	vshll.u32 v3, $0x2  }
0x4ac: {  	v3 =	vand.u32 $0x7, v3;
	v4 =	vand.u32 $0xFFFFFFE0, v35  }
0x4ad: {  	v3 =	vor.u32 v3, v4  }
0x4ae: {  	v4 =	vperm.xlane v3, v0;
	_ =	sdelay $0x1  }
0x4af: {  	v4 =	vadd.s32 v1, v4;
	_ =	sdelay $0x1  }
0x4b0: {  	v3 =	vperm.xlane v3, v2;
	_ =	sdelay $0x1  }
0x4b1: {  	s8 =	simm.s32 $0x16680;
	v3 =	vadd.s32 v1, v3  }
0x4b2: {  	[tilespmem:s8], [sflag:$0x3] =	stream.indirect_vreg.gather [hbm4b:s1+s3], $0x80, v4, vm0, $0xb8;
	[tilespmem:$0x1E680] =	vst v63  }
0x4b3: {  	_ = 	snop  }
0x4b4: {  	[tilespmem:s11], [sflag:$0x3] =	stream.indirect_vreg.gather [hbm4b:s4+s3], $0x80, v4, vm0, $0xb8;
	[tilespmem:$0x1E680] =	vst v63  }
0x4b5: {  	_ = 	snop  }
0x4b6: {  	[tilespmem:s12], [sflag:$0x3] =	stream.indirect_vreg.gather [hbm4b:s1+s3], $0x80, v3, vm0, $0xb8;
	[tilespmem:$0x1E680] =	vst v63  }
0x4b7: {  	s9 =	simm.s32 $0x17E80  }
0x4b8: {  	[tilespmem:s9], [sflag:$0x3] =	stream.indirect_vreg.gather [hbm4b:s4+s3], $0x80, v3, vm0, $0xb8;
	[tilespmem:$0x1E680] =	vst v63  }
0x4b9: {  	v3 =	vld [tilespmem:$0x480];
	_ =	sdelay $0x4  }
0x4ba: {  	v36 =	vshll.u32 v3, $0x2  }
0x4bb: {  	v3 =	vand.u32 $0x7, v3;
	v4 =	vand.u32 $0xFFFFFFE0, v36  }
0x4bc: {  	v3 =	vor.u32 v3, v4  }
0x4bd: {  	v4 =	vperm.xlane v3, v0;
	_ =	sdelay $0x1  }
0x4be: {  	v4 =	vadd.s32 v1, v4;
	_ =	sdelay $0x1  }
0x4bf: {  	v3 =	vperm.xlane v3, v2;
	_ =	sdelay $0x1  }
0x4c0: {  	v3 =	vadd.s32 v1, v3  }
0x4c1: {  	[tilespmem:s13], [sflag:$0x3] =	stream.indirect_vreg.gather [hbm4b:s1+s3], $0x80, v4, vm0, $0xb8;
	[tilespmem:$0x1E680] =	vst v63  }
0x4c2: {  	_ = 	snop  }
0x4c3: {  	[tilespmem:s14], [sflag:$0x3] =	stream.indirect_vreg.gather [hbm4b:s4+s3], $0x80, v4, vm0, $0xb8;
	[tilespmem:$0x1E680] =	vst v63  }
0x4c4: {  	_ = 	snop  }
0x4c5: {  	[tilespmem:s15], [sflag:$0x3] =	stream.indirect_vreg.gather [hbm4b:s1+s3], $0x80, v3, vm0, $0xb8;
	[tilespmem:$0x1E680] =	vst v63  }
0x4c6: {  	s10 =	simm.s32 $0x19E80  }
0x4c7: {  	[tilespmem:s10], [sflag:$0x3] =	stream.indirect_vreg.gather [hbm4b:s4+s3], $0x80, v3, vm0, $0xb8;
	[tilespmem:$0x1E680] =	vst v63  }
0x4c8: {  	v3 =	vld [tilespmem:$0x490];
	_ =	sdelay $0x4  }
0x4c9: {  	v37 =	vshll.u32 v3, $0x2  }
0x4ca: {  	v3 =	vand.u32 $0x7, v3;
	v4 =	vand.u32 $0xFFFFFFE0, v37  }
0x4cb: {  	v3 =	vor.u32 v3, v4  }
0x4cc: {  	v4 =	vperm.xlane v3, v0;
	_ =	sdelay $0x1  }
0x4cd: {  	v4 =	vadd.s32 v1, v4;
	_ =	sdelay $0x1  }
0x4ce: {  	v3 =	vperm.xlane v3, v2;
	_ =	sdelay $0x1  }
0x4cf: {  	v3 =	vadd.s32 v1, v3  }
0x4d0: {  	[tilespmem:s16], [sflag:$0x3] =	stream.indirect_vreg.gather [hbm4b:s1+s3], $0x80, v4, vm0, $0xb8;
	[tilespmem:$0x1E680] =	vst v63  }
0x4d1: {  	_ = 	snop  }
0x4d2: {  	[tilespmem:s18], [sflag:$0x3] =	stream.indirect_vreg.gather [hbm4b:s4+s3], $0x80, v4, vm0, $0xb8;
	[tilespmem:$0x1E680] =	vst v63  }
0x4d3: {  	_ = 	snop  }
0x4d4: {  	[tilespmem:s19], [sflag:$0x3] =	stream.indirect_vreg.gather [hbm4b:s1+s3], $0x80, v3, vm0, $0xb8;
	[tilespmem:$0x1E680] =	vst v63  }
0x4d5: {  	s17 =	simm.s32 $0x1BE80  }
0x4d6: {  	[tilespmem:s17], [sflag:$0x3] =	stream.indirect_vreg.gather [hbm4b:s4+s3], $0x80, v3, vm0, $0xb8;
	[tilespmem:$0x1E680] =	vst v63  }
0x4d7: {  	v3 =	vld [tilespmem:$0x4A0];
	_ =	sdelay $0x4  }
0x4d8: {  	v38 =	vshll.u32 v3, $0x2  }
0x4d9: {  	v3 =	vand.u32 $0x7, v3;
	v4 =	vand.u32 $0xFFFFFFE0, v38  }
0x4da: {  	v3 =	vor.u32 v3, v4  }
0x4db: {  	v4 =	vperm.xlane v3, v0;
	_ =	sdelay $0x1  }
0x4dc: {  	v4 =	vadd.s32 v1, v4;
	_ =	sdelay $0x1  }
0x4dd: {  	v3 =	vperm.xlane v3, v2;
	_ =	sdelay $0x1  }
0x4de: {  	v3 =	vadd.s32 v1, v3  }
0x4df: {  	[tilespmem:s20], [sflag:$0x3] =	stream.indirect_vreg.gather [hbm4b:s1+s3], $0x80, v4, vm0, $0xb8;
	[tilespmem:$0x1E680] =	vst v63  }
0x4e0: {  	_ = 	snop  }
0x4e1: {  	[tilespmem:s21], [sflag:$0x3] =	stream.indirect_vreg.gather [hbm4b:s4+s3], $0x80, v4, vm0, $0xb8;
	[tilespmem:$0x1E680] =	vst v63  }
0x4e2: {  	_ = 	snop  }
0x4e3: {  	[tilespmem:s22], [sflag:$0x3] =	stream.indirect_vreg.gather [hbm4b:s1+s3], $0x80, v3, vm0, $0xb8;
	[tilespmem:$0x1E680] =	vst v63  }
0x4e4: {  	s31 =	simm.s32 $0x1DE80  }
0x4e5: {  	[tilespmem:s31], [sflag:$0x3] =	stream.indirect_vreg.gather [hbm4b:s4+s3], $0x80, v3, vm0, $0xb8;
	[tilespmem:$0x1E680] =	vst v63  }
0x4e6: {  	_ =	swait.ge [sflag:s23], $0xA000  }
0x4e7: {  	[sflag:s23] =	ssyncset.done $0x0  }
0x4e8: {  	s5 =	simm.s32 $0x680;
	s8 =	rddreg [dreg:$0x13];
	[sflag:s23] =	ssyncadd.s32 $0xFFFF6000  }
0x4e9: {  	[hbm4b:s8+s3] =	stream.linear.scatter [tilespmem:s5], [sflag:$0x4], $0xA000, $0x38;
	[tilespmem:$0x1E680] =	vst v63  }
0x4ea: {  	_ =	swait.ge [sflag:s24], $0xA000  }
0x4eb: {  	[sflag:s24] =	ssyncset.done $0x0  }
0x4ec: {  	[sflag:s24] =	ssyncadd.s32 $0xFFFF6000  }
0x4ed: {  	v3 =	vld [tilespmem:$0x4B0];
	_ =	sdelay $0x4  }
0x4ee: {  	v39 =	vshll.u32 v3, $0x2  }
0x4ef: {  	v3 =	vand.u32 $0x7, v3;
	v4 =	vand.u32 $0xFFFFFFE0, v39  }
0x4f0: {  	v3 =	vor.u32 v3, v4  }
0x4f1: {  	v4 =	vperm.xlane v3, v0;
	_ =	sdelay $0x1  }
0x4f2: {  	v4 =	vadd.s32 v1, v4;
	_ =	sdelay $0x1  }
0x4f3: {  	v3 =	vperm.xlane v3, v2;
	_ =	sdelay $0x1  }
0x4f4: {  	v3 =	vadd.s32 v1, v3  }
0x4f5: {  	[tilespmem:s5], [sflag:$0x1] =	stream.indirect_vreg.gather [hbm4b:s1+s3], $0x80, v4, vm0, $0xb8;
	[tilespmem:$0x1E680] =	vst v63  }
0x4f6: {  	_ = 	snop  }
0x4f7: {  	[tilespmem:s28], [sflag:$0x1] =	stream.indirect_vreg.gather [hbm4b:s4+s3], $0x80, v4, vm0, $0xb8;
	[tilespmem:$0x1E680] =	vst v63  }
0x4f8: {  	_ = 	snop  }
0x4f9: {  	[tilespmem:s29], [sflag:$0x1] =	stream.indirect_vreg.gather [hbm4b:s1+s3], $0x80, v3, vm0, $0xb8;
	[tilespmem:$0x1E680] =	vst v63  }
0x4fa: {  	s9 =	simm.s32 $0x1E80  }
0x4fb: {  	[tilespmem:s9], [sflag:$0x1] =	stream.indirect_vreg.gather [hbm4b:s4+s3], $0x80, v3, vm0, $0xb8;
	[tilespmem:$0x1E680] =	vst v63  }
0x4fc: {  	v3 =	vld [tilespmem:$0x4C0];
	_ =	sdelay $0x4  }
0x4fd: {  	v40 =	vshll.u32 v3, $0x2  }
0x4fe: {  	v3 =	vand.u32 $0x7, v3;
	v4 =	vand.u32 $0xFFFFFFE0, v40  }
0x4ff: {  	v3 =	vor.u32 v3, v4  }
0x500: {  	v4 =	vperm.xlane v3, v0;
	_ =	sdelay $0x1  }
0x501: {  	v4 =	vadd.s32 v1, v4;
	_ =	sdelay $0x1  }
0x502: {  	v3 =	vperm.xlane v3, v2;
	_ =	sdelay $0x1  }
0x503: {  	s10 =	simm.s32 $0x2680;
	v3 =	vadd.s32 v1, v3  }
0x504: {  	[tilespmem:s10], [sflag:$0x1] =	stream.indirect_vreg.gather [hbm4b:s1+s3], $0x80, v4, vm0, $0xb8;
	[tilespmem:$0x1E680] =	vst v63  }
0x505: {  	s0 =	simm.s32 $0x2E80  }
0x506: {  	[tilespmem:s0], [sflag:$0x1] =	stream.indirect_vreg.gather [hbm4b:s4+s3], $0x80, v4, vm0, $0xb8;
	[tilespmem:$0x1E680] =	vst v63  }
0x507: {  	s17 =	simm.s32 $0x3680  }
0x508: {  	[tilespmem:s17], [sflag:$0x1] =	stream.indirect_vreg.gather [hbm4b:s1+s3], $0x80, v3, vm0, $0xb8;
	[tilespmem:$0x1E680] =	vst v63  }
0x509: {  	s31 =	simm.s32 $0x3E80  }
0x50a: {  	[tilespmem:s31], [sflag:$0x1] =	stream.indirect_vreg.gather [hbm4b:s4+s3], $0x80, v3, vm0, $0xb8;
	[tilespmem:$0x1E680] =	vst v63  }
0x50b: {  	v3 =	vld [tilespmem:$0x4D0];
	_ =	sdelay $0x4  }
0x50c: {  	v41 =	vshll.u32 v3, $0x2  }
0x50d: {  	v3 =	vand.u32 $0x7, v3;
	v4 =	vand.u32 $0xFFFFFFE0, v41  }
0x50e: {  	v3 =	vor.u32 v3, v4  }
0x50f: {  	v4 =	vperm.xlane v3, v0;
	_ =	sdelay $0x1  }
0x510: {  	v4 =	vadd.s32 v1, v4;
	_ =	sdelay $0x1  }
0x511: {  	v3 =	vperm.xlane v3, v2;
	_ =	sdelay $0x1  }
0x512: {  	s9 =	simm.s32 $0x4680;
	v3 =	vadd.s32 v1, v3  }
0x513: {  	[tilespmem:s9], [sflag:$0x1] =	stream.indirect_vreg.gather [hbm4b:s1+s3], $0x80, v4, vm0, $0xb8;
	[tilespmem:$0x1E680] =	vst v63  }
0x514: {  	s10 =	simm.s32 $0x4E80  }
0x515: {  	[tilespmem:s10], [sflag:$0x1] =	stream.indirect_vreg.gather [hbm4b:s4+s3], $0x80, v4, vm0, $0xb8;
	[tilespmem:$0x1E680] =	vst v63  }
0x516: {  	s8 =	simm.s32 $0x5680  }
0x517: {  	[tilespmem:s8], [sflag:$0x1] =	stream.indirect_vreg.gather [hbm4b:s1+s3], $0x80, v3, vm0, $0xb8;
	[tilespmem:$0x1E680] =	vst v63  }
0x518: {  	s5 =	simm.s32 $0x5E80  }
0x519: {  	[tilespmem:s5], [sflag:$0x1] =	stream.indirect_vreg.gather [hbm4b:s4+s3], $0x80, v3, vm0, $0xb8;
	[tilespmem:$0x1E680] =	vst v63  }
0x51a: {  	v3 =	vld [tilespmem:$0x4E0];
	_ =	sdelay $0x4  }
0x51b: {  	v42 =	vshll.u32 v3, $0x2  }
0x51c: {  	v3 =	vand.u32 $0x7, v3;
	v4 =	vand.u32 $0xFFFFFFE0, v42  }
0x51d: {  	v3 =	vor.u32 v3, v4  }
0x51e: {  	v4 =	vperm.xlane v3, v0;
	_ =	sdelay $0x1  }
0x51f: {  	v4 =	vadd.s32 v1, v4;
	_ =	sdelay $0x1  }
0x520: {  	v3 =	vperm.xlane v3, v2;
	_ =	sdelay $0x1  }
0x521: {  	s17 =	simm.s32 $0x6680;
	v3 =	vadd.s32 v1, v3  }
0x522: {  	[tilespmem:s17], [sflag:$0x1] =	stream.indirect_vreg.gather [hbm4b:s1+s3], $0x80, v4, vm0, $0xb8;
	[tilespmem:$0x1E680] =	vst v63  }
0x523: {  	s31 =	simm.s32 $0x6E80  }
0x524: {  	[tilespmem:s31], [sflag:$0x1] =	stream.indirect_vreg.gather [hbm4b:s4+s3], $0x80, v4, vm0, $0xb8;
	[tilespmem:$0x1E680] =	vst v63  }
0x525: {  	s17 =	simm.s32 $0x7680  }
0x526: {  	[tilespmem:s17], [sflag:$0x1] =	stream.indirect_vreg.gather [hbm4b:s1+s3], $0x80, v3, vm0, $0xb8;
	[tilespmem:$0x1E680] =	vst v63  }
0x527: {  	s31 =	simm.s32 $0x7E80  }
0x528: {  	[tilespmem:s31], [sflag:$0x1] =	stream.indirect_vreg.gather [hbm4b:s4+s3], $0x80, v3, vm0, $0xb8;
	[tilespmem:$0x1E680] =	vst v63  }
0x529: {  	v3 =	vld [tilespmem:$0x4F0];
	_ =	sdelay $0x4  }
0x52a: {  	v43 =	vshll.u32 v3, $0x2  }
0x52b: {  	v3 =	vand.u32 $0x7, v3;
	v4 =	vand.u32 $0xFFFFFFE0, v43  }
0x52c: {  	v3 =	vor.u32 v3, v4  }
0x52d: {  	v4 =	vperm.xlane v3, v0;
	_ =	sdelay $0x1  }
0x52e: {  	v4 =	vadd.s32 v1, v4;
	_ =	sdelay $0x1  }
0x52f: {  	v3 =	vperm.xlane v3, v2;
	_ =	sdelay $0x1  }
0x530: {  	s17 =	simm.s32 $0x8680;
	v3 =	vadd.s32 v1, v3  }
0x531: {  	[tilespmem:s17], [sflag:$0x1] =	stream.indirect_vreg.gather [hbm4b:s1+s3], $0x80, v4, vm0, $0xb8;
	[tilespmem:$0x1E680] =	vst v63  }
0x532: {  	s31 =	simm.s32 $0x8E80  }
0x533: {  	[tilespmem:s31], [sflag:$0x1] =	stream.indirect_vreg.gather [hbm4b:s4+s3], $0x80, v4, vm0, $0xb8;
	[tilespmem:$0x1E680] =	vst v63  }
0x534: {  	s17 =	simm.s32 $0x9680  }
0x535: {  	[tilespmem:s17], [sflag:$0x1] =	stream.indirect_vreg.gather [hbm4b:s1+s3], $0x80, v3, vm0, $0xb8;
	[tilespmem:$0x1E680] =	vst v63  }
0x536: {  	s31 =	simm.s32 $0x9E80  }
0x537: {  	[tilespmem:s31], [sflag:$0x1] =	stream.indirect_vreg.gather [hbm4b:s4+s3], $0x80, v3, vm0, $0xb8;
	[tilespmem:$0x1E680] =	vst v63  }
0x538: {  	_ =	swait.ge [sflag:s25], $0xA000  }
0x539: {  	[sflag:s25] =	ssyncset.done $0x0  }
0x53a: {  	s6 =	simm.s32 $0xA680;
	s5 =	rddreg [dreg:$0x14];
	[sflag:s25] =	ssyncadd.s32 $0xFFFF6000  }
0x53b: {  	[hbm4b:s5+s3] =	stream.linear.scatter [tilespmem:s6], [sflag:$0x5], $0xA000, $0x38;
	[tilespmem:$0x1E680] =	vst v63  }
0x53c: {  	_ =	swait.ge [sflag:s26], $0xA000  }
0x53d: {  	[sflag:s26] =	ssyncset.done $0x0  }
0x53e: {  	[sflag:s26] =	ssyncadd.s32 $0xFFFF6000  }
0x53f: {  	v3 =	vld [tilespmem:$0x500];
	_ =	sdelay $0x4  }
0x540: {  	v44 =	vshll.u32 v3, $0x2  }
0x541: {  	v3 =	vand.u32 $0x7, v3;
	v4 =	vand.u32 $0xFFFFFFE0, v44  }
0x542: {  	v3 =	vor.u32 v3, v4  }
0x543: {  	v4 =	vperm.xlane v3, v0;
	_ =	sdelay $0x1  }
0x544: {  	v4 =	vadd.s32 v1, v4;
	_ =	sdelay $0x1  }
0x545: {  	v3 =	vperm.xlane v3, v2;
	_ =	sdelay $0x1  }
0x546: {  	v3 =	vadd.s32 v1, v3  }
0x547: {  	[tilespmem:s6], [sflag:$0x2] =	stream.indirect_vreg.gather [hbm4b:s1+s3], $0x80, v4, vm0, $0xb8;
	[tilespmem:$0x1E680] =	vst v63  }
0x548: {  	_ = 	snop  }
0x549: {  	[tilespmem:s7], [sflag:$0x2] =	stream.indirect_vreg.gather [hbm4b:s4+s3], $0x80, v4, vm0, $0xb8;
	[tilespmem:$0x1E680] =	vst v63  }
0x54a: {  	s7 =	simm.s32 $0xB680  }
0x54b: {  	[tilespmem:s7], [sflag:$0x2] =	stream.indirect_vreg.gather [hbm4b:s1+s3], $0x80, v3, vm0, $0xb8;
	[tilespmem:$0x1E680] =	vst v63  }
0x54c: {  	s17 =	simm.s32 $0xBE80  }
0x54d: {  	[tilespmem:s17], [sflag:$0x2] =	stream.indirect_vreg.gather [hbm4b:s4+s3], $0x80, v3, vm0, $0xb8;
	[tilespmem:$0x1E680] =	vst v63  }
0x54e: {  	v3 =	vld [tilespmem:$0x510];
	_ =	sdelay $0x4  }
0x54f: {  	v45 =	vshll.u32 v3, $0x2  }
0x550: {  	v3 =	vand.u32 $0x7, v3;
	v4 =	vand.u32 $0xFFFFFFE0, v45  }
0x551: {  	v3 =	vor.u32 v3, v4  }
0x552: {  	v4 =	vperm.xlane v3, v0;
	_ =	sdelay $0x1  }
0x553: {  	v4 =	vadd.s32 v1, v4;
	_ =	sdelay $0x1  }
0x554: {  	v3 =	vperm.xlane v3, v2;
	_ =	sdelay $0x1  }
0x555: {  	s31 =	simm.s32 $0xC680;
	v3 =	vadd.s32 v1, v3  }
0x556: {  	[tilespmem:s31], [sflag:$0x2] =	stream.indirect_vreg.gather [hbm4b:s1+s3], $0x80, v4, vm0, $0xb8;
	[tilespmem:$0x1E680] =	vst v63  }
0x557: {  	s7 =	simm.s32 $0xCE80  }
0x558: {  	[tilespmem:s7], [sflag:$0x2] =	stream.indirect_vreg.gather [hbm4b:s4+s3], $0x80, v4, vm0, $0xb8;
	[tilespmem:$0x1E680] =	vst v63  }
0x559: {  	s17 =	simm.s32 $0xD680  }
0x55a: {  	[tilespmem:s17], [sflag:$0x2] =	stream.indirect_vreg.gather [hbm4b:s1+s3], $0x80, v3, vm0, $0xb8;
	[tilespmem:$0x1E680] =	vst v63  }
0x55b: {  	s31 =	simm.s32 $0xDE80  }
0x55c: {  	[tilespmem:s31], [sflag:$0x2] =	stream.indirect_vreg.gather [hbm4b:s4+s3], $0x80, v3, vm0, $0xb8;
	[tilespmem:$0x1E680] =	vst v63  }
0x55d: {  	v3 =	vld [tilespmem:$0x520];
	_ =	sdelay $0x4  }
0x55e: {  	v46 =	vshll.u32 v3, $0x2  }
0x55f: {  	v3 =	vand.u32 $0x7, v3;
	v4 =	vand.u32 $0xFFFFFFE0, v46  }
0x560: {  	v3 =	vor.u32 v3, v4  }
0x561: {  	v4 =	vperm.xlane v3, v0;
	_ =	sdelay $0x1  }
0x562: {  	v4 =	vadd.s32 v1, v4;
	_ =	sdelay $0x1  }
0x563: {  	v3 =	vperm.xlane v3, v2;
	_ =	sdelay $0x1  }
0x564: {  	s7 =	simm.s32 $0xE680;
	v3 =	vadd.s32 v1, v3  }
0x565: {  	[tilespmem:s7], [sflag:$0x2] =	stream.indirect_vreg.gather [hbm4b:s1+s3], $0x80, v4, vm0, $0xb8;
	[tilespmem:$0x1E680] =	vst v63  }
0x566: {  	s17 =	simm.s32 $0xEE80  }
0x567: {  	[tilespmem:s17], [sflag:$0x2] =	stream.indirect_vreg.gather [hbm4b:s4+s3], $0x80, v4, vm0, $0xb8;
	[tilespmem:$0x1E680] =	vst v63  }
0x568: {  	s31 =	simm.s32 $0xF680  }
0x569: {  	[tilespmem:s31], [sflag:$0x2] =	stream.indirect_vreg.gather [hbm4b:s1+s3], $0x80, v3, vm0, $0xb8;
	[tilespmem:$0x1E680] =	vst v63  }
0x56a: {  	s7 =	simm.s32 $0xFE80  }
0x56b: {  	[tilespmem:s7], [sflag:$0x2] =	stream.indirect_vreg.gather [hbm4b:s4+s3], $0x80, v3, vm0, $0xb8;
	[tilespmem:$0x1E680] =	vst v63  }
0x56c: {  	v3 =	vld [tilespmem:$0x530];
	_ =	sdelay $0x4  }
0x56d: {  	v47 =	vshll.u32 v3, $0x2  }
0x56e: {  	v3 =	vand.u32 $0x7, v3;
	v4 =	vand.u32 $0xFFFFFFE0, v47  }
0x56f: {  	v3 =	vor.u32 v3, v4  }
0x570: {  	v4 =	vperm.xlane v3, v0;
	_ =	sdelay $0x1  }
0x571: {  	v4 =	vadd.s32 v1, v4;
	_ =	sdelay $0x1  }
0x572: {  	v3 =	vperm.xlane v3, v2;
	_ =	sdelay $0x1  }
0x573: {  	s17 =	simm.s32 $0x10680;
	v3 =	vadd.s32 v1, v3  }
0x574: {  	[tilespmem:s17], [sflag:$0x2] =	stream.indirect_vreg.gather [hbm4b:s1+s3], $0x80, v4, vm0, $0xb8;
	[tilespmem:$0x1E680] =	vst v63  }
0x575: {  	s31 =	simm.s32 $0x10E80  }
0x576: {  	[tilespmem:s31], [sflag:$0x2] =	stream.indirect_vreg.gather [hbm4b:s4+s3], $0x80, v4, vm0, $0xb8;
	[tilespmem:$0x1E680] =	vst v63  }
0x577: {  	s7 =	simm.s32 $0x11680  }
0x578: {  	[tilespmem:s7], [sflag:$0x2] =	stream.indirect_vreg.gather [hbm4b:s1+s3], $0x80, v3, vm0, $0xb8;
	[tilespmem:$0x1E680] =	vst v63  }
0x579: {  	s17 =	simm.s32 $0x11E80  }
0x57a: {  	[tilespmem:s17], [sflag:$0x2] =	stream.indirect_vreg.gather [hbm4b:s4+s3], $0x80, v3, vm0, $0xb8;
	[tilespmem:$0x1E680] =	vst v63  }
0x57b: {  	v3 =	vld [tilespmem:$0x540];
	_ =	sdelay $0x4  }
0x57c: {  	v48 =	vshll.u32 v3, $0x2  }
0x57d: {  	v3 =	vand.u32 $0x7, v3;
	v4 =	vand.u32 $0xFFFFFFE0, v48  }
0x57e: {  	v3 =	vor.u32 v3, v4  }
0x57f: {  	v4 =	vperm.xlane v3, v0;
	_ =	sdelay $0x1  }
0x580: {  	v4 =	vadd.s32 v1, v4;
	_ =	sdelay $0x1  }
0x581: {  	v3 =	vperm.xlane v3, v2;
	_ =	sdelay $0x1  }
0x582: {  	s31 =	simm.s32 $0x12680;
	v3 =	vadd.s32 v1, v3  }
0x583: {  	[tilespmem:s31], [sflag:$0x2] =	stream.indirect_vreg.gather [hbm4b:s1+s3], $0x80, v4, vm0, $0xb8;
	[tilespmem:$0x1E680] =	vst v63  }
0x584: {  	s7 =	simm.s32 $0x12E80  }
0x585: {  	[tilespmem:s7], [sflag:$0x2] =	stream.indirect_vreg.gather [hbm4b:s4+s3], $0x80, v4, vm0, $0xb8;
	[tilespmem:$0x1E680] =	vst v63  }
0x586: {  	s17 =	simm.s32 $0x13680  }
0x587: {  	[tilespmem:s17], [sflag:$0x2] =	stream.indirect_vreg.gather [hbm4b:s1+s3], $0x80, v3, vm0, $0xb8;
	[tilespmem:$0x1E680] =	vst v63  }
0x588: {  	s31 =	simm.s32 $0x13E80  }
0x589: {  	[tilespmem:s31], [sflag:$0x2] =	stream.indirect_vreg.gather [hbm4b:s4+s3], $0x80, v3, vm0, $0xb8;
	[tilespmem:$0x1E680] =	vst v63  }
0x58a: {  	_ =	swait.ge [sflag:s30], $0xA000  }
0x58b: {  	[sflag:s30] =	ssyncset.done $0x0  }
0x58c: {  	s7 =	simm.s32 $0x14680;
	s5 =	rddreg [dreg:$0x15];
	[sflag:s30] =	ssyncadd.s32 $0xFFFF6000  }
0x58d: {  	[hbm4b:s5+s3] =	stream.linear.scatter [tilespmem:s7], [sflag:$0x6], $0xA000, $0x38;
	[tilespmem:$0x1E680] =	vst v63  }
0x58e: {  	_ =	swait.ge [sflag:s2], $0xA000  }
0x58f: {  	[sflag:s2] =	ssyncset.done $0x0  }
0x590: {  	[sflag:s2] =	ssyncadd.s32 $0xFFFF6000  }
0x591: {  	v3 =	vld [tilespmem:$0x550];
	_ =	sdelay $0x4  }
0x592: {  	v49 =	vshll.u32 v3, $0x2  }
0x593: {  	v3 =	vand.u32 $0x7, v3;
	v4 =	vand.u32 $0xFFFFFFE0, v49  }
0x594: {  	v3 =	vor.u32 v3, v4  }
0x595: {  	v4 =	vperm.xlane v3, v0;
	_ =	sdelay $0x1  }
0x596: {  	v4 =	vadd.s32 v1, v4;
	_ =	sdelay $0x1  }
0x597: {  	v3 =	vperm.xlane v3, v2;
	_ =	sdelay $0x1  }
0x598: {  	v3 =	vadd.s32 v1, v3  }
0x599: {  	[tilespmem:s7], [sflag:$0x3] =	stream.indirect_vreg.gather [hbm4b:s1+s3], $0x80, v4, vm0, $0xb8;
	[tilespmem:$0x1E680] =	vst v63  }
0x59a: {  	s31 =	simm.s32 $0x14E80  }
0x59b: {  	[tilespmem:s31], [sflag:$0x3] =	stream.indirect_vreg.gather [hbm4b:s4+s3], $0x80, v4, vm0, $0xb8;
	[tilespmem:$0x1E680] =	vst v63  }
0x59c: {  	s7 =	simm.s32 $0x15680  }
0x59d: {  	[tilespmem:s7], [sflag:$0x3] =	stream.indirect_vreg.gather [hbm4b:s1+s3], $0x80, v3, vm0, $0xb8;
	[tilespmem:$0x1E680] =	vst v63  }
0x59e: {  	s31 =	simm.s32 $0x15E80  }
0x59f: {  	[tilespmem:s31], [sflag:$0x3] =	stream.indirect_vreg.gather [hbm4b:s4+s3], $0x80, v3, vm0, $0xb8;
	[tilespmem:$0x1E680] =	vst v63  }
0x5a0: {  	v3 =	vld [tilespmem:$0x560];
	_ =	sdelay $0x4  }
0x5a1: {  	v50 =	vshll.u32 v3, $0x2  }
0x5a2: {  	v3 =	vand.u32 $0x7, v3;
	v4 =	vand.u32 $0xFFFFFFE0, v50  }
0x5a3: {  	v3 =	vor.u32 v3, v4  }
0x5a4: {  	v4 =	vperm.xlane v3, v0;
	_ =	sdelay $0x1  }
0x5a5: {  	v4 =	vadd.s32 v1, v4;
	_ =	sdelay $0x1  }
0x5a6: {  	v3 =	vperm.xlane v3, v2;
	_ =	sdelay $0x1  }
0x5a7: {  	s7 =	simm.s32 $0x16680;
	v3 =	vadd.s32 v1, v3  }
0x5a8: {  	[tilespmem:s7], [sflag:$0x3] =	stream.indirect_vreg.gather [hbm4b:s1+s3], $0x80, v4, vm0, $0xb8;
	[tilespmem:$0x1E680] =	vst v63  }
0x5a9: {  	s11 =	simm.s32 $0x16E80  }
0x5aa: {  	[tilespmem:s11], [sflag:$0x3] =	stream.indirect_vreg.gather [hbm4b:s4+s3], $0x80, v4, vm0, $0xb8;
	[tilespmem:$0x1E680] =	vst v63  }
0x5ab: {  	s12 =	simm.s32 $0x17680  }
0x5ac: {  	[tilespmem:s12], [sflag:$0x3] =	stream.indirect_vreg.gather [hbm4b:s1+s3], $0x80, v3, vm0, $0xb8;
	[tilespmem:$0x1E680] =	vst v63  }
0x5ad: {  	s12 =	simm.s32 $0x17E80  }
0x5ae: {  	[tilespmem:s12], [sflag:$0x3] =	stream.indirect_vreg.gather [hbm4b:s4+s3], $0x80, v3, vm0, $0xb8;
	[tilespmem:$0x1E680] =	vst v63  }
0x5af: {  	v3 =	vld [tilespmem:$0x570];
	_ =	sdelay $0x4  }
0x5b0: {  	v51 =	vshll.u32 v3, $0x2  }
0x5b1: {  	v3 =	vand.u32 $0x7, v3;
	v4 =	vand.u32 $0xFFFFFFE0, v51  }
0x5b2: {  	v3 =	vor.u32 v3, v4  }
0x5b3: {  	v4 =	vperm.xlane v3, v0;
	_ =	sdelay $0x1  }
0x5b4: {  	v4 =	vadd.s32 v1, v4;
	_ =	sdelay $0x1  }
0x5b5: {  	v3 =	vperm.xlane v3, v2;
	_ =	sdelay $0x1  }
0x5b6: {  	s13 =	simm.s32 $0x18680;
	v3 =	vadd.s32 v1, v3  }
0x5b7: {  	[tilespmem:s13], [sflag:$0x3] =	stream.indirect_vreg.gather [hbm4b:s1+s3], $0x80, v4, vm0, $0xb8;
	[tilespmem:$0x1E680] =	vst v63  }
0x5b8: {  	s14 =	simm.s32 $0x18E80  }
0x5b9: {  	[tilespmem:s14], [sflag:$0x3] =	stream.indirect_vreg.gather [hbm4b:s4+s3], $0x80, v4, vm0, $0xb8;
	[tilespmem:$0x1E680] =	vst v63  }
0x5ba: {  	s15 =	simm.s32 $0x19680  }
0x5bb: {  	[tilespmem:s15], [sflag:$0x3] =	stream.indirect_vreg.gather [hbm4b:s1+s3], $0x80, v3, vm0, $0xb8;
	[tilespmem:$0x1E680] =	vst v63  }
0x5bc: {  	s15 =	simm.s32 $0x19E80  }
0x5bd: {  	[tilespmem:s15], [sflag:$0x3] =	stream.indirect_vreg.gather [hbm4b:s4+s3], $0x80, v3, vm0, $0xb8;
	[tilespmem:$0x1E680] =	vst v63  }
0x5be: {  	v3 =	vld [tilespmem:$0x580];
	_ =	sdelay $0x4  }
0x5bf: {  	v52 =	vshll.u32 v3, $0x2  }
0x5c0: {  	v3 =	vand.u32 $0x7, v3;
	v4 =	vand.u32 $0xFFFFFFE0, v52  }
0x5c1: {  	v3 =	vor.u32 v3, v4  }
0x5c2: {  	v4 =	vperm.xlane v3, v0;
	_ =	sdelay $0x1  }
0x5c3: {  	v4 =	vadd.s32 v1, v4;
	_ =	sdelay $0x1  }
0x5c4: {  	v3 =	vperm.xlane v3, v2;
	_ =	sdelay $0x1  }
0x5c5: {  	s16 =	simm.s32 $0x1A680;
	v3 =	vadd.s32 v1, v3  }
0x5c6: {  	[tilespmem:s16], [sflag:$0x3] =	stream.indirect_vreg.gather [hbm4b:s1+s3], $0x80, v4, vm0, $0xb8;
	[tilespmem:$0x1E680] =	vst v63  }
0x5c7: {  	s18 =	simm.s32 $0x1AE80  }
0x5c8: {  	[tilespmem:s18], [sflag:$0x3] =	stream.indirect_vreg.gather [hbm4b:s4+s3], $0x80, v4, vm0, $0xb8;
	[tilespmem:$0x1E680] =	vst v63  }
0x5c9: {  	s19 =	simm.s32 $0x1B680  }
0x5ca: {  	[tilespmem:s19], [sflag:$0x3] =	stream.indirect_vreg.gather [hbm4b:s1+s3], $0x80, v3, vm0, $0xb8;
	[tilespmem:$0x1E680] =	vst v63  }
0x5cb: {  	s19 =	simm.s32 $0x1BE80  }
0x5cc: {  	[tilespmem:s19], [sflag:$0x3] =	stream.indirect_vreg.gather [hbm4b:s4+s3], $0x80, v3, vm0, $0xb8;
	[tilespmem:$0x1E680] =	vst v63  }
0x5cd: {  	v3 =	vld [tilespmem:$0x590];
	_ =	sdelay $0x4  }
0x5ce: {  	v53 =	vshll.u32 v3, $0x2  }
0x5cf: {  	v3 =	vand.u32 $0x7, v3;
	v4 =	vand.u32 $0xFFFFFFE0, v53  }
0x5d0: {  	v3 =	vor.u32 v3, v4  }
0x5d1: {  	v4 =	vperm.xlane v3, v0;
	_ =	sdelay $0x1  }
0x5d2: {  	v4 =	vadd.s32 v1, v4;
	_ =	sdelay $0x1  }
0x5d3: {  	v3 =	vperm.xlane v3, v2;
	_ =	sdelay $0x1  }
0x5d4: {  	s20 =	simm.s32 $0x1C680;
	v3 =	vadd.s32 v1, v3  }
0x5d5: {  	[tilespmem:s20], [sflag:$0x3] =	stream.indirect_vreg.gather [hbm4b:s1+s3], $0x80, v4, vm0, $0xb8;
	[tilespmem:$0x1E680] =	vst v63  }
0x5d6: {  	s21 =	simm.s32 $0x1CE80  }
0x5d7: {  	[tilespmem:s21], [sflag:$0x3] =	stream.indirect_vreg.gather [hbm4b:s4+s3], $0x80, v4, vm0, $0xb8;
	[tilespmem:$0x1E680] =	vst v63  }
0x5d8: {  	s22 =	simm.s32 $0x1D680  }
0x5d9: {  	[tilespmem:s22], [sflag:$0x3] =	stream.indirect_vreg.gather [hbm4b:s1+s3], $0x80, v3, vm0, $0xb8;
	[tilespmem:$0x1E680] =	vst v63  }
0x5da: {  	s20 =	simm.s32 $0x1DE80  }
0x5db: {  	[tilespmem:s20], [sflag:$0x3] =	stream.indirect_vreg.gather [hbm4b:s4+s3], $0x80, v3, vm0, $0xb8;
	[tilespmem:$0x1E680] =	vst v63  }
0x5dc: {  	_ =	swait.ge [sflag:s23], $0xA000  }
0x5dd: {  	[sflag:s23] =	ssyncset.done $0x0  }
0x5de: {  	s22 =	simm.s32 $0x680;
	s21 =	rddreg [dreg:$0x16];
	[sflag:s23] =	ssyncadd.s32 $0xFFFF6000  }
0x5df: {  	[hbm4b:s21+s3] =	stream.linear.scatter [tilespmem:s22], [sflag:$0x4], $0xA000, $0x38;
	[tilespmem:$0x1E680] =	vst v63  }
0x5e0: {  	_ =	swait.ge [sflag:s24], $0xA000  }
0x5e1: {  	[sflag:s24] =	ssyncset.done $0x0  }
0x5e2: {  	[sflag:s24] =	ssyncadd.s32 $0xFFFF6000  }
0x5e3: {  	v3 =	vld [tilespmem:$0x5A0];
	_ =	sdelay $0x4  }
0x5e4: {  	v54 =	vshll.u32 v3, $0x2  }
0x5e5: {  	v3 =	vand.u32 $0x7, v3;
	v4 =	vand.u32 $0xFFFFFFE0, v54  }
0x5e6: {  	v3 =	vor.u32 v3, v4  }
0x5e7: {  	v4 =	vperm.xlane v3, v0;
	_ =	sdelay $0x1  }
0x5e8: {  	v4 =	vadd.s32 v1, v4;
	_ =	sdelay $0x1  }
0x5e9: {  	v3 =	vperm.xlane v3, v2;
	_ =	sdelay $0x1  }
0x5ea: {  	v3 =	vadd.s32 v1, v3  }
0x5eb: {  	[tilespmem:s22], [sflag:$0x1] =	stream.indirect_vreg.gather [hbm4b:s1+s3], $0x80, v4, vm0, $0xb8;
	[tilespmem:$0x1E680] =	vst v63  }
0x5ec: {  	s28 =	simm.s32 $0xE80  }
0x5ed: {  	[tilespmem:s28], [sflag:$0x1] =	stream.indirect_vreg.gather [hbm4b:s4+s3], $0x80, v4, vm0, $0xb8;
	[tilespmem:$0x1E680] =	vst v63  }
0x5ee: {  	s29 =	simm.s32 $0x1680  }
0x5ef: {  	[tilespmem:s29], [sflag:$0x1] =	stream.indirect_vreg.gather [hbm4b:s1+s3], $0x80, v3, vm0, $0xb8;
	[tilespmem:$0x1E680] =	vst v63  }
0x5f0: {  	s28 =	simm.s32 $0x1E80  }
0x5f1: {  	[tilespmem:s28], [sflag:$0x1] =	stream.indirect_vreg.gather [hbm4b:s4+s3], $0x80, v3, vm0, $0xb8;
	[tilespmem:$0x1E680] =	vst v63  }
0x5f2: {  	v3 =	vld [tilespmem:$0x5B0];
	_ =	sdelay $0x4  }
0x5f3: {  	v55 =	vshll.u32 v3, $0x2  }
0x5f4: {  	v3 =	vand.u32 $0x7, v3;
	v4 =	vand.u32 $0xFFFFFFE0, v55  }
0x5f5: {  	v3 =	vor.u32 v3, v4  }
0x5f6: {  	v4 =	vperm.xlane v3, v0;
	_ =	sdelay $0x1  }
0x5f7: {  	v4 =	vadd.s32 v1, v4;
	_ =	sdelay $0x1  }
0x5f8: {  	v3 =	vperm.xlane v3, v2;
	_ =	sdelay $0x1  }
0x5f9: {  	s29 =	simm.s32 $0x2680;
	v3 =	vadd.s32 v1, v3  }
0x5fa: {  	[tilespmem:s29], [sflag:$0x1] =	stream.indirect_vreg.gather [hbm4b:s1+s3], $0x80, v4, vm0, $0xb8;
	[tilespmem:$0x1E680] =	vst v63  }
0x5fb: {  	_ = 	snop  }
0x5fc: {  	[tilespmem:s0], [sflag:$0x1] =	stream.indirect_vreg.gather [hbm4b:s4+s3], $0x80, v4, vm0, $0xb8;
	[tilespmem:$0x1E680] =	vst v63  }
0x5fd: {  	s31 =	simm.s32 $0x3680  }
0x5fe: {  	[tilespmem:s31], [sflag:$0x1] =	stream.indirect_vreg.gather [hbm4b:s1+s3], $0x80, v3, vm0, $0xb8;
	[tilespmem:$0x1E680] =	vst v63  }
0x5ff: {  	s7 =	simm.s32 $0x3E80  }
0x600: {  	[tilespmem:s7], [sflag:$0x1] =	stream.indirect_vreg.gather [hbm4b:s4+s3], $0x80, v3, vm0, $0xb8;
	[tilespmem:$0x1E680] =	vst v63  }
0x601: {  	v3 =	vld [tilespmem:$0x5C0];
	_ =	sdelay $0x4  }
0x602: {  	v56 =	vshll.u32 v3, $0x2  }
0x603: {  	v3 =	vand.u32 $0x7, v3;
	v4 =	vand.u32 $0xFFFFFFE0, v56  }
0x604: {  	v3 =	vor.u32 v3, v4  }
0x605: {  	v4 =	vperm.xlane v3, v0;
	_ =	sdelay $0x1  }
0x606: {  	v4 =	vadd.s32 v1, v4;
	_ =	sdelay $0x1  }
0x607: {  	v3 =	vperm.xlane v3, v2;
	_ =	sdelay $0x1  }
0x608: {  	v3 =	vadd.s32 v1, v3  }
0x609: {  	[tilespmem:s9], [sflag:$0x1] =	stream.indirect_vreg.gather [hbm4b:s1+s3], $0x80, v4, vm0, $0xb8;
	[tilespmem:$0x1E680] =	vst v63  }
0x60a: {  	_ = 	snop  }
0x60b: {  	[tilespmem:s10], [sflag:$0x1] =	stream.indirect_vreg.gather [hbm4b:s4+s3], $0x80, v4, vm0, $0xb8;
	[tilespmem:$0x1E680] =	vst v63  }
0x60c: {  	_ = 	snop  }
0x60d: {  	[tilespmem:s8], [sflag:$0x1] =	stream.indirect_vreg.gather [hbm4b:s1+s3], $0x80, v3, vm0, $0xb8;
	[tilespmem:$0x1E680] =	vst v63  }
0x60e: {  	s9 =	simm.s32 $0x5E80  }
0x60f: {  	[tilespmem:s9], [sflag:$0x1] =	stream.indirect_vreg.gather [hbm4b:s4+s3], $0x80, v3, vm0, $0xb8;
	[tilespmem:$0x1E680] =	vst v63  }
0x610: {  	v3 =	vld [tilespmem:$0x5D0];
	_ =	sdelay $0x4  }
0x611: {  	v57 =	vshll.u32 v3, $0x2  }
0x612: {  	v3 =	vand.u32 $0x7, v3;
	v4 =	vand.u32 $0xFFFFFFE0, v57  }
0x613: {  	v3 =	vor.u32 v3, v4  }
0x614: {  	v4 =	vperm.xlane v3, v0;
	_ =	sdelay $0x1  }
0x615: {  	v4 =	vadd.s32 v1, v4;
	_ =	sdelay $0x1  }
0x616: {  	v3 =	vperm.xlane v3, v2;
	_ =	sdelay $0x1  }
0x617: {  	s10 =	simm.s32 $0x6680;
	v3 =	vadd.s32 v1, v3  }
0x618: {  	[tilespmem:s10], [sflag:$0x1] =	stream.indirect_vreg.gather [hbm4b:s1+s3], $0x80, v4, vm0, $0xb8;
	[tilespmem:$0x1E680] =	vst v63  }
0x619: {  	s11 =	simm.s32 $0x6E80  }
0x61a: {  	[tilespmem:s11], [sflag:$0x1] =	stream.indirect_vreg.gather [hbm4b:s4+s3], $0x80, v4, vm0, $0xb8;
	[tilespmem:$0x1E680] =	vst v63  }
0x61b: {  	s12 =	simm.s32 $0x7680  }
0x61c: {  	[tilespmem:s12], [sflag:$0x1] =	stream.indirect_vreg.gather [hbm4b:s1+s3], $0x80, v3, vm0, $0xb8;
	[tilespmem:$0x1E680] =	vst v63  }
0x61d: {  	s13 =	simm.s32 $0x7E80  }
0x61e: {  	[tilespmem:s13], [sflag:$0x1] =	stream.indirect_vreg.gather [hbm4b:s4+s3], $0x80, v3, vm0, $0xb8;
	[tilespmem:$0x1E680] =	vst v63  }
0x61f: {  	v3 =	vld [tilespmem:$0x5E0];
	_ =	sdelay $0x4  }
0x620: {  	v58 =	vshll.u32 v3, $0x2  }
0x621: {  	v3 =	vand.u32 $0x7, v3;
	v4 =	vand.u32 $0xFFFFFFE0, v58  }
0x622: {  	v3 =	vor.u32 v3, v4  }
0x623: {  	v4 =	vperm.xlane v3, v0;
	_ =	sdelay $0x1  }
0x624: {  	v4 =	vadd.s32 v1, v4;
	_ =	sdelay $0x1  }
0x625: {  	v3 =	vperm.xlane v3, v2;
	_ =	sdelay $0x1  }
0x626: {  	s14 =	simm.s32 $0x8680;
	v3 =	vadd.s32 v1, v3  }
0x627: {  	[tilespmem:s14], [sflag:$0x1] =	stream.indirect_vreg.gather [hbm4b:s1+s3], $0x80, v4, vm0, $0xb8;
	[tilespmem:$0x1E680] =	vst v63  }
0x628: {  	s15 =	simm.s32 $0x8E80  }
0x629: {  	[tilespmem:s15], [sflag:$0x1] =	stream.indirect_vreg.gather [hbm4b:s4+s3], $0x80, v4, vm0, $0xb8;
	[tilespmem:$0x1E680] =	vst v63  }
0x62a: {  	s16 =	simm.s32 $0x9680  }
0x62b: {  	[tilespmem:s16], [sflag:$0x1] =	stream.indirect_vreg.gather [hbm4b:s1+s3], $0x80, v3, vm0, $0xb8;
	[tilespmem:$0x1E680] =	vst v63  }
0x62c: {  	s18 =	simm.s32 $0x9E80  }
0x62d: {  	[tilespmem:s18], [sflag:$0x1] =	stream.indirect_vreg.gather [hbm4b:s4+s3], $0x80, v3, vm0, $0xb8;
	[tilespmem:$0x1E680] =	vst v63  }
0x62e: {  	_ =	swait.ge [sflag:s25], $0xA000  }
0x62f: {  	[sflag:s25] =	ssyncset.done $0x0  }
0x630: {  	s20 =	simm.s32 $0xA680;
	s19 =	rddreg [dreg:$0x17];
	[sflag:s25] =	ssyncadd.s32 $0xFFFF6000  }
0x631: {  	[hbm4b:s19+s3] =	stream.linear.scatter [tilespmem:s20], [sflag:$0x5], $0xA000, $0x38;
	[tilespmem:$0x1E680] =	vst v63  }
0x632: {  	_ =	swait.ge [sflag:s26], $0xA000  }
0x633: {  	[sflag:s26] =	ssyncset.done $0x0  }
0x634: {  	[sflag:s26] =	ssyncadd.s32 $0xFFFF6000  }
0x635: {  	v3 =	vld [tilespmem:$0x5F0];
	_ =	sdelay $0x4  }
0x636: {  	v59 =	vshll.u32 v3, $0x2  }
0x637: {  	v3 =	vand.u32 $0x7, v3;
	v4 =	vand.u32 $0xFFFFFFE0, v59  }
0x638: {  	v3 =	vor.u32 v3, v4  }
0x639: {  	v4 =	vperm.xlane v3, v0;
	_ =	sdelay $0x1  }
0x63a: {  	v4 =	vadd.s32 v1, v4;
	_ =	sdelay $0x1  }
0x63b: {  	v3 =	vperm.xlane v3, v2;
	_ =	sdelay $0x1  }
0x63c: {  	v3 =	vadd.s32 v1, v3  }
0x63d: {  	[tilespmem:s20], [sflag:$0x2] =	stream.indirect_vreg.gather [hbm4b:s1+s3], $0x80, v4, vm0, $0xb8;
	[tilespmem:$0x1E680] =	vst v63  }
0x63e: {  	s6 =	simm.s32 $0xAE80  }
0x63f: {  	[tilespmem:s6], [sflag:$0x2] =	stream.indirect_vreg.gather [hbm4b:s4+s3], $0x80, v4, vm0, $0xb8;
	[tilespmem:$0x1E680] =	vst v63  }
0x640: {  	s21 =	simm.s32 $0xB680  }
0x641: {  	[tilespmem:s21], [sflag:$0x2] =	stream.indirect_vreg.gather [hbm4b:s1+s3], $0x80, v3, vm0, $0xb8;
	[tilespmem:$0x1E680] =	vst v63  }
0x642: {  	s22 =	simm.s32 $0xBE80  }
0x643: {  	[tilespmem:s22], [sflag:$0x2] =	stream.indirect_vreg.gather [hbm4b:s4+s3], $0x80, v3, vm0, $0xb8;
	[tilespmem:$0x1E680] =	vst v63  }
0x644: {  	v3 =	vld [tilespmem:$0x600];
	_ =	sdelay $0x4  }
0x645: {  	v60 =	vshll.u32 v3, $0x2  }
0x646: {  	v3 =	vand.u32 $0x7, v3;
	v4 =	vand.u32 $0xFFFFFFE0, v60  }
0x647: {  	v3 =	vor.u32 v3, v4  }
0x648: {  	v4 =	vperm.xlane v3, v0;
	_ =	sdelay $0x1  }
0x649: {  	v4 =	vadd.s32 v1, v4;
	_ =	sdelay $0x1  }
0x64a: {  	v3 =	vperm.xlane v3, v2;
	_ =	sdelay $0x1  }
0x64b: {  	s28 =	simm.s32 $0xC680;
	v3 =	vadd.s32 v1, v3  }
0x64c: {  	[tilespmem:s28], [sflag:$0x2] =	stream.indirect_vreg.gather [hbm4b:s1+s3], $0x80, v4, vm0, $0xb8;
	[tilespmem:$0x1E680] =	vst v63  }
0x64d: {  	s29 =	simm.s32 $0xCE80  }
0x64e: {  	[tilespmem:s29], [sflag:$0x2] =	stream.indirect_vreg.gather [hbm4b:s4+s3], $0x80, v4, vm0, $0xb8;
	[tilespmem:$0x1E680] =	vst v63  }
0x64f: {  	s31 =	simm.s32 $0xD680  }
0x650: {  	[tilespmem:s31], [sflag:$0x2] =	stream.indirect_vreg.gather [hbm4b:s1+s3], $0x80, v3, vm0, $0xb8;
	[tilespmem:$0x1E680] =	vst v63  }
0x651: {  	s8 =	simm.s32 $0xDE80  }
0x652: {  	[tilespmem:s8], [sflag:$0x2] =	stream.indirect_vreg.gather [hbm4b:s4+s3], $0x80, v3, vm0, $0xb8;
	[tilespmem:$0x1E680] =	vst v63  }
0x653: {  	v3 =	vld [tilespmem:$0x610];
	_ =	sdelay $0x4  }
0x654: {  	v61 =	vshll.u32 v3, $0x2  }
0x655: {  	v3 =	vand.u32 $0x7, v3;
	v4 =	vand.u32 $0xFFFFFFE0, v61  }
0x656: {  	v3 =	vor.u32 v3, v4  }
0x657: {  	v4 =	vperm.xlane v3, v0;
	_ =	sdelay $0x1  }
0x658: {  	v4 =	vadd.s32 v1, v4;
	_ =	sdelay $0x1  }
0x659: {  	v3 =	vperm.xlane v3, v2;
	_ =	sdelay $0x1  }
0x65a: {  	s9 =	simm.s32 $0xE680;
	v3 =	vadd.s32 v1, v3  }
0x65b: {  	[tilespmem:s9], [sflag:$0x2] =	stream.indirect_vreg.gather [hbm4b:s1+s3], $0x80, v4, vm0, $0xb8;
	[tilespmem:$0x1E680] =	vst v63  }
0x65c: {  	s10 =	simm.s32 $0xEE80  }
0x65d: {  	[tilespmem:s10], [sflag:$0x2] =	stream.indirect_vreg.gather [hbm4b:s4+s3], $0x80, v4, vm0, $0xb8;
	[tilespmem:$0x1E680] =	vst v63  }
0x65e: {  	s11 =	simm.s32 $0xF680  }
0x65f: {  	[tilespmem:s11], [sflag:$0x2] =	stream.indirect_vreg.gather [hbm4b:s1+s3], $0x80, v3, vm0, $0xb8;
	[tilespmem:$0x1E680] =	vst v63  }
0x660: {  	s12 =	simm.s32 $0xFE80  }
0x661: {  	[tilespmem:s12], [sflag:$0x2] =	stream.indirect_vreg.gather [hbm4b:s4+s3], $0x80, v3, vm0, $0xb8;
	[tilespmem:$0x1E680] =	vst v63  }
0x662: {  	v3 =	vld [tilespmem:$0x620];
	_ =	sdelay $0x4  }
0x663: {  	v62 =	vshll.u32 v3, $0x2  }
0x664: {  	v3 =	vand.u32 $0x7, v3;
	v4 =	vand.u32 $0xFFFFFFE0, v62  }
0x665: {  	v3 =	vor.u32 v3, v4  }
0x666: {  	v4 =	vperm.xlane v3, v0;
	_ =	sdelay $0x1  }
0x667: {  	v4 =	vadd.s32 v1, v4;
	_ =	sdelay $0x1  }
0x668: {  	v3 =	vperm.xlane v3, v2;
	_ =	sdelay $0x1  }
0x669: {  	s13 =	simm.s32 $0x10680;
	v3 =	vadd.s32 v1, v3  }
0x66a: {  	[tilespmem:s13], [sflag:$0x2] =	stream.indirect_vreg.gather [hbm4b:s1+s3], $0x80, v4, vm0, $0xb8;
	[tilespmem:$0x1E680] =	vst v63  }
0x66b: {  	s14 =	simm.s32 $0x10E80  }
0x66c: {  	[tilespmem:s14], [sflag:$0x2] =	stream.indirect_vreg.gather [hbm4b:s4+s3], $0x80, v4, vm0, $0xb8;
	[tilespmem:$0x1E680] =	vst v63  }
0x66d: {  	s15 =	simm.s32 $0x11680  }
0x66e: {  	[tilespmem:s15], [sflag:$0x2] =	stream.indirect_vreg.gather [hbm4b:s1+s3], $0x80, v3, vm0, $0xb8;
	[tilespmem:$0x1E680] =	vst v63  }
0x66f: {  	s16 =	simm.s32 $0x11E80  }
0x670: {  	[tilespmem:s16], [sflag:$0x2] =	stream.indirect_vreg.gather [hbm4b:s4+s3], $0x80, v3, vm0, $0xb8;
	[tilespmem:$0x1E680] =	vst v63  }
0x671: {  	v3 =	vld [tilespmem:$0x630];
	_ =	sdelay $0x4  }
0x672: {  	v63 =	vshll.u32 v3, $0x2  }
0x673: {  	v3 =	vand.u32 $0x7, v3;
	v4 =	vand.u32 $0xFFFFFFE0, v63  }
0x674: {  	v3 =	vor.u32 v3, v4  }
0x675: {  	v4 =	vperm.xlane v3, v0;
	_ =	sdelay $0x1  }
0x676: {  	v4 =	vadd.s32 v1, v4;
	_ =	sdelay $0x1  }
0x677: {  	v3 =	vperm.xlane v3, v2;
	_ =	sdelay $0x1  }
0x678: {  	s18 =	simm.s32 $0x12680;
	v3 =	vadd.s32 v1, v3  }
0x679: {  	[tilespmem:s18], [sflag:$0x2] =	stream.indirect_vreg.gather [hbm4b:s1+s3], $0x80, v4, vm0, $0xb8;
	[tilespmem:$0x1E680] =	vst v63  }
0x67a: {  	s19 =	simm.s32 $0x12E80  }
0x67b: {  	[tilespmem:s19], [sflag:$0x2] =	stream.indirect_vreg.gather [hbm4b:s4+s3], $0x80, v4, vm0, $0xb8;
	[tilespmem:$0x1E680] =	vst v63  }
0x67c: {  	s20 =	simm.s32 $0x13680  }
0x67d: {  	[tilespmem:s20], [sflag:$0x2] =	stream.indirect_vreg.gather [hbm4b:s1+s3], $0x80, v3, vm0, $0xb8;
	[tilespmem:$0x1E680] =	vst v63  }
0x67e: {  	s21 =	simm.s32 $0x13E80  }
0x67f: {  	[tilespmem:s21], [sflag:$0x2] =	stream.indirect_vreg.gather [hbm4b:s4+s3], $0x80, v3, vm0, $0xb8;
	[tilespmem:$0x1E680] =	vst v63  }
0x680: {  	s0 =	rddreg [dreg:$0x1b];
	_ =	swait.ge [sflag:s30], $0xA000  }
0x681: {  	[sflag:s30] =	ssyncset.done $0x0  }
0x682: {  	s17 =	simm.s32 $0x14680;
	s22 =	rddreg [dreg:$0x18];
	[sflag:s30] =	ssyncadd.s32 $0xFFFF6000  }
0x683: {  	[hbm4b:s22+s3] =	stream.linear.scatter [tilespmem:s17], [sflag:$0x6], $0xA000, $0x38;
	[tilespmem:$0x1E680] =	vst v63  }
0x684: {  	_ =	swait.ge [sflag:s23], $0xA000  }
0x685: {  	[sflag:s23] =	ssyncset.done $0x0  }
0x686: {  	s5 =	simm.s32 $0x680;
	s28 =	rddreg [dreg:$0x19];
	[sflag:s23] =	ssyncadd.s32 $0xFFFF6000  }
0x687: {  	[hbm4b:s28+s3] =	stream.linear.scatter [tilespmem:s5], [sflag:$0x4], $0xA000, $0x38;
	[tilespmem:$0x1E680] =	vst v63  }
0x688: {  	_ =	swait.ge [sflag:s25], $0xA000  }
0x689: {  	[sflag:s25] =	ssyncset.done $0x0  }
0x68a: {  	s7 =	simm.s32 $0xA680;
	s29 =	rddreg [dreg:$0x1a];
	[sflag:s25] =	ssyncadd.s32 $0xFFFF6000  }
0x68b: {  	[hbm4b:s29+s3] =	stream.linear.scatter [tilespmem:s7], [sflag:$0x5], $0xA000, $0x38;
	[tilespmem:$0x1E680] =	vst v63  }
0x68c: {  	_ =	swait.ge [sflag:s24], $0xA000  }
0x68d: {  	[sflag:s24] =	ssyncset.done $0x0  }
0x68e: {  	[sflag:s24] =	ssyncadd.s32 $0xFFFF6000  }
0x68f: {  	p0 =	sne.s32 s0, $0x1;
	_ =	swait.ge [sflag:s26], $0xA000  }
.Ltmp0:
0x690: {  	[sflag:s26] =	ssyncset.done $0x0;
	(pc) =	sbr.rel @p0 .LBB2_1-.Ltmp0, $4  }
0x691: {  	[sflag:s26] =	ssyncadd.s32 $0xFFFF6000  }
0x692: {  	_ =	swait.ge [sflag:s2], $0xA000  }
0x693: {  	[sflag:s2] =	ssyncset.done $0x0  }
0x694: {  	s0 =	sadd.s32 $0xFFFFFFFF, s0;
	[sflag:s2] =	ssyncadd.s32 $0xFFFF6000  }
0x695: {  	_ =	sfence.sel $0x180000  }
0x696: {  	[bflag:$0x0] =	sbarrier.arrive $0xFFFF  }
0x697: {  	_ =	strace $0x90000047  }
0x698: {  	s0 =	stileid.u32;
	[bflag:$0x2] =	sbarrier.arrive $0xFFFF  }
0x699: {  	p0 =	sne.s32 s0, $0x0;
	s0 =	rddreg [dreg:$0x3]  }
0x69a: {  	s0 =	sadd.s32 @!p0 $0x100000, s0  }
0x69b: {  	[sflag:s0] =	ssyncadd.tile.s32 @!p0 $0x1;
	_ =	shalt  }
.Lfunc_end2:
_tile_overlayer_lowered:
.L_overlay_start_2:
0x69c: {  	(tag) =	ssettag $0x2  }
0x69d: {  	s0 =	rddreg [dreg:$0x0];
	s2 =	stileid.u32  }
0x69e: {  	s1 =	rddreg [dreg:$0x1];
	p0 =	sne.s32 s2, $0x0  }
0x69f: {  	s3 =	rddreg [dreg:$0x2];
	[bflag:$0x3] =	sbarrier.arrive $0xFFFF;
	s2 =	simm.s32 @!p0 $0x1C07  }
0x6a0: {  	[timem:s3], [sflag:s2] =	dma.local @!p0 [hbm:s0], s1  }
0x6a1: {  	s0 =	simm.s32 @!p0 $0x7  }
0x6a2: {  	_ =	swait.ge @!p0 [sflag:s0], s1  }
0x6a3: {  	s1 =	ssub.s32 @!p0 $0x0, s1;
	[sflag:s0] =	ssyncset.done @!p0 $0x0  }
0x6a4: {  	[sflag:s0] =	ssyncadd.s32 @!p0 s1  }
0x6a5: {  	[bflag:$0x3] =	sbarrier.arrive $0xFFFF  }
0x6a6: {  	_ =	shalt  }

</sc_bundles>
